<compile_context>
chip_gen: v7x
topology: tpu7x:2x2x1
jax: 0.10.2.dev20260603
libtpu: 0.0.44.dev20260713+nightly
codegen_flags: <defaults>
</compile_context>

<pallas_src>
import functools

import jax
import jax.numpy as jnp
from jax import lax
from jax.experimental import pallas as pl
from jax.experimental.pallas import tpu as pltpu
from jax.experimental.pallas import tpu_sc as plsc

N = 10000
E = 320000
D_IN = 128
D_HID = 16
D_OUT = 40

NC = 2
NS = 16
NW = NC * NS
BATCH = 1000
G = E // BATCH
MS = G // NW

N_PAD = 10240
RPT = N_PAD // NS
RING = 4
DEG_W = 10

assert E == NW * MS * BATCH
assert N_PAD % (NS * 8) == 0 and N_PAD >= N

_MESH = plsc.VectorSubcoreMesh(
    core_axis_name="c", subcore_axis_name="s", num_cores=NC, num_subcores=NS
)
_SC_PARAMS = pltpu.CompilerParams(use_tc_tiling_on_sc=False)


def _nrsqrt(x):
    xi = lax.bitcast_convert_type(x, jnp.int32)
    yi = jnp.int32(0x5F3759DF) - lax.shift_right_logical(xi, 1)
    y = lax.bitcast_convert_type(yi, jnp.float32)
    for _ in range(3):
        y = y * (1.5 - 0.5 * x * y * y)
    return y


def _mp_loop(table, sidx, didx, rows, acc_sh, gsem, ssem):
    for p in range(RING - 1):
        pltpu.async_copy(table.at[sidx.at[p]], rows.at[p], gsem)

    def body(j, carry):
        pltpu.make_async_copy(table.at[sidx.at[j]], rows.at[j % RING],
                              gsem).wait()

        @pl.when(j >= 1)
        def _():
            pltpu.make_async_copy(rows.at[(j - 1) % RING],
                                  acc_sh.at[didx.at[j - 1]], ssem).wait()

        @pl.when(j + RING - 1 < MS)
        def _():
            pltpu.async_copy(table.at[sidx.at[j + RING - 1]],
                             rows.at[(j + RING - 1) % RING], gsem)

        pltpu.async_copy(rows.at[j % RING], acc_sh.at[didx.at[j]], ssem,
                         add=True)
        return carry

    lax.fori_loop(0, MS, body, 0)
    pltpu.make_async_copy(rows.at[(MS - 1) % RING],
                          acc_sh.at[didx.at[MS - 1]], ssem).wait()


@functools.partial(
    pl.kernel,
    out_type=jax.ShapeDtypeStruct((NC, 2, N_PAD), jnp.float32),
    mesh=_MESH,
    compiler_params=_SC_PARAMS,
    scratch_types=[
        pltpu.VMEM((MS, BATCH), jnp.int32),
        pltpu.VMEM((MS, BATCH), jnp.int32),
        pltpu.VMEM((BATCH,), jnp.float32),
        pltpu.VMEM_SHARED((N_PAD,), jnp.float32),
        pltpu.VMEM_SHARED((N_PAD,), jnp.float32),
        pltpu.SemaphoreType.DMA,
        pltpu.SemaphoreType.DMA,
    ],
)
def _deg_kernel(src_hbm, dst_hbm, zeros_hbm, ones_hbm, out_hbm,
                sidx, didx, ones_v, dsrc_sh, ddst_sh, sema, semb):
    c = lax.axis_index("c")
    s = lax.axis_index("s")
    wid = c * NS + s
    z0 = s * RPT

    c1 = pltpu.async_copy(src_hbm.at[pl.ds(wid * MS, MS)], sidx, sema)
    c2 = pltpu.async_copy(dst_hbm.at[pl.ds(wid * MS, MS)], didx, sema)
    c3 = pltpu.async_copy(ones_hbm, ones_v, sema)
    c4 = pltpu.async_copy(zeros_hbm.at[pl.ds(z0, RPT)],
                          dsrc_sh.at[pl.ds(z0, RPT)], semb)
    c5 = pltpu.async_copy(zeros_hbm.at[pl.ds(z0, RPT)],
                          ddst_sh.at[pl.ds(z0, RPT)], semb)
    c1.wait(); c2.wait(); c3.wait(); c4.wait(); c5.wait()
    plsc.subcore_barrier()

    def body(j, carry):
        @pl.when(j >= DEG_W)
        def _():
            pltpu.make_async_copy(ones_v, dsrc_sh.at[sidx.at[j - DEG_W]],
                                  sema).wait()
            pltpu.make_async_copy(ones_v, ddst_sh.at[didx.at[j - DEG_W]],
                                  semb).wait()
        pltpu.async_copy(ones_v, dsrc_sh.at[sidx.at[j]], sema, add=True)
        pltpu.async_copy(ones_v, ddst_sh.at[didx.at[j]], semb, add=True)
        return carry

    lax.fori_loop(0, MS, body, 0)

    def drain(j, carry):
        pltpu.make_async_copy(ones_v, dsrc_sh.at[sidx.at[j]], sema).wait()
        pltpu.make_async_copy(ones_v, ddst_sh.at[didx.at[j]], semb).wait()
        return carry

    lax.fori_loop(MS - DEG_W, MS, drain, 0)
    plsc.subcore_barrier()

    w1 = pltpu.async_copy(dsrc_sh.at[pl.ds(z0, RPT)],
                          out_hbm.at[c, 0, pl.ds(z0, RPT)], sema)
    w2 = pltpu.async_copy(ddst_sh.at[pl.ds(z0, RPT)],
                          out_hbm.at[c, 1, pl.ds(z0, RPT)], semb)
    w1.wait(); w2.wait()


@functools.partial(
    pl.kernel,
    out_type=jax.ShapeDtypeStruct((NC, N_PAD, D_HID), jnp.float32),
    mesh=_MESH,
    compiler_params=_SC_PARAMS,
    scratch_types=[
        pltpu.VMEM((MS, BATCH), jnp.int32),
        pltpu.VMEM((MS, BATCH), jnp.int32),
        pltpu.VMEM((RING, BATCH, D_HID), jnp.float32),
        pltpu.VMEM_SHARED((N_PAD, D_HID), jnp.float32),
        pltpu.SemaphoreType.DMA,
        pltpu.SemaphoreType.DMA,
    ],
)
def _msgpass_kernel(h_hbm, src_hbm, dst_hbm, zeros_hbm, out_hbm,
                    sidx, didx, rows, acc_sh, gsem, ssem):
    c = lax.axis_index("c")
    s = lax.axis_index("s")
    wid = c * NS + s
    z0 = s * RPT

    c1 = pltpu.async_copy(src_hbm.at[pl.ds(wid * MS, MS)], sidx, gsem)
    c2 = pltpu.async_copy(dst_hbm.at[pl.ds(wid * MS, MS)], didx, gsem)
    c3 = pltpu.async_copy(zeros_hbm.at[pl.ds(z0, RPT)],
                          acc_sh.at[pl.ds(z0, RPT)], ssem)
    c1.wait(); c2.wait(); c3.wait()
    plsc.subcore_barrier()

    _mp_loop(h_hbm, sidx, didx, rows, acc_sh, gsem, ssem)
    plsc.subcore_barrier()

    pltpu.sync_copy(acc_sh.at[pl.ds(z0, RPT)], out_hbm.at[c, pl.ds(z0, RPT)])


@functools.partial(
    pl.kernel,
    out_type=(
        jax.ShapeDtypeStruct((NC, N_PAD, D_HID), jnp.float32),
        jax.ShapeDtypeStruct((NC, N_PAD, D_HID), jnp.float32),
    ),
    mesh=_MESH,
    compiler_params=_SC_PARAMS,
    scratch_types=[
        pltpu.VMEM((MS, BATCH), jnp.int32),
        pltpu.VMEM((MS, BATCH), jnp.int32),
        pltpu.VMEM((RPT, D_HID), jnp.float32),
        pltpu.VMEM((RPT, D_HID), jnp.float32),
        pltpu.VMEM((RPT,), jnp.float32),
        pltpu.VMEM((RPT,), jnp.float32),
        pltpu.VMEM((RPT,), jnp.float32),
        pltpu.VMEM((RPT,), jnp.float32),
        pltpu.VMEM((D_HID,), jnp.float32),
        pltpu.VMEM((RING, BATCH, D_HID), jnp.float32),
        pltpu.VMEM_SHARED((N_PAD, D_HID), jnp.float32),
        pltpu.SemaphoreType.DMA,
        pltpu.SemaphoreType.DMA,
    ],
)
def _sc_b(acc1_hbm, deg_hbm, b1_hbm, src_hbm, dst_hbm, zeros2_hbm,
          h2_hbm, acc_hbm,
          sidx, didx, a0buf, a1buf, o0buf, o1buf, i0buf, i1buf, b1buf, rows,
          acc_sh, gsem, ssem):
    c = lax.axis_index("c")
    s = lax.axis_index("s")
    wid = c * NS + s
    z0 = s * RPT

    cps = [
        pltpu.async_copy(src_hbm.at[pl.ds(wid * MS, MS)], sidx, gsem),
        pltpu.async_copy(dst_hbm.at[pl.ds(wid * MS, MS)], didx, gsem),
        pltpu.async_copy(acc1_hbm.at[0, pl.ds(z0, RPT)], a0buf, gsem),
        pltpu.async_copy(acc1_hbm.at[1, pl.ds(z0, RPT)], a1buf, gsem),
        pltpu.async_copy(deg_hbm.at[0, 0, pl.ds(z0, RPT)], o0buf, gsem),
        pltpu.async_copy(deg_hbm.at[1, 0, pl.ds(z0, RPT)], o1buf, gsem),
        pltpu.async_copy(deg_hbm.at[0, 1, pl.ds(z0, RPT)], i0buf, gsem),
        pltpu.async_copy(deg_hbm.at[1, 1, pl.ds(z0, RPT)], i1buf, gsem),
        pltpu.async_copy(b1_hbm, b1buf, gsem),
        pltpu.async_copy(zeros2_hbm.at[pl.ds(z0, RPT)],
                         acc_sh.at[pl.ds(z0, RPT)], ssem),
    ]
    for cp in cps:
        cp.wait()

    b1v = b1buf[...]

    def h2_group(g, carry):
        r0 = g * D_HID
        ndv = _nrsqrt(jnp.maximum(i0buf[pl.ds(r0, D_HID)]
                                  + i1buf[pl.ds(r0, D_HID)], 1.0))
        nsv = _nrsqrt(jnp.maximum(o0buf[pl.ds(r0, D_HID)]
                                  + o1buf[pl.ds(r0, D_HID)], 1.0))
        for k in range(D_HID):
            agg = a0buf[r0 + k, :] + a1buf[r0 + k, :]
            a0buf[r0 + k, :] = jnp.maximum(agg * ndv[k] + b1v, 0.0) * nsv[k]
        return carry

    lax.fori_loop(0, RPT // D_HID, h2_group, 0)
    pltpu.sync_copy(a0buf, h2_hbm.at[c, pl.ds(z0, RPT)])
    plsc.subcore_barrier()

    _mp_loop(h2_hbm.at[c], sidx, didx, rows, acc_sh, gsem, ssem)
    plsc.subcore_barrier()

    pltpu.sync_copy(acc_sh.at[pl.ds(z0, RPT)], acc_hbm.at[c, pl.ds(z0, RPT)])


def _d1_body(feat_ref, deg_ref, w1_ref, out_ref):
    odeg = deg_ref[0, 0] + deg_ref[1, 0]
    nsrc = lax.rsqrt(jnp.maximum(odeg[:N], 1.0))
    h = feat_ref[...] * nsrc[:, None]
    out_ref[:N] = jnp.dot(h, w1_ref[...], preferred_element_type=jnp.float32)
    out_ref[N:] = jnp.zeros((N_PAD - N, D_HID), jnp.float32)


def _d3_body(accp_ref, deg_ref, w2_ref, b2_ref, out_ref):
    agg = accp_ref[0, :N] + accp_ref[1, :N]
    ideg = deg_ref[0, 1, :N] + deg_ref[1, 1, :N]
    ndst = lax.rsqrt(jnp.maximum(ideg, 1.0))[:, None]
    mm = jnp.dot(agg, w2_ref[...], preferred_element_type=jnp.float32)
    out_ref[...] = mm * ndst + b2_ref[...]


_dense1 = pl.pallas_call(
    _d1_body, out_shape=jax.ShapeDtypeStruct((N_PAD, D_HID), jnp.float32))
_dense3 = pl.pallas_call(
    _d3_body, out_shape=jax.ShapeDtypeStruct((N, D_OUT), jnp.float32))


def kernel(features, edge_index, W1, b1, W2, b2):
    src = edge_index[0].reshape(G, BATCH)
    dst = edge_index[1].reshape(G, BATCH)
    zeros1 = jnp.zeros((N_PAD,), jnp.float32)
    zeros2 = jnp.zeros((N_PAD, D_HID), jnp.float32)
    ones_b = jnp.ones((BATCH,), jnp.float32)

    degp = _deg_kernel(src, dst, zeros1, ones_b)
    h1 = _dense1(features, degp, W1)
    acc1 = _msgpass_kernel(h1, src, dst, zeros2)
    _h2, acc2 = _sc_b(acc1, degp, b1, src, dst, zeros2)
    return _dense3(acc2, degp, W2, b2)

# --- scband reference (transcript-rebuilt; emitter-appended) ---
"""Pipeline reference for scband-gcn-net-27977416966299 (READ-ONLY COPY).

The authoritative reference and input builder live on the scoring server;
editing this copy changes nothing except your own understanding.
"""

import jax, jax.numpy as jnp
import numpy as np

N = 10000
E = 320000
D_IN = 128
D_HID = 16
D_OUT = 40


def setup_inputs(seed: int = 0) -> dict:
    key = jax.random.key(seed)
    k1, k2, k3, k4 = jax.random.split(key, 4)
    features = jax.random.normal(k1, (N, D_IN), dtype=jnp.float32)
    edge_index = jax.random.randint(k2, (2, E), 0, N, dtype=jnp.int32)
    # GraphConv layer 1: in=128, out=16 (xavier-uniform-like init)
    lim1 = float(np.sqrt(6.0 / (D_IN + D_HID)))
    W1 = jax.random.uniform(k3, (D_IN, D_HID), dtype=jnp.float32, minval=-lim1, maxval=lim1)
    b1 = jnp.zeros((D_HID,), dtype=jnp.float32)
    # GraphConv layer 2: in=16, out=40
    lim2 = float(np.sqrt(6.0 / (D_HID + D_OUT)))
    W2 = jax.random.uniform(k4, (D_HID, D_OUT), dtype=jnp.float32, minval=-lim2, maxval=lim2)
    b2 = jnp.zeros((D_OUT,), dtype=jnp.float32)
    return {"features": features, "edge_index": edge_index, "W1": W1, "b1": b1, "W2": W2, "b2": b2}


def _graph_conv(x, src, dst, W, b, mult_first):
    # DGL GraphConv with norm='both':
    #   h = D_dst^{-1/2} * A^T * (D_src^{-1/2} * x) * W + b
    ones = jnp.ones((src.shape[0],), dtype=jnp.float32)
    out_deg = jax.ops.segment_sum(ones, src, num_segments=N)
    in_deg = jax.ops.segment_sum(ones, dst, num_segments=N)
    norm_src = jax.lax.rsqrt(jnp.clip(out_deg, 1.0))
    norm_dst = jax.lax.rsqrt(jnp.clip(in_deg, 1.0))
    h = x * norm_src[:, None]
    if mult_first:
        h = h @ W  # in_feats > out_feats: project before aggregation
    msg = jnp.take(h, src, axis=0)
    agg = jax.ops.segment_sum(msg, dst, num_segments=N)
    if not mult_first:
        agg = agg @ W  # in_feats <= out_feats: aggregate then project
    return agg * norm_dst[:, None] + b


def reference(features, edge_index, W1, b1, W2, b2):
    src = edge_index[0]
    dst = edge_index[1]
    # layer 1 (GraphConv with activation=F.relu), then F.relu again in forward
    h = _graph_conv(features, src, dst, W1, b1, mult_first=True)
    h = jnp.maximum(h, 0.0)  # GraphConv internal activation
    h = jnp.maximum(h, 0.0)  # F.relu in Gcn_Net.forward
    # layer 2 (no activation); dropout defined but unused in forward
    out = _graph_conv(h, src, dst, W2, b2, mult_first=False)
    return out

if __name__ == "__main__":
    import jax
    _d = setup_inputs()
    print(jax.jit(kernel)(*tuple(_d.values())))

</pallas_src>

<mosaic_0001>
#map = affine_map<(d0, d1) -> (0, 0)>
#map1 = affine_map<(d0, d1) -> (0, 0, 0)>
module attributes {stable_mosaic.version = 14 : i64} {
  func.func @_msgpass_kernel(%arg0: i32, %arg1: i32, %arg2: memref<10240x16xf32, #tpu.memory_space<hbm>>, %arg3: memref<320x1000xi32, #tpu.memory_space<hbm>>, %arg4: memref<320x1000xi32, #tpu.memory_space<hbm>>, %arg5: memref<10240x16xf32, #tpu.memory_space<hbm>>, %arg6: memref<2x10240x16xf32, #tpu.memory_space<hbm>>, %arg7: memref<10x1000xi32, #tpu.memory_space<vmem>>, %arg8: memref<10x1000xi32, #tpu.memory_space<vmem>>, %arg9: memref<4x1000x16xf32, #tpu.memory_space<vmem>>, %arg10: memref<10240x16xf32, #tpu.memory_space<vmem_shared>>, %arg11: memref<!tpu.dma_semaphore, #tpu.memory_space<semaphore_mem>>, %arg12: memref<!tpu.dma_semaphore, #tpu.memory_space<semaphore_mem>>) attributes {dimension_semantics = [#tpu.dimension_semantics<core_parallel>, #tpu.dimension_semantics<subcore_parallel>], iteration_bounds = array<i64: 2, 16>, scalar_prefetch = 0 : i64, scratch_operands = 6 : i64, tpu.core_type = #tpu.core_type<sc_vector_subcore>, window_params = [{transform_indices = #map}, {transform_indices = #map}, {transform_indices = #map}, {transform_indices = #map}, {transform_indices = #map1}]} {
    %mul3A = arith.constant 16 : i32
    %mul3A_0 = arith.muli %arg0, %mul3A : i32
    %add3A = arith.addi %mul3A_0, %arg1 : i32
    %mul3A_1 = arith.constant 640 : i32
    %mul3A_2 = arith.muli %arg1, %mul3A_1 : i32
    %mul3A_3 = arith.constant 10 : i32
    %mul3A_4 = arith.muli %add3A, %mul3A_3 : i32
    %dma_start3A = arith.constant 0 : i32
    %dma_start3A_5 = tpu.memref_slice %arg3[%mul3A_4, %dma_start3A] : memref<320x1000xi32, #tpu.memory_space<hbm>> -> memref<10x1000xi32, #tpu.memory_space<hbm>>
    %dma_start3A_6 = arith.constant 0 : i32
    %dma_start3A_7 = tpu.memref_slice %arg3[%mul3A_4, %dma_start3A_6] : memref<320x1000xi32, #tpu.memory_space<hbm>> -> memref<10x1000xi32, #tpu.memory_space<hbm>>
    tpu.enqueue_dma source(%dma_start3A_7 : memref<10x1000xi32, #tpu.memory_space<hbm>>) target(%arg7 : memref<10x1000xi32, #tpu.memory_space<vmem>>) target_semaphore(%arg11 : memref<!tpu.dma_semaphore, #tpu.memory_space<semaphore_mem>>)
    %mul3A_8 = arith.constant 10 : i32
    %mul3A_9 = arith.muli %add3A, %mul3A_8 : i32
    %dma_start3A_10 = arith.constant 0 : i32
    %dma_start3A_11 = tpu.memref_slice %arg4[%mul3A_9, %dma_start3A_10] : memref<320x1000xi32, #tpu.memory_space<hbm>> -> memref<10x1000xi32, #tpu.memory_space<hbm>>
    %dma_start3A_12 = arith.constant 0 : i32
    %dma_start3A_13 = tpu.memref_slice %arg4[%mul3A_9, %dma_start3A_12] : memref<320x1000xi32, #tpu.memory_space<hbm>> -> memref<10x1000xi32, #tpu.memory_space<hbm>>
    tpu.enqueue_dma source(%dma_start3A_13 : memref<10x1000xi32, #tpu.memory_space<hbm>>) target(%arg8 : memref<10x1000xi32, #tpu.memory_space<vmem>>) target_semaphore(%arg11 : memref<!tpu.dma_semaphore, #tpu.memory_space<semaphore_mem>>)
    %dma_start3A_14 = arith.constant 0 : i32
    %dma_start3A_15 = tpu.memref_slice %arg10[%mul3A_2, %dma_start3A_14] : memref<10240x16xf32, #tpu.memory_space<vmem_shared>> -> memref<640x16xf32, #tpu.memory_space<vmem_shared>>
    %dma_start3A_16 = arith.constant 0 : i32
    %dma_start3A_17 = tpu.memref_slice %arg5[%mul3A_2, %dma_start3A_16] : memref<10240x16xf32, #tpu.memory_space<hbm>> -> memref<640x16xf32, #tpu.memory_space<hbm>>
    tpu.enqueue_dma source(%dma_start3A_17 : memref<640x16xf32, #tpu.memory_space<hbm>>) target(%dma_start3A_15 : memref<640x16xf32, #tpu.memory_space<vmem_shared>>) target_semaphore(%arg12 : memref<!tpu.dma_semaphore, #tpu.memory_space<semaphore_mem>>)
    %dma_wait3A = arith.constant 0 : i32
    %dma_wait3A_18 = tpu.memref_slice %arg3[%mul3A_4, %dma_wait3A] : memref<320x1000xi32, #tpu.memory_space<hbm>> -> memref<10x1000xi32, #tpu.memory_space<hbm>>
    %dma_wait3A_19 = arith.constant 0 : i32
    %dma_wait3A_20 = tpu.memref_slice %arg3[%mul3A_4, %dma_wait3A_19] : memref<320x1000xi32, #tpu.memory_space<hbm>> -> memref<10x1000xi32, #tpu.memory_space<hbm>>
    tpu.wait_dma2 semaphore(%arg11 : memref<!tpu.dma_semaphore, #tpu.memory_space<semaphore_mem>>) src(%dma_wait3A_20 : memref<10x1000xi32, #tpu.memory_space<hbm>>) dst(%arg7 : memref<10x1000xi32, #tpu.memory_space<vmem>>)
    %dma_wait3A_21 = arith.constant 0 : i32
    %dma_wait3A_22 = tpu.memref_slice %arg4[%mul3A_9, %dma_wait3A_21] : memref<320x1000xi32, #tpu.memory_space<hbm>> -> memref<10x1000xi32, #tpu.memory_space<hbm>>
    %dma_wait3A_23 = arith.constant 0 : i32
    %dma_wait3A_24 = tpu.memref_slice %arg4[%mul3A_9, %dma_wait3A_23] : memref<320x1000xi32, #tpu.memory_space<hbm>> -> memref<10x1000xi32, #tpu.memory_space<hbm>>
    tpu.wait_dma2 semaphore(%arg11 : memref<!tpu.dma_semaphore, #tpu.memory_space<semaphore_mem>>) src(%dma_wait3A_24 : memref<10x1000xi32, #tpu.memory_space<hbm>>) dst(%arg8 : memref<10x1000xi32, #tpu.memory_space<vmem>>)
    %dma_wait3A_25 = arith.constant 0 : i32
    %dma_wait3A_26 = tpu.memref_slice %arg10[%mul3A_2, %dma_wait3A_25] : memref<10240x16xf32, #tpu.memory_space<vmem_shared>> -> memref<640x16xf32, #tpu.memory_space<vmem_shared>>
    %dma_wait3A_27 = arith.constant 0 : i32
    %dma_wait3A_28 = tpu.memref_slice %arg5[%mul3A_2, %dma_wait3A_27] : memref<10240x16xf32, #tpu.memory_space<hbm>> -> memref<640x16xf32, #tpu.memory_space<hbm>>
    tpu.wait_dma2 semaphore(%arg12 : memref<!tpu.dma_semaphore, #tpu.memory_space<semaphore_mem>>) src(%dma_wait3A_28 : memref<640x16xf32, #tpu.memory_space<hbm>>) dst(%dma_wait3A_26 : memref<640x16xf32, #tpu.memory_space<vmem_shared>>)
    %barrier3A = arith.constant 0 : index
    tpu.barrier barrier_id(%barrier3A)
    %dma_start3A_29 = arith.constant 0 : i32
    %dma_start3A_30 = arith.constant 0 : i32
    %dma_start3A_31 = arith.constant 0 : i32
    %dma_start3A_32 = arith.constant 0 : i32
    %dma_start3A_33 = tpu.memref_slice %arg9[%dma_start3A_30, %dma_start3A_31, %dma_start3A_32] : memref<4x1000x16xf32, #tpu.memory_space<vmem>> -> memref<1x1000x16xf32, #tpu.memory_space<vmem>>
    %dma_start3A_34 = tpu.memref_squeeze %dma_start3A_33 : memref<1x1000x16xf32, #tpu.memory_space<vmem>> -> memref<1000x16xf32, #tpu.memory_space<vmem>>
    %dma_start3A_35 = arith.constant 0 : i32
    %dma_start3A_36 = tpu.memref_slice %arg7[%dma_start3A_29, %dma_start3A_35] : memref<10x1000xi32, #tpu.memory_space<vmem>> -> memref<1x1000xi32, #tpu.memory_space<vmem>>
    %dma_start3A_37 = tpu.memref_squeeze %dma_start3A_36 : memref<1x1000xi32, #tpu.memory_space<vmem>> -> memref<1000xi32, #tpu.memory_space<vmem>>
    %dma_start3A_38 = arith.constant 0 : i32
    %dma_start3A_39 = arith.constant 0 : i32
    %dma_start3A_40 = tpu.memref_slice %arg2[%dma_start3A_38, %dma_start3A_39] : memref<10240x16xf32, #tpu.memory_space<hbm>> -> memref<10240x16xf32, #tpu.memory_space<hbm>>
    tpu.enqueue_indirect_dma source(%dma_start3A_40 : memref<10240x16xf32, #tpu.memory_space<hbm>>) target(%dma_start3A_34 : memref<1000x16xf32, #tpu.memory_space<vmem>>) offsets(%dma_start3A_37 : memref<1000xi32, #tpu.memory_space<vmem>>) semaphore(%arg11 : memref<!tpu.dma_semaphore, #tpu.memory_space<semaphore_mem>>)
    %dma_start3A_41 = arith.constant 1 : i32
    %dma_start3A_42 = arith.constant 1 : i32
    %dma_start3A_43 = arith.constant 0 : i32
    %dma_start3A_44 = arith.constant 0 : i32
    %dma_start3A_45 = tpu.memref_slice %arg9[%dma_start3A_42, %dma_start3A_43, %dma_start3A_44] : memref<4x1000x16xf32, #tpu.memory_space<vmem>> -> memref<1x1000x16xf32, #tpu.memory_space<vmem>>
    %dma_start3A_46 = tpu.memref_squeeze %dma_start3A_45 : memref<1x1000x16xf32, #tpu.memory_space<vmem>> -> memref<1000x16xf32, #tpu.memory_space<vmem>>
    %dma_start3A_47 = arith.constant 0 : i32
    %dma_start3A_48 = tpu.memref_slice %arg7[%dma_start3A_41, %dma_start3A_47] : memref<10x1000xi32, #tpu.memory_space<vmem>> -> memref<1x1000xi32, #tpu.memory_space<vmem>>
    %dma_start3A_49 = tpu.memref_squeeze %dma_start3A_48 : memref<1x1000xi32, #tpu.memory_space<vmem>> -> memref<1000xi32, #tpu.memory_space<vmem>>
    %dma_start3A_50 = arith.constant 0 : i32
    %dma_start3A_51 = arith.constant 0 : i32
    %dma_start3A_52 = tpu.memref_slice %arg2[%dma_start3A_50, %dma_start3A_51] : memref<10240x16xf32, #tpu.memory_space<hbm>> -> memref<10240x16xf32, #tpu.memory_space<hbm>>
    tpu.enqueue_indirect_dma source(%dma_start3A_52 : memref<10240x16xf32, #tpu.memory_space<hbm>>) target(%dma_start3A_46 : memref<1000x16xf32, #tpu.memory_space<vmem>>) offsets(%dma_start3A_49 : memref<1000xi32, #tpu.memory_space<vmem>>) semaphore(%arg11 : memref<!tpu.dma_semaphore, #tpu.memory_space<semaphore_mem>>)
    %dma_start3A_53 = arith.constant 2 : i32
    %dma_start3A_54 = arith.constant 2 : i32
    %dma_start3A_55 = arith.constant 0 : i32
    %dma_start3A_56 = arith.constant 0 : i32
    %dma_start3A_57 = tpu.memref_slice %arg9[%dma_start3A_54, %dma_start3A_55, %dma_start3A_56] : memref<4x1000x16xf32, #tpu.memory_space<vmem>> -> memref<1x1000x16xf32, #tpu.memory_space<vmem>>
    %dma_start3A_58 = tpu.memref_squeeze %dma_start3A_57 : memref<1x1000x16xf32, #tpu.memory_space<vmem>> -> memref<1000x16xf32, #tpu.memory_space<vmem>>
    %dma_start3A_59 = arith.constant 0 : i32
    %dma_start3A_60 = tpu.memref_slice %arg7[%dma_start3A_53, %dma_start3A_59] : memref<10x1000xi32, #tpu.memory_space<vmem>> -> memref<1x1000xi32, #tpu.memory_space<vmem>>
    %dma_start3A_61 = tpu.memref_squeeze %dma_start3A_60 : memref<1x1000xi32, #tpu.memory_space<vmem>> -> memref<1000xi32, #tpu.memory_space<vmem>>
    %dma_start3A_62 = arith.constant 0 : i32
    %dma_start3A_63 = arith.constant 0 : i32
    %dma_start3A_64 = tpu.memref_slice %arg2[%dma_start3A_62, %dma_start3A_63] : memref<10240x16xf32, #tpu.memory_space<hbm>> -> memref<10240x16xf32, #tpu.memory_space<hbm>>
    tpu.enqueue_indirect_dma source(%dma_start3A_64 : memref<10240x16xf32, #tpu.memory_space<hbm>>) target(%dma_start3A_58 : memref<1000x16xf32, #tpu.memory_space<vmem>>) offsets(%dma_start3A_61 : memref<1000xi32, #tpu.memory_space<vmem>>) semaphore(%arg11 : memref<!tpu.dma_semaphore, #tpu.memory_space<semaphore_mem>>)
    %scan3A = arith.constant 0 : i32
    %scan3A_65 = arith.constant 0 : i32
    %scan3A_66 = arith.constant 10 : i32
    %scan3A_67 = arith.addi %scan3A_65, %scan3A_66 : i32
    %scan3A_68 = arith.constant 1 : i32
    scf.for %scan3A_83 = %scan3A_65 to %scan3A_67 step %scan3A_68  : i32 {
      %jit3A = arith.constant 4 : i32
      %eq3A = arith.constant 0 : i32
      %eq3A_84 = arith.cmpi eq, %jit3A, %eq3A : i32
      %jit3A_85 = arith.constant 1 : i32
      %select_n3A = arith.select %eq3A_84, %jit3A_85, %jit3A : i32
      %rem3A = arith.remsi %scan3A_83, %select_n3A : i32
      %ne3A = arith.constant 0 : i32
      %ne3A_86 = arith.cmpi ne, %rem3A, %ne3A : i32
      %lt3A = arith.constant 0 : i32
      %lt3A_87 = arith.cmpi slt, %rem3A, %lt3A : i32
      %lt3A_88 = arith.constant 0 : i32
      %lt3A_89 = arith.cmpi slt, %select_n3A, %lt3A_88 : i32
      %ne3A_90 = arith.xori %lt3A_87, %lt3A_89 : i1
      %and3A = arith.andi %ne3A_90, %ne3A_86 : i1
      %add3A_91 = arith.addi %rem3A, %select_n3A : i32
      %select_n3A_92 = arith.select %and3A, %add3A_91, %rem3A : i32
      %dma_wait3A_93 = arith.constant 0 : i32
      %dma_wait3A_94 = arith.constant 0 : i32
      %dma_wait3A_95 = tpu.memref_slice %arg9[%select_n3A_92, %dma_wait3A_93, %dma_wait3A_94] : memref<4x1000x16xf32, #tpu.memory_space<vmem>> -> memref<1x1000x16xf32, #tpu.memory_space<vmem>>
      %dma_wait3A_96 = tpu.memref_squeeze %dma_wait3A_95 : memref<1x1000x16xf32, #tpu.memory_space<vmem>> -> memref<1000x16xf32, #tpu.memory_space<vmem>>
      %dma_wait3A_97 = arith.constant 0 : i32
      %dma_wait3A_98 = tpu.memref_slice %arg7[%scan3A_83, %dma_wait3A_97] : memref<10x1000xi32, #tpu.memory_space<vmem>> -> memref<1x1000xi32, #tpu.memory_space<vmem>>
      %dma_wait3A_99 = tpu.memref_squeeze %dma_wait3A_98 : memref<1x1000xi32, #tpu.memory_space<vmem>> -> memref<1000xi32, #tpu.memory_space<vmem>>
      %dma_wait3A_100 = arith.constant 0 : i32
      %dma_wait3A_101 = arith.constant 0 : i32
      %dma_wait3A_102 = tpu.memref_slice %arg2[%dma_wait3A_100, %dma_wait3A_101] : memref<10240x16xf32, #tpu.memory_space<hbm>> -> memref<10240x16xf32, #tpu.memory_space<hbm>>
      tpu.wait_indirect_dma semaphore(%arg11 : memref<!tpu.dma_semaphore, #tpu.memory_space<semaphore_mem>>) src(%dma_wait3A_102 : memref<10240x16xf32, #tpu.memory_space<hbm>>) dst(%dma_wait3A_96 : memref<1000x16xf32, #tpu.memory_space<vmem>>)
      %ge3A = arith.constant 1 : i32
      %ge3A_103 = arith.cmpi sge, %scan3A_83, %ge3A : i32
      %convert_element_type3A = arith.extui %ge3A_103 : i1 to i32
      %cond3A = arith.constant 0 : i32
      %cond3A_104 = arith.cmpi ne, %convert_element_type3A, %cond3A : i32
      scf.if %cond3A_104 {
        %sub3A_139 = arith.constant 1 : i32
        %sub3A_140 = arith.subi %scan3A_83, %sub3A_139 : i32
        %jit3A_141 = arith.constant 4 : i32
        %eq3A_142 = arith.constant 0 : i32
        %eq3A_143 = arith.cmpi eq, %jit3A_141, %eq3A_142 : i32
        %jit3A_144 = arith.constant 1 : i32
        %select_n3A_145 = arith.select %eq3A_143, %jit3A_144, %jit3A_141 : i32
        %rem3A_146 = arith.remsi %sub3A_140, %select_n3A_145 : i32
        %ne3A_147 = arith.constant 0 : i32
        %ne3A_148 = arith.cmpi ne, %rem3A_146, %ne3A_147 : i32
        %lt3A_149 = arith.constant 0 : i32
        %lt3A_150 = arith.cmpi slt, %rem3A_146, %lt3A_149 : i32
        %lt3A_151 = arith.constant 0 : i32
        %lt3A_152 = arith.cmpi slt, %select_n3A_145, %lt3A_151 : i32
        %ne3A_153 = arith.xori %lt3A_150, %lt3A_152 : i1
        %and3A_154 = arith.andi %ne3A_153, %ne3A_148 : i1
        %add3A_155 = arith.addi %rem3A_146, %select_n3A_145 : i32
        %select_n3A_156 = arith.select %and3A_154, %add3A_155, %rem3A_146 : i32
        %sub3A_157 = arith.constant 1 : i32
        %sub3A_158 = arith.subi %scan3A_83, %sub3A_157 : i32
        %dma_wait3A_159 = arith.constant 0 : i32
        %dma_wait3A_160 = arith.constant 0 : i32
        %dma_wait3A_161 = tpu.memref_slice %arg9[%select_n3A_156, %dma_wait3A_159, %dma_wait3A_160] : memref<4x1000x16xf32, #tpu.memory_space<vmem>> -> memref<1x1000x16xf32, #tpu.memory_space<vmem>>
        %dma_wait3A_162 = tpu.memref_squeeze %dma_wait3A_161 : memref<1x1000x16xf32, #tpu.memory_space<vmem>> -> memref<1000x16xf32, #tpu.memory_space<vmem>>
        %dma_wait3A_163 = arith.constant 0 : i32
        %dma_wait3A_164 = tpu.memref_slice %arg8[%sub3A_158, %dma_wait3A_163] : memref<10x1000xi32, #tpu.memory_space<vmem>> -> memref<1x1000xi32, #tpu.memory_space<vmem>>
        %dma_wait3A_165 = tpu.memref_squeeze %dma_wait3A_164 : memref<1x1000xi32, #tpu.memory_space<vmem>> -> memref<1000xi32, #tpu.memory_space<vmem>>
        %dma_wait3A_166 = arith.constant 0 : i32
        %dma_wait3A_167 = arith.constant 0 : i32
        %dma_wait3A_168 = tpu.memref_slice %arg10[%dma_wait3A_166, %dma_wait3A_167] : memref<10240x16xf32, #tpu.memory_space<vmem_shared>> -> memref<10240x16xf32, #tpu.memory_space<vmem_shared>>
        tpu.wait_indirect_dma semaphore(%arg12 : memref<!tpu.dma_semaphore, #tpu.memory_space<semaphore_mem>>) src(%dma_wait3A_162 : memref<1000x16xf32, #tpu.memory_space<vmem>>) dst(%dma_wait3A_168 : memref<10240x16xf32, #tpu.memory_space<vmem_shared>>)
      } else {
      }
      %add3A_105 = arith.constant 4 : i32
      %add3A_106 = arith.addi %scan3A_83, %add3A_105 : i32
      %sub3A = arith.constant 1 : i32
      %sub3A_107 = arith.subi %add3A_106, %sub3A : i32
      %lt3A_108 = arith.constant 10 : i32
      %lt3A_109 = arith.cmpi slt, %sub3A_107, %lt3A_108 : i32
      %convert_element_type3A_110 = arith.extui %lt3A_109 : i1 to i32
      %cond3A_111 = arith.constant 0 : i32
      %cond3A_112 = arith.cmpi ne, %convert_element_type3A_110, %cond3A_111 : i32
      scf.if %cond3A_112 {
        %add3A_139 = arith.constant 4 : i32
        %add3A_140 = arith.addi %scan3A_83, %add3A_139 : i32
        %sub3A_141 = arith.constant 1 : i32
        %sub3A_142 = arith.subi %add3A_140, %sub3A_141 : i32
        %add3A_143 = arith.constant 4 : i32
        %add3A_144 = arith.addi %scan3A_83, %add3A_143 : i32
        %sub3A_145 = arith.constant 1 : i32
        %sub3A_146 = arith.subi %add3A_144, %sub3A_145 : i32
        %jit3A_147 = arith.constant 4 : i32
        %eq3A_148 = arith.constant 0 : i32
        %eq3A_149 = arith.cmpi eq, %jit3A_147, %eq3A_148 : i32
        %jit3A_150 = arith.constant 1 : i32
        %select_n3A_151 = arith.select %eq3A_149, %jit3A_150, %jit3A_147 : i32
        %rem3A_152 = arith.remsi %sub3A_146, %select_n3A_151 : i32
        %ne3A_153 = arith.constant 0 : i32
        %ne3A_154 = arith.cmpi ne, %rem3A_152, %ne3A_153 : i32
        %lt3A_155 = arith.constant 0 : i32
        %lt3A_156 = arith.cmpi slt, %rem3A_152, %lt3A_155 : i32
        %lt3A_157 = arith.constant 0 : i32
        %lt3A_158 = arith.cmpi slt, %select_n3A_151, %lt3A_157 : i32
        %ne3A_159 = arith.xori %lt3A_156, %lt3A_158 : i1
        %and3A_160 = arith.andi %ne3A_159, %ne3A_154 : i1
        %add3A_161 = arith.addi %rem3A_152, %select_n3A_151 : i32
        %select_n3A_162 = arith.select %and3A_160, %add3A_161, %rem3A_152 : i32
        %dma_start3A_163 = arith.constant 0 : i32
        %dma_start3A_164 = arith.constant 0 : i32
        %dma_start3A_165 = tpu.memref_slice %arg9[%select_n3A_162, %dma_start3A_163, %dma_start3A_164] : memref<4x1000x16xf32, #tpu.memory_space<vmem>> -> memref<1x1000x16xf32, #tpu.memory_space<vmem>>
        %dma_start3A_166 = tpu.memref_squeeze %dma_start3A_165 : memref<1x1000x16xf32, #tpu.memory_space<vmem>> -> memref<1000x16xf32, #tpu.memory_space<vmem>>
        %dma_start3A_167 = arith.constant 0 : i32
        %dma_start3A_168 = tpu.memref_slice %arg7[%sub3A_142, %dma_start3A_167] : memref<10x1000xi32, #tpu.memory_space<vmem>> -> memref<1x1000xi32, #tpu.memory_space<vmem>>
        %dma_start3A_169 = tpu.memref_squeeze %dma_start3A_168 : memref<1x1000xi32, #tpu.memory_space<vmem>> -> memref<1000xi32, #tpu.memory_space<vmem>>
        %dma_start3A_170 = arith.constant 0 : i32
        %dma_start3A_171 = arith.constant 0 : i32
        %dma_start3A_172 = tpu.memref_slice %arg2[%dma_start3A_170, %dma_start3A_171] : memref<10240x16xf32, #tpu.memory_space<hbm>> -> memref<10240x16xf32, #tpu.memory_space<hbm>>
        tpu.enqueue_indirect_dma source(%dma_start3A_172 : memref<10240x16xf32, #tpu.memory_space<hbm>>) target(%dma_start3A_166 : memref<1000x16xf32, #tpu.memory_space<vmem>>) offsets(%dma_start3A_169 : memref<1000xi32, #tpu.memory_space<vmem>>) semaphore(%arg11 : memref<!tpu.dma_semaphore, #tpu.memory_space<semaphore_mem>>)
      } else {
      }
      %jit3A_113 = arith.constant 4 : i32
      %eq3A_114 = arith.constant 0 : i32
      %eq3A_115 = arith.cmpi eq, %jit3A_113, %eq3A_114 : i32
      %jit3A_116 = arith.constant 1 : i32
      %select_n3A_117 = arith.select %eq3A_115, %jit3A_116, %jit3A_113 : i32
      %rem3A_118 = arith.remsi %scan3A_83, %select_n3A_117 : i32
      %ne3A_119 = arith.constant 0 : i32
      %ne3A_120 = arith.cmpi ne, %rem3A_118, %ne3A_119 : i32
      %lt3A_121 = arith.constant 0 : i32
      %lt3A_122 = arith.cmpi slt, %rem3A_118, %lt3A_121 : i32
      %lt3A_123 = arith.constant 0 : i32
      %lt3A_124 = arith.cmpi slt, %select_n3A_117, %lt3A_123 : i32
      %ne3A_125 = arith.xori %lt3A_122, %lt3A_124 : i1
      %and3A_126 = arith.andi %ne3A_125, %ne3A_120 : i1
      %add3A_127 = arith.addi %rem3A_118, %select_n3A_117 : i32
      %select_n3A_128 = arith.select %and3A_126, %add3A_127, %rem3A_118 : i32
      %dma_start3A_129 = arith.constant 0 : i32
      %dma_start3A_130 = arith.constant 0 : i32
      %dma_start3A_131 = tpu.memref_slice %arg9[%select_n3A_128, %dma_start3A_129, %dma_start3A_130] : memref<4x1000x16xf32, #tpu.memory_space<vmem>> -> memref<1x1000x16xf32, #tpu.memory_space<vmem>>
      %dma_start3A_132 = tpu.memref_squeeze %dma_start3A_131 : memref<1x1000x16xf32, #tpu.memory_space<vmem>> -> memref<1000x16xf32, #tpu.memory_space<vmem>>
      %dma_start3A_133 = arith.constant 0 : i32
      %dma_start3A_134 = tpu.memref_slice %arg8[%scan3A_83, %dma_start3A_133] : memref<10x1000xi32, #tpu.memory_space<vmem>> -> memref<1x1000xi32, #tpu.memory_space<vmem>>
      %dma_start3A_135 = tpu.memref_squeeze %dma_start3A_134 : memref<1x1000xi32, #tpu.memory_space<vmem>> -> memref<1000xi32, #tpu.memory_space<vmem>>
      %dma_start3A_136 = arith.constant 0 : i32
      %dma_start3A_137 = arith.constant 0 : i32
      %dma_start3A_138 = tpu.memref_slice %arg10[%dma_start3A_136, %dma_start3A_137] : memref<10240x16xf32, #tpu.memory_space<vmem_shared>> -> memref<10240x16xf32, #tpu.memory_space<vmem_shared>>
      tpu.enqueue_indirect_dma source(%dma_start3A_132 : memref<1000x16xf32, #tpu.memory_space<vmem>>) target(%dma_start3A_138 : memref<10240x16xf32, #tpu.memory_space<vmem_shared>>) offsets(%dma_start3A_135 : memref<1000xi32, #tpu.memory_space<vmem>>) semaphore(%arg12 : memref<!tpu.dma_semaphore, #tpu.memory_space<semaphore_mem>>) {add = true}
    }
    %scan3A_69 = arith.constant 10 : i32
    %dma_wait3A_70 = arith.constant 1 : i32
    %dma_wait3A_71 = arith.constant 9 : i32
    %dma_wait3A_72 = arith.constant 0 : i32
    %dma_wait3A_73 = arith.constant 0 : i32
    %dma_wait3A_74 = tpu.memref_slice %arg9[%dma_wait3A_70, %dma_wait3A_72, %dma_wait3A_73] : memref<4x1000x16xf32, #tpu.memory_space<vmem>> -> memref<1x1000x16xf32, #tpu.memory_space<vmem>>
    %dma_wait3A_75 = tpu.memref_squeeze %dma_wait3A_74 : memref<1x1000x16xf32, #tpu.memory_space<vmem>> -> memref<1000x16xf32, #tpu.memory_space<vmem>>
    %dma_wait3A_76 = arith.constant 0 : i32
    %dma_wait3A_77 = tpu.memref_slice %arg8[%dma_wait3A_71, %dma_wait3A_76] : memref<10x1000xi32, #tpu.memory_space<vmem>> -> memref<1x1000xi32, #tpu.memory_space<vmem>>
    %dma_wait3A_78 = tpu.memref_squeeze %dma_wait3A_77 : memref<1x1000xi32, #tpu.memory_space<vmem>> -> memref<1000xi32, #tpu.memory_space<vmem>>
    %dma_wait3A_79 = arith.constant 0 : i32
    %dma_wait3A_80 = arith.constant 0 : i32
    %dma_wait3A_81 = tpu.memref_slice %arg10[%dma_wait3A_79, %dma_wait3A_80] : memref<10240x16xf32, #tpu.memory_space<vmem_shared>> -> memref<10240x16xf32, #tpu.memory_space<vmem_shared>>
    tpu.wait_indirect_dma semaphore(%arg12 : memref<!tpu.dma_semaphore, #tpu.memory_space<semaphore_mem>>) src(%dma_wait3A_75 : memref<1000x16xf32, #tpu.memory_space<vmem>>) dst(%dma_wait3A_81 : memref<10240x16xf32, #tpu.memory_space<vmem_shared>>)
    %barrier3A_82 = arith.constant 0 : index
    tpu.barrier barrier_id(%barrier3A_82)
    "tpu.region"() ({
      %run_scoped3A = tpu.sem_alloc : memref<!tpu.dma_semaphore, #tpu.memory_space<semaphore_mem>>
      %dma_start3A_83 = arith.constant 0 : i32
      %dma_start3A_84 = tpu.memref_slice %arg6[%arg0, %mul3A_2, %dma_start3A_83] : memref<2x10240x16xf32, #tpu.memory_space<hbm>> -> memref<1x640x16xf32, #tpu.memory_space<hbm>>
      %dma_start3A_85 = tpu.memref_squeeze %dma_start3A_84 : memref<1x640x16xf32, #tpu.memory_space<hbm>> -> memref<640x16xf32, #tpu.memory_space<hbm>>
      %dma_start3A_86 = arith.constant 0 : i32
      %dma_start3A_87 = tpu.memref_slice %arg10[%mul3A_2, %dma_start3A_86] : memref<10240x16xf32, #tpu.memory_space<vmem_shared>> -> memref<640x16xf32, #tpu.memory_space<vmem_shared>>
      tpu.enqueue_dma source(%dma_start3A_87 : memref<640x16xf32, #tpu.memory_space<vmem_shared>>) target(%dma_start3A_85 : memref<640x16xf32, #tpu.memory_space<hbm>>) target_semaphore(%run_scoped3A : memref<!tpu.dma_semaphore, #tpu.memory_space<semaphore_mem>>)
      %dma_wait3A_88 = arith.constant 0 : i32
      %dma_wait3A_89 = tpu.memref_slice %arg6[%arg0, %mul3A_2, %dma_wait3A_88] : memref<2x10240x16xf32, #tpu.memory_space<hbm>> -> memref<1x640x16xf32, #tpu.memory_space<hbm>>
      %dma_wait3A_90 = tpu.memref_squeeze %dma_wait3A_89 : memref<1x640x16xf32, #tpu.memory_space<hbm>> -> memref<640x16xf32, #tpu.memory_space<hbm>>
      %dma_wait3A_91 = arith.constant 0 : i32
      %dma_wait3A_92 = tpu.memref_slice %arg10[%mul3A_2, %dma_wait3A_91] : memref<10240x16xf32, #tpu.memory_space<vmem_shared>> -> memref<640x16xf32, #tpu.memory_space<vmem_shared>>
      tpu.wait_dma2 semaphore(%run_scoped3A : memref<!tpu.dma_semaphore, #tpu.memory_space<semaphore_mem>>) src(%dma_wait3A_92 : memref<640x16xf32, #tpu.memory_space<vmem_shared>>) dst(%dma_wait3A_90 : memref<640x16xf32, #tpu.memory_space<hbm>>)
      tpu.yield
    }) : () -> ()
    return
  }
}

#map = affine_map<(d0, d1) -> (0, 0)>
#map1 = affine_map<(d0, d1) -> (0)>
#map2 = affine_map<(d0, d1) -> (0, 0, 0)>
module attributes {stable_mosaic.version = 14 : i64} {
  func.func @_deg_kernel(%arg0: i32, %arg1: i32, %arg2: memref<320x1000xi32, #tpu.memory_space<hbm>>, %arg3: memref<320x1000xi32, #tpu.memory_space<hbm>>, %arg4: memref<10240xf32, #tpu.memory_space<hbm>>, %arg5: memref<1000xf32, #tpu.memory_space<hbm>>, %arg6: memref<2x2x10240xf32, #tpu.memory_space<hbm>>, %arg7: memref<10x1000xi32, #tpu.memory_space<vmem>>, %arg8: memref<10x1000xi32, #tpu.memory_space<vmem>>, %arg9: memref<1000xf32, #tpu.memory_space<vmem>>, %arg10: memref<10240xf32, #tpu.memory_space<vmem_shared>>, %arg11: memref<10240xf32, #tpu.memory_space<vmem_shared>>, %arg12: memref<!tpu.dma_semaphore, #tpu.memory_space<semaphore_mem>>, %arg13: memref<!tpu.dma_semaphore, #tpu.memory_space<semaphore_mem>>) attributes {dimension_semantics = [#tpu.dimension_semantics<core_parallel>, #tpu.dimension_semantics<subcore_parallel>], iteration_bounds = array<i64: 2, 16>, scalar_prefetch = 0 : i64, scratch_operands = 7 : i64, tpu.core_type = #tpu.core_type<sc_vector_subcore>, window_params = [{transform_indices = #map}, {transform_indices = #map}, {transform_indices = #map1}, {transform_indices = #map1}, {transform_indices = #map2}]} {
    %mul3A = arith.constant 16 : i32
    %mul3A_0 = arith.muli %arg0, %mul3A : i32
    %add3A = arith.addi %mul3A_0, %arg1 : i32
    %mul3A_1 = arith.constant 640 : i32
    %mul3A_2 = arith.muli %arg1, %mul3A_1 : i32
    %mul3A_3 = arith.constant 10 : i32
    %mul3A_4 = arith.muli %add3A, %mul3A_3 : i32
    %dma_start3A = arith.constant 0 : i32
    %dma_start3A_5 = tpu.memref_slice %arg2[%mul3A_4, %dma_start3A] : memref<320x1000xi32, #tpu.memory_space<hbm>> -> memref<10x1000xi32, #tpu.memory_space<hbm>>
    %dma_start3A_6 = arith.constant 0 : i32
    %dma_start3A_7 = tpu.memref_slice %arg2[%mul3A_4, %dma_start3A_6] : memref<320x1000xi32, #tpu.memory_space<hbm>> -> memref<10x1000xi32, #tpu.memory_space<hbm>>
    tpu.enqueue_dma source(%dma_start3A_7 : memref<10x1000xi32, #tpu.memory_space<hbm>>) target(%arg7 : memref<10x1000xi32, #tpu.memory_space<vmem>>) target_semaphore(%arg12 : memref<!tpu.dma_semaphore, #tpu.memory_space<semaphore_mem>>)
    %mul3A_8 = arith.constant 10 : i32
    %mul3A_9 = arith.muli %add3A, %mul3A_8 : i32
    %dma_start3A_10 = arith.constant 0 : i32
    %dma_start3A_11 = tpu.memref_slice %arg3[%mul3A_9, %dma_start3A_10] : memref<320x1000xi32, #tpu.memory_space<hbm>> -> memref<10x1000xi32, #tpu.memory_space<hbm>>
    %dma_start3A_12 = arith.constant 0 : i32
    %dma_start3A_13 = tpu.memref_slice %arg3[%mul3A_9, %dma_start3A_12] : memref<320x1000xi32, #tpu.memory_space<hbm>> -> memref<10x1000xi32, #tpu.memory_space<hbm>>
    tpu.enqueue_dma source(%dma_start3A_13 : memref<10x1000xi32, #tpu.memory_space<hbm>>) target(%arg8 : memref<10x1000xi32, #tpu.memory_space<vmem>>) target_semaphore(%arg12 : memref<!tpu.dma_semaphore, #tpu.memory_space<semaphore_mem>>)
    tpu.enqueue_dma source(%arg5 : memref<1000xf32, #tpu.memory_space<hbm>>) target(%arg9 : memref<1000xf32, #tpu.memory_space<vmem>>) target_semaphore(%arg12 : memref<!tpu.dma_semaphore, #tpu.memory_space<semaphore_mem>>)
    %dma_start3A_14 = tpu.memref_slice %arg10[%mul3A_2] : memref<10240xf32, #tpu.memory_space<vmem_shared>> -> memref<640xf32, #tpu.memory_space<vmem_shared>>
    %dma_start3A_15 = tpu.memref_slice %arg4[%mul3A_2] : memref<10240xf32, #tpu.memory_space<hbm>> -> memref<640xf32, #tpu.memory_space<hbm>>
    tpu.enqueue_dma source(%dma_start3A_15 : memref<640xf32, #tpu.memory_space<hbm>>) target(%dma_start3A_14 : memref<640xf32, #tpu.memory_space<vmem_shared>>) target_semaphore(%arg13 : memref<!tpu.dma_semaphore, #tpu.memory_space<semaphore_mem>>)
    %dma_start3A_16 = tpu.memref_slice %arg11[%mul3A_2] : memref<10240xf32, #tpu.memory_space<vmem_shared>> -> memref<640xf32, #tpu.memory_space<vmem_shared>>
    %dma_start3A_17 = tpu.memref_slice %arg4[%mul3A_2] : memref<10240xf32, #tpu.memory_space<hbm>> -> memref<640xf32, #tpu.memory_space<hbm>>
    tpu.enqueue_dma source(%dma_start3A_17 : memref<640xf32, #tpu.memory_space<hbm>>) target(%dma_start3A_16 : memref<640xf32, #tpu.memory_space<vmem_shared>>) target_semaphore(%arg13 : memref<!tpu.dma_semaphore, #tpu.memory_space<semaphore_mem>>)
    %dma_wait3A = arith.constant 0 : i32
    %dma_wait3A_18 = tpu.memref_slice %arg2[%mul3A_4, %dma_wait3A] : memref<320x1000xi32, #tpu.memory_space<hbm>> -> memref<10x1000xi32, #tpu.memory_space<hbm>>
    %dma_wait3A_19 = arith.constant 0 : i32
    %dma_wait3A_20 = tpu.memref_slice %arg2[%mul3A_4, %dma_wait3A_19] : memref<320x1000xi32, #tpu.memory_space<hbm>> -> memref<10x1000xi32, #tpu.memory_space<hbm>>
    tpu.wait_dma2 semaphore(%arg12 : memref<!tpu.dma_semaphore, #tpu.memory_space<semaphore_mem>>) src(%dma_wait3A_20 : memref<10x1000xi32, #tpu.memory_space<hbm>>) dst(%arg7 : memref<10x1000xi32, #tpu.memory_space<vmem>>)
    %dma_wait3A_21 = arith.constant 0 : i32
    %dma_wait3A_22 = tpu.memref_slice %arg3[%mul3A_9, %dma_wait3A_21] : memref<320x1000xi32, #tpu.memory_space<hbm>> -> memref<10x1000xi32, #tpu.memory_space<hbm>>
    %dma_wait3A_23 = arith.constant 0 : i32
    %dma_wait3A_24 = tpu.memref_slice %arg3[%mul3A_9, %dma_wait3A_23] : memref<320x1000xi32, #tpu.memory_space<hbm>> -> memref<10x1000xi32, #tpu.memory_space<hbm>>
    tpu.wait_dma2 semaphore(%arg12 : memref<!tpu.dma_semaphore, #tpu.memory_space<semaphore_mem>>) src(%dma_wait3A_24 : memref<10x1000xi32, #tpu.memory_space<hbm>>) dst(%arg8 : memref<10x1000xi32, #tpu.memory_space<vmem>>)
    tpu.wait_dma2 semaphore(%arg12 : memref<!tpu.dma_semaphore, #tpu.memory_space<semaphore_mem>>) src(%arg5 : memref<1000xf32, #tpu.memory_space<hbm>>) dst(%arg9 : memref<1000xf32, #tpu.memory_space<vmem>>)
    %dma_wait3A_25 = tpu.memref_slice %arg10[%mul3A_2] : memref<10240xf32, #tpu.memory_space<vmem_shared>> -> memref<640xf32, #tpu.memory_space<vmem_shared>>
    %dma_wait3A_26 = tpu.memref_slice %arg4[%mul3A_2] : memref<10240xf32, #tpu.memory_space<hbm>> -> memref<640xf32, #tpu.memory_space<hbm>>
    tpu.wait_dma2 semaphore(%arg13 : memref<!tpu.dma_semaphore, #tpu.memory_space<semaphore_mem>>) src(%dma_wait3A_26 : memref<640xf32, #tpu.memory_space<hbm>>) dst(%dma_wait3A_25 : memref<640xf32, #tpu.memory_space<vmem_shared>>)
    %dma_wait3A_27 = tpu.memref_slice %arg11[%mul3A_2] : memref<10240xf32, #tpu.memory_space<vmem_shared>> -> memref<640xf32, #tpu.memory_space<vmem_shared>>
    %dma_wait3A_28 = tpu.memref_slice %arg4[%mul3A_2] : memref<10240xf32, #tpu.memory_space<hbm>> -> memref<640xf32, #tpu.memory_space<hbm>>
    tpu.wait_dma2 semaphore(%arg13 : memref<!tpu.dma_semaphore, #tpu.memory_space<semaphore_mem>>) src(%dma_wait3A_28 : memref<640xf32, #tpu.memory_space<hbm>>) dst(%dma_wait3A_27 : memref<640xf32, #tpu.memory_space<vmem_shared>>)
    %barrier3A = arith.constant 0 : index
    tpu.barrier barrier_id(%barrier3A)
    %scan3A = arith.constant 0 : i32
    %scan3A_29 = arith.constant 0 : i32
    %scan3A_30 = arith.constant 10 : i32
    %scan3A_31 = arith.addi %scan3A_29, %scan3A_30 : i32
    %scan3A_32 = arith.constant 1 : i32
    scf.for %scan3A_57 = %scan3A_29 to %scan3A_31 step %scan3A_32  : i32 {
      %ge3A = arith.constant 10 : i32
      %ge3A_58 = arith.cmpi sge, %scan3A_57, %ge3A : i32
      %convert_element_type3A = arith.extui %ge3A_58 : i1 to i32
      %cond3A = arith.constant 0 : i32
      %cond3A_59 = arith.cmpi ne, %convert_element_type3A, %cond3A : i32
      scf.if %cond3A_59 {
        %sub3A = arith.constant 10 : i32
        %sub3A_70 = arith.subi %scan3A_57, %sub3A : i32
        %dma_wait3A_71 = arith.constant 0 : i32
        %dma_wait3A_72 = tpu.memref_slice %arg7[%sub3A_70, %dma_wait3A_71] : memref<10x1000xi32, #tpu.memory_space<vmem>> -> memref<1x1000xi32, #tpu.memory_space<vmem>>
        %dma_wait3A_73 = tpu.memref_squeeze %dma_wait3A_72 : memref<1x1000xi32, #tpu.memory_space<vmem>> -> memref<1000xi32, #tpu.memory_space<vmem>>
        %dma_wait3A_74 = arith.constant 0 : i32
        %dma_wait3A_75 = tpu.memref_slice %arg10[%dma_wait3A_74] : memref<10240xf32, #tpu.memory_space<vmem_shared>> -> memref<10240xf32, #tpu.memory_space<vmem_shared>>
        tpu.wait_indirect_dma semaphore(%arg12 : memref<!tpu.dma_semaphore, #tpu.memory_space<semaphore_mem>>) src(%arg9 : memref<1000xf32, #tpu.memory_space<vmem>>) dst(%dma_wait3A_75 : memref<10240xf32, #tpu.memory_space<vmem_shared>>)
        %sub3A_76 = arith.constant 10 : i32
        %sub3A_77 = arith.subi %scan3A_57, %sub3A_76 : i32
        %dma_wait3A_78 = arith.constant 0 : i32
        %dma_wait3A_79 = tpu.memref_slice %arg8[%sub3A_77, %dma_wait3A_78] : memref<10x1000xi32, #tpu.memory_space<vmem>> -> memref<1x1000xi32, #tpu.memory_space<vmem>>
        %dma_wait3A_80 = tpu.memref_squeeze %dma_wait3A_79 : memref<1x1000xi32, #tpu.memory_space<vmem>> -> memref<1000xi32, #tpu.memory_space<vmem>>
        %dma_wait3A_81 = arith.constant 0 : i32
        %dma_wait3A_82 = tpu.memref_slice %arg11[%dma_wait3A_81] : memref<10240xf32, #tpu.memory_space<vmem_shared>> -> memref<10240xf32, #tpu.memory_space<vmem_shared>>
        tpu.wait_indirect_dma semaphore(%arg13 : memref<!tpu.dma_semaphore, #tpu.memory_space<semaphore_mem>>) src(%arg9 : memref<1000xf32, #tpu.memory_space<vmem>>) dst(%dma_wait3A_82 : memref<10240xf32, #tpu.memory_space<vmem_shared>>)
      } else {
      }
      %dma_start3A_60 = arith.constant 0 : i32
      %dma_start3A_61 = tpu.memref_slice %arg7[%scan3A_57, %dma_start3A_60] : memref<10x1000xi32, #tpu.memory_space<vmem>> -> memref<1x1000xi32, #tpu.memory_space<vmem>>
      %dma_start3A_62 = tpu.memref_squeeze %dma_start3A_61 : memref<1x1000xi32, #tpu.memory_space<vmem>> -> memref<1000xi32, #tpu.memory_space<vmem>>
      %dma_start3A_63 = arith.constant 0 : i32
      %dma_start3A_64 = tpu.memref_slice %arg10[%dma_start3A_63] : memref<10240xf32, #tpu.memory_space<vmem_shared>> -> memref<10240xf32, #tpu.memory_space<vmem_shared>>
      tpu.enqueue_indirect_dma source(%arg9 : memref<1000xf32, #tpu.memory_space<vmem>>) target(%dma_start3A_64 : memref<10240xf32, #tpu.memory_space<vmem_shared>>) offsets(%dma_start3A_62 : memref<1000xi32, #tpu.memory_space<vmem>>) semaphore(%arg12 : memref<!tpu.dma_semaphore, #tpu.memory_space<semaphore_mem>>) {add = true}
      %dma_start3A_65 = arith.constant 0 : i32
      %dma_start3A_66 = tpu.memref_slice %arg8[%scan3A_57, %dma_start3A_65] : memref<10x1000xi32, #tpu.memory_space<vmem>> -> memref<1x1000xi32, #tpu.memory_space<vmem>>
      %dma_start3A_67 = tpu.memref_squeeze %dma_start3A_66 : memref<1x1000xi32, #tpu.memory_space<vmem>> -> memref<1000xi32, #tpu.memory_space<vmem>>
      %dma_start3A_68 = arith.constant 0 : i32
      %dma_start3A_69 = tpu.memref_slice %arg11[%dma_start3A_68] : memref<10240xf32, #tpu.memory_space<vmem_shared>> -> memref<10240xf32, #tpu.memory_space<vmem_shared>>
      tpu.enqueue_indirect_dma source(%arg9 : memref<1000xf32, #tpu.memory_space<vmem>>) target(%dma_start3A_69 : memref<10240xf32, #tpu.memory_space<vmem_shared>>) offsets(%dma_start3A_67 : memref<1000xi32, #tpu.memory_space<vmem>>) semaphore(%arg13 : memref<!tpu.dma_semaphore, #tpu.memory_space<semaphore_mem>>) {add = true}
    }
    %scan3A_33 = arith.constant 10 : i32
    %scan3A_34 = arith.constant 0 : i32
    %scan3A_35 = arith.constant 0 : i32
    %scan3A_36 = arith.constant 10 : i32
    %scan3A_37 = arith.addi %scan3A_35, %scan3A_36 : i32
    %scan3A_38 = arith.constant 1 : i32
    scf.for %scan3A_57 = %scan3A_35 to %scan3A_37 step %scan3A_38  : i32 {
      %dma_wait3A_58 = arith.constant 0 : i32
      %dma_wait3A_59 = tpu.memref_slice %arg7[%scan3A_57, %dma_wait3A_58] : memref<10x1000xi32, #tpu.memory_space<vmem>> -> memref<1x1000xi32, #tpu.memory_space<vmem>>
      %dma_wait3A_60 = tpu.memref_squeeze %dma_wait3A_59 : memref<1x1000xi32, #tpu.memory_space<vmem>> -> memref<1000xi32, #tpu.memory_space<vmem>>
      %dma_wait3A_61 = arith.constant 0 : i32
      %dma_wait3A_62 = tpu.memref_slice %arg10[%dma_wait3A_61] : memref<10240xf32, #tpu.memory_space<vmem_shared>> -> memref<10240xf32, #tpu.memory_space<vmem_shared>>
      tpu.wait_indirect_dma semaphore(%arg12 : memref<!tpu.dma_semaphore, #tpu.memory_space<semaphore_mem>>) src(%arg9 : memref<1000xf32, #tpu.memory_space<vmem>>) dst(%dma_wait3A_62 : memref<10240xf32, #tpu.memory_space<vmem_shared>>)
      %dma_wait3A_63 = arith.constant 0 : i32
      %dma_wait3A_64 = tpu.memref_slice %arg8[%scan3A_57, %dma_wait3A_63] : memref<10x1000xi32, #tpu.memory_space<vmem>> -> memref<1x1000xi32, #tpu.memory_space<vmem>>
      %dma_wait3A_65 = tpu.memref_squeeze %dma_wait3A_64 : memref<1x1000xi32, #tpu.memory_space<vmem>> -> memref<1000xi32, #tpu.memory_space<vmem>>
      %dma_wait3A_66 = arith.constant 0 : i32
      %dma_wait3A_67 = tpu.memref_slice %arg11[%dma_wait3A_66] : memref<10240xf32, #tpu.memory_space<vmem_shared>> -> memref<10240xf32, #tpu.memory_space<vmem_shared>>
      tpu.wait_indirect_dma semaphore(%arg13 : memref<!tpu.dma_semaphore, #tpu.memory_space<semaphore_mem>>) src(%arg9 : memref<1000xf32, #tpu.memory_space<vmem>>) dst(%dma_wait3A_67 : memref<10240xf32, #tpu.memory_space<vmem_shared>>)
    }
    %scan3A_39 = arith.constant 10 : i32
    %barrier3A_40 = arith.constant 0 : index
    tpu.barrier barrier_id(%barrier3A_40)
    %dma_start3A_41 = arith.constant 0 : i32
    %dma_start3A_42 = tpu.memref_slice %arg6[%arg0, %dma_start3A_41, %mul3A_2] : memref<2x2x10240xf32, #tpu.memory_space<hbm>> -> memref<1x1x640xf32, #tpu.memory_space<hbm>>
    %dma_start3A_43 = tpu.memref_squeeze %dma_start3A_42 : memref<1x1x640xf32, #tpu.memory_space<hbm>> -> memref<640xf32, #tpu.memory_space<hbm>>
    %dma_start3A_44 = tpu.memref_slice %arg10[%mul3A_2] : memref<10240xf32, #tpu.memory_space<vmem_shared>> -> memref<640xf32, #tpu.memory_space<vmem_shared>>
    tpu.enqueue_dma source(%dma_start3A_44 : memref<640xf32, #tpu.memory_space<vmem_shared>>) target(%dma_start3A_43 : memref<640xf32, #tpu.memory_space<hbm>>) target_semaphore(%arg12 : memref<!tpu.dma_semaphore, #tpu.memory_space<semaphore_mem>>)
    %dma_start3A_45 = arith.constant 1 : i32
    %dma_start3A_46 = tpu.memref_slice %arg6[%arg0, %dma_start3A_45, %mul3A_2] : memref<2x2x10240xf32, #tpu.memory_space<hbm>> -> memref<1x1x640xf32, #tpu.memory_space<hbm>>
    %dma_start3A_47 = tpu.memref_squeeze %dma_start3A_46 : memref<1x1x640xf32, #tpu.memory_space<hbm>> -> memref<640xf32, #tpu.memory_space<hbm>>
    %dma_start3A_48 = tpu.memref_slice %arg11[%mul3A_2] : memref<10240xf32, #tpu.memory_space<vmem_shared>> -> memref<640xf32, #tpu.memory_space<vmem_shared>>
    tpu.enqueue_dma source(%dma_start3A_48 : memref<640xf32, #tpu.memory_space<vmem_shared>>) target(%dma_start3A_47 : memref<640xf32, #tpu.memory_space<hbm>>) target_semaphore(%arg13 : memref<!tpu.dma_semaphore, #tpu.memory_space<semaphore_mem>>)
    %dma_wait3A_49 = arith.constant 0 : i32
    %dma_wait3A_50 = tpu.memref_slice %arg6[%arg0, %dma_wait3A_49, %mul3A_2] : memref<2x2x10240xf32, #tpu.memory_space<hbm>> -> memref<1x1x640xf32, #tpu.memory_space<hbm>>
    %dma_wait3A_51 = tpu.memref_squeeze %dma_wait3A_50 : memref<1x1x640xf32, #tpu.memory_space<hbm>> -> memref<640xf32, #tpu.memory_space<hbm>>
    %dma_wait3A_52 = tpu.memref_slice %arg10[%mul3A_2] : memref<10240xf32, #tpu.memory_space<vmem_shared>> -> memref<640xf32, #tpu.memory_space<vmem_shared>>
    tpu.wait_dma2 semaphore(%arg12 : memref<!tpu.dma_semaphore, #tpu.memory_space<semaphore_mem>>) src(%dma_wait3A_52 : memref<640xf32, #tpu.memory_space<vmem_shared>>) dst(%dma_wait3A_51 : memref<640xf32, #tpu.memory_space<hbm>>)
    %dma_wait3A_53 = arith.constant 1 : i32
    %dma_wait3A_54 = tpu.memref_slice %arg6[%arg0, %dma_wait3A_53, %mul3A_2] : memref<2x2x10240xf32, #tpu.memory_space<hbm>> -> memref<1x1x640xf32, #tpu.memory_space<hbm>>
    %dma_wait3A_55 = tpu.memref_squeeze %dma_wait3A_54 : memref<1x1x640xf32, #tpu.memory_space<hbm>> -> memref<640xf32, #tpu.memory_space<hbm>>
    %dma_wait3A_56 = tpu.memref_slice %arg11[%mul3A_2] : memref<10240xf32, #tpu.memory_space<vmem_shared>> -> memref<640xf32, #tpu.memory_space<vmem_shared>>
    tpu.wait_dma2 semaphore(%arg13 : memref<!tpu.dma_semaphore, #tpu.memory_space<semaphore_mem>>) src(%dma_wait3A_56 : memref<640xf32, #tpu.memory_space<vmem_shared>>) dst(%dma_wait3A_55 : memref<640xf32, #tpu.memory_space<hbm>>)
    return
  }
}

#map = affine_map<(d0, d1) -> (0, 0, 0)>
#map1 = affine_map<(d0, d1) -> (0)>
#map2 = affine_map<(d0, d1) -> (0, 0)>
module attributes {stable_mosaic.version = 14 : i64} {
  func.func @_sc_b(%arg0: i32, %arg1: i32, %arg2: memref<2x10240x16xf32, #tpu.memory_space<hbm>>, %arg3: memref<2x2x10240xf32, #tpu.memory_space<hbm>>, %arg4: memref<16xf32, #tpu.memory_space<hbm>>, %arg5: memref<320x1000xi32, #tpu.memory_space<hbm>>, %arg6: memref<320x1000xi32, #tpu.memory_space<hbm>>, %arg7: memref<10240x16xf32, #tpu.memory_space<hbm>>, %arg8: memref<2x10240x16xf32, #tpu.memory_space<hbm>>, %arg9: memref<2x10240x16xf32, #tpu.memory_space<hbm>>, %arg10: memref<10x1000xi32, #tpu.memory_space<vmem>>, %arg11: memref<10x1000xi32, #tpu.memory_space<vmem>>, %arg12: memref<640x16xf32, #tpu.memory_space<vmem>>, %arg13: memref<640x16xf32, #tpu.memory_space<vmem>>, %arg14: memref<640xf32, #tpu.memory_space<vmem>>, %arg15: memref<640xf32, #tpu.memory_space<vmem>>, %arg16: memref<640xf32, #tpu.memory_space<vmem>>, %arg17: memref<640xf32, #tpu.memory_space<vmem>>, %arg18: memref<16xf32, #tpu.memory_space<vmem>>, %arg19: memref<4x1000x16xf32, #tpu.memory_space<vmem>>, %arg20: memref<10240x16xf32, #tpu.memory_space<vmem_shared>>, %arg21: memref<!tpu.dma_semaphore, #tpu.memory_space<semaphore_mem>>, %arg22: memref<!tpu.dma_semaphore, #tpu.memory_space<semaphore_mem>>) attributes {dimension_semantics = [#tpu.dimension_semantics<core_parallel>, #tpu.dimension_semantics<subcore_parallel>], iteration_bounds = array<i64: 2, 16>, scalar_prefetch = 0 : i64, scratch_operands = 13 : i64, tpu.core_type = #tpu.core_type<sc_vector_subcore>, window_params = [{transform_indices = #map}, {transform_indices = #map}, {transform_indices = #map1}, {transform_indices = #map2}, {transform_indices = #map2}, {transform_indices = #map2}, {transform_indices = #map}, {transform_indices = #map}]} {
    %mul3A = arith.constant 16 : i32
    %mul3A_0 = arith.muli %arg0, %mul3A : i32
    %add3A = arith.addi %mul3A_0, %arg1 : i32
    %mul3A_1 = arith.constant 640 : i32
    %mul3A_2 = arith.muli %arg1, %mul3A_1 : i32
    %mul3A_3 = arith.constant 10 : i32
    %mul3A_4 = arith.muli %add3A, %mul3A_3 : i32
    %dma_start3A = arith.constant 0 : i32
    %dma_start3A_5 = tpu.memref_slice %arg5[%mul3A_4, %dma_start3A] : memref<320x1000xi32, #tpu.memory_space<hbm>> -> memref<10x1000xi32, #tpu.memory_space<hbm>>
    %dma_start3A_6 = arith.constant 0 : i32
    %dma_start3A_7 = tpu.memref_slice %arg5[%mul3A_4, %dma_start3A_6] : memref<320x1000xi32, #tpu.memory_space<hbm>> -> memref<10x1000xi32, #tpu.memory_space<hbm>>
    tpu.enqueue_dma source(%dma_start3A_7 : memref<10x1000xi32, #tpu.memory_space<hbm>>) target(%arg10 : memref<10x1000xi32, #tpu.memory_space<vmem>>) target_semaphore(%arg21 : memref<!tpu.dma_semaphore, #tpu.memory_space<semaphore_mem>>)
    %mul3A_8 = arith.constant 10 : i32
    %mul3A_9 = arith.muli %add3A, %mul3A_8 : i32
    %dma_start3A_10 = arith.constant 0 : i32
    %dma_start3A_11 = tpu.memref_slice %arg6[%mul3A_9, %dma_start3A_10] : memref<320x1000xi32, #tpu.memory_space<hbm>> -> memref<10x1000xi32, #tpu.memory_space<hbm>>
    %dma_start3A_12 = arith.constant 0 : i32
    %dma_start3A_13 = tpu.memref_slice %arg6[%mul3A_9, %dma_start3A_12] : memref<320x1000xi32, #tpu.memory_space<hbm>> -> memref<10x1000xi32, #tpu.memory_space<hbm>>
    tpu.enqueue_dma source(%dma_start3A_13 : memref<10x1000xi32, #tpu.memory_space<hbm>>) target(%arg11 : memref<10x1000xi32, #tpu.memory_space<vmem>>) target_semaphore(%arg21 : memref<!tpu.dma_semaphore, #tpu.memory_space<semaphore_mem>>)
    %dma_start3A_14 = arith.constant 0 : i32
    %dma_start3A_15 = arith.constant 0 : i32
    %dma_start3A_16 = tpu.memref_slice %arg2[%dma_start3A_14, %mul3A_2, %dma_start3A_15] : memref<2x10240x16xf32, #tpu.memory_space<hbm>> -> memref<1x640x16xf32, #tpu.memory_space<hbm>>
    %dma_start3A_17 = tpu.memref_squeeze %dma_start3A_16 : memref<1x640x16xf32, #tpu.memory_space<hbm>> -> memref<640x16xf32, #tpu.memory_space<hbm>>
    %dma_start3A_18 = arith.constant 0 : i32
    %dma_start3A_19 = tpu.memref_slice %arg2[%dma_start3A_14, %mul3A_2, %dma_start3A_18] : memref<2x10240x16xf32, #tpu.memory_space<hbm>> -> memref<1x640x16xf32, #tpu.memory_space<hbm>>
    %dma_start3A_20 = tpu.memref_squeeze %dma_start3A_19 : memref<1x640x16xf32, #tpu.memory_space<hbm>> -> memref<640x16xf32, #tpu.memory_space<hbm>>
    tpu.enqueue_dma source(%dma_start3A_20 : memref<640x16xf32, #tpu.memory_space<hbm>>) target(%arg12 : memref<640x16xf32, #tpu.memory_space<vmem>>) target_semaphore(%arg21 : memref<!tpu.dma_semaphore, #tpu.memory_space<semaphore_mem>>)
    %dma_start3A_21 = arith.constant 1 : i32
    %dma_start3A_22 = arith.constant 0 : i32
    %dma_start3A_23 = tpu.memref_slice %arg2[%dma_start3A_21, %mul3A_2, %dma_start3A_22] : memref<2x10240x16xf32, #tpu.memory_space<hbm>> -> memref<1x640x16xf32, #tpu.memory_space<hbm>>
    %dma_start3A_24 = tpu.memref_squeeze %dma_start3A_23 : memref<1x640x16xf32, #tpu.memory_space<hbm>> -> memref<640x16xf32, #tpu.memory_space<hbm>>
    %dma_start3A_25 = arith.constant 0 : i32
    %dma_start3A_26 = tpu.memref_slice %arg2[%dma_start3A_21, %mul3A_2, %dma_start3A_25] : memref<2x10240x16xf32, #tpu.memory_space<hbm>> -> memref<1x640x16xf32, #tpu.memory_space<hbm>>
    %dma_start3A_27 = tpu.memref_squeeze %dma_start3A_26 : memref<1x640x16xf32, #tpu.memory_space<hbm>> -> memref<640x16xf32, #tpu.memory_space<hbm>>
    tpu.enqueue_dma source(%dma_start3A_27 : memref<640x16xf32, #tpu.memory_space<hbm>>) target(%arg13 : memref<640x16xf32, #tpu.memory_space<vmem>>) target_semaphore(%arg21 : memref<!tpu.dma_semaphore, #tpu.memory_space<semaphore_mem>>)
    %dma_start3A_28 = arith.constant 0 : i32
    %dma_start3A_29 = arith.constant 0 : i32
    %dma_start3A_30 = tpu.memref_slice %arg3[%dma_start3A_28, %dma_start3A_29, %mul3A_2] : memref<2x2x10240xf32, #tpu.memory_space<hbm>> -> memref<1x1x640xf32, #tpu.memory_space<hbm>>
    %dma_start3A_31 = tpu.memref_squeeze %dma_start3A_30 : memref<1x1x640xf32, #tpu.memory_space<hbm>> -> memref<640xf32, #tpu.memory_space<hbm>>
    %dma_start3A_32 = tpu.memref_slice %arg3[%dma_start3A_28, %dma_start3A_29, %mul3A_2] : memref<2x2x10240xf32, #tpu.memory_space<hbm>> -> memref<1x1x640xf32, #tpu.memory_space<hbm>>
    %dma_start3A_33 = tpu.memref_squeeze %dma_start3A_32 : memref<1x1x640xf32, #tpu.memory_space<hbm>> -> memref<640xf32, #tpu.memory_space<hbm>>
    tpu.enqueue_dma source(%dma_start3A_33 : memref<640xf32, #tpu.memory_space<hbm>>) target(%arg14 : memref<640xf32, #tpu.memory_space<vmem>>) target_semaphore(%arg21 : memref<!tpu.dma_semaphore, #tpu.memory_space<semaphore_mem>>)
    %dma_start3A_34 = arith.constant 1 : i32
    %dma_start3A_35 = arith.constant 0 : i32
    %dma_start3A_36 = tpu.memref_slice %arg3[%dma_start3A_34, %dma_start3A_35, %mul3A_2] : memref<2x2x10240xf32, #tpu.memory_space<hbm>> -> memref<1x1x640xf32, #tpu.memory_space<hbm>>
    %dma_start3A_37 = tpu.memref_squeeze %dma_start3A_36 : memref<1x1x640xf32, #tpu.memory_space<hbm>> -> memref<640xf32, #tpu.memory_space<hbm>>
    %dma_start3A_38 = tpu.memref_slice %arg3[%dma_start3A_34, %dma_start3A_35, %mul3A_2] : memref<2x2x10240xf32, #tpu.memory_space<hbm>> -> memref<1x1x640xf32, #tpu.memory_space<hbm>>
    %dma_start3A_39 = tpu.memref_squeeze %dma_start3A_38 : memref<1x1x640xf32, #tpu.memory_space<hbm>> -> memref<640xf32, #tpu.memory_space<hbm>>
    tpu.enqueue_dma source(%dma_start3A_39 : memref<640xf32, #tpu.memory_space<hbm>>) target(%arg15 : memref<640xf32, #tpu.memory_space<vmem>>) target_semaphore(%arg21 : memref<!tpu.dma_semaphore, #tpu.memory_space<semaphore_mem>>)
    %dma_start3A_40 = arith.constant 0 : i32
    %dma_start3A_41 = arith.constant 1 : i32
    %dma_start3A_42 = tpu.memref_slice %arg3[%dma_start3A_40, %dma_start3A_41, %mul3A_2] : memref<2x2x10240xf32, #tpu.memory_space<hbm>> -> memref<1x1x640xf32, #tpu.memory_space<hbm>>
    %dma_start3A_43 = tpu.memref_squeeze %dma_start3A_42 : memref<1x1x640xf32, #tpu.memory_space<hbm>> -> memref<640xf32, #tpu.memory_space<hbm>>
    %dma_start3A_44 = tpu.memref_slice %arg3[%dma_start3A_40, %dma_start3A_41, %mul3A_2] : memref<2x2x10240xf32, #tpu.memory_space<hbm>> -> memref<1x1x640xf32, #tpu.memory_space<hbm>>
    %dma_start3A_45 = tpu.memref_squeeze %dma_start3A_44 : memref<1x1x640xf32, #tpu.memory_space<hbm>> -> memref<640xf32, #tpu.memory_space<hbm>>
    tpu.enqueue_dma source(%dma_start3A_45 : memref<640xf32, #tpu.memory_space<hbm>>) target(%arg16 : memref<640xf32, #tpu.memory_space<vmem>>) target_semaphore(%arg21 : memref<!tpu.dma_semaphore, #tpu.memory_space<semaphore_mem>>)
    %dma_start3A_46 = arith.constant 1 : i32
    %dma_start3A_47 = arith.constant 1 : i32
    %dma_start3A_48 = tpu.memref_slice %arg3[%dma_start3A_46, %dma_start3A_47, %mul3A_2] : memref<2x2x10240xf32, #tpu.memory_space<hbm>> -> memref<1x1x640xf32, #tpu.memory_space<hbm>>
    %dma_start3A_49 = tpu.memref_squeeze %dma_start3A_48 : memref<1x1x640xf32, #tpu.memory_space<hbm>> -> memref<640xf32, #tpu.memory_space<hbm>>
    %dma_start3A_50 = tpu.memref_slice %arg3[%dma_start3A_46, %dma_start3A_47, %mul3A_2] : memref<2x2x10240xf32, #tpu.memory_space<hbm>> -> memref<1x1x640xf32, #tpu.memory_space<hbm>>
    %dma_start3A_51 = tpu.memref_squeeze %dma_start3A_50 : memref<1x1x640xf32, #tpu.memory_space<hbm>> -> memref<640xf32, #tpu.memory_space<hbm>>
    tpu.enqueue_dma source(%dma_start3A_51 : memref<640xf32, #tpu.memory_space<hbm>>) target(%arg17 : memref<640xf32, #tpu.memory_space<vmem>>) target_semaphore(%arg21 : memref<!tpu.dma_semaphore, #tpu.memory_space<semaphore_mem>>)
    tpu.enqueue_dma source(%arg4 : memref<16xf32, #tpu.memory_space<hbm>>) target(%arg18 : memref<16xf32, #tpu.memory_space<vmem>>) target_semaphore(%arg21 : memref<!tpu.dma_semaphore, #tpu.memory_space<semaphore_mem>>)
    %dma_start3A_52 = arith.constant 0 : i32
    %dma_start3A_53 = tpu.memref_slice %arg20[%mul3A_2, %dma_start3A_52] : memref<10240x16xf32, #tpu.memory_space<vmem_shared>> -> memref<640x16xf32, #tpu.memory_space<vmem_shared>>
    %dma_start3A_54 = arith.constant 0 : i32
    %dma_start3A_55 = tpu.memref_slice %arg7[%mul3A_2, %dma_start3A_54] : memref<10240x16xf32, #tpu.memory_space<hbm>> -> memref<640x16xf32, #tpu.memory_space<hbm>>
    tpu.enqueue_dma source(%dma_start3A_55 : memref<640x16xf32, #tpu.memory_space<hbm>>) target(%dma_start3A_53 : memref<640x16xf32, #tpu.memory_space<vmem_shared>>) target_semaphore(%arg22 : memref<!tpu.dma_semaphore, #tpu.memory_space<semaphore_mem>>)
    %dma_wait3A = arith.constant 0 : i32
    %dma_wait3A_56 = tpu.memref_slice %arg5[%mul3A_4, %dma_wait3A] : memref<320x1000xi32, #tpu.memory_space<hbm>> -> memref<10x1000xi32, #tpu.memory_space<hbm>>
    %dma_wait3A_57 = arith.constant 0 : i32
    %dma_wait3A_58 = tpu.memref_slice %arg5[%mul3A_4, %dma_wait3A_57] : memref<320x1000xi32, #tpu.memory_space<hbm>> -> memref<10x1000xi32, #tpu.memory_space<hbm>>
    tpu.wait_dma2 semaphore(%arg21 : memref<!tpu.dma_semaphore, #tpu.memory_space<semaphore_mem>>) src(%dma_wait3A_58 : memref<10x1000xi32, #tpu.memory_space<hbm>>) dst(%arg10 : memref<10x1000xi32, #tpu.memory_space<vmem>>)
    %dma_wait3A_59 = arith.constant 0 : i32
    %dma_wait3A_60 = tpu.memref_slice %arg6[%mul3A_9, %dma_wait3A_59] : memref<320x1000xi32, #tpu.memory_space<hbm>> -> memref<10x1000xi32, #tpu.memory_space<hbm>>
    %dma_wait3A_61 = arith.constant 0 : i32
    %dma_wait3A_62 = tpu.memref_slice %arg6[%mul3A_9, %dma_wait3A_61] : memref<320x1000xi32, #tpu.memory_space<hbm>> -> memref<10x1000xi32, #tpu.memory_space<hbm>>
    tpu.wait_dma2 semaphore(%arg21 : memref<!tpu.dma_semaphore, #tpu.memory_space<semaphore_mem>>) src(%dma_wait3A_62 : memref<10x1000xi32, #tpu.memory_space<hbm>>) dst(%arg11 : memref<10x1000xi32, #tpu.memory_space<vmem>>)
    %dma_wait3A_63 = arith.constant 0 : i32
    %dma_wait3A_64 = arith.constant 0 : i32
    %dma_wait3A_65 = tpu.memref_slice %arg2[%dma_wait3A_63, %mul3A_2, %dma_wait3A_64] : memref<2x10240x16xf32, #tpu.memory_space<hbm>> -> memref<1x640x16xf32, #tpu.memory_space<hbm>>
    %dma_wait3A_66 = tpu.memref_squeeze %dma_wait3A_65 : memref<1x640x16xf32, #tpu.memory_space<hbm>> -> memref<640x16xf32, #tpu.memory_space<hbm>>
    %dma_wait3A_67 = arith.constant 0 : i32
    %dma_wait3A_68 = tpu.memref_slice %arg2[%dma_wait3A_63, %mul3A_2, %dma_wait3A_67] : memref<2x10240x16xf32, #tpu.memory_space<hbm>> -> memref<1x640x16xf32, #tpu.memory_space<hbm>>
    %dma_wait3A_69 = tpu.memref_squeeze %dma_wait3A_68 : memref<1x640x16xf32, #tpu.memory_space<hbm>> -> memref<640x16xf32, #tpu.memory_space<hbm>>
    tpu.wait_dma2 semaphore(%arg21 : memref<!tpu.dma_semaphore, #tpu.memory_space<semaphore_mem>>) src(%dma_wait3A_69 : memref<640x16xf32, #tpu.memory_space<hbm>>) dst(%arg12 : memref<640x16xf32, #tpu.memory_space<vmem>>)
    %dma_wait3A_70 = arith.constant 1 : i32
    %dma_wait3A_71 = arith.constant 0 : i32
    %dma_wait3A_72 = tpu.memref_slice %arg2[%dma_wait3A_70, %mul3A_2, %dma_wait3A_71] : memref<2x10240x16xf32, #tpu.memory_space<hbm>> -> memref<1x640x16xf32, #tpu.memory_space<hbm>>
    %dma_wait3A_73 = tpu.memref_squeeze %dma_wait3A_72 : memref<1x640x16xf32, #tpu.memory_space<hbm>> -> memref<640x16xf32, #tpu.memory_space<hbm>>
    %dma_wait3A_74 = arith.constant 0 : i32
    %dma_wait3A_75 = tpu.memref_slice %arg2[%dma_wait3A_70, %mul3A_2, %dma_wait3A_74] : memref<2x10240x16xf32, #tpu.memory_space<hbm>> -> memref<1x640x16xf32, #tpu.memory_space<hbm>>
    %dma_wait3A_76 = tpu.memref_squeeze %dma_wait3A_75 : memref<1x640x16xf32, #tpu.memory_space<hbm>> -> memref<640x16xf32, #tpu.memory_space<hbm>>
    tpu.wait_dma2 semaphore(%arg21 : memref<!tpu.dma_semaphore, #tpu.memory_space<semaphore_mem>>) src(%dma_wait3A_76 : memref<640x16xf32, #tpu.memory_space<hbm>>) dst(%arg13 : memref<640x16xf32, #tpu.memory_space<vmem>>)
    %dma_wait3A_77 = arith.constant 0 : i32
    %dma_wait3A_78 = arith.constant 0 : i32
    %dma_wait3A_79 = tpu.memref_slice %arg3[%dma_wait3A_77, %dma_wait3A_78, %mul3A_2] : memref<2x2x10240xf32, #tpu.memory_space<hbm>> -> memref<1x1x640xf32, #tpu.memory_space<hbm>>
    %dma_wait3A_80 = tpu.memref_squeeze %dma_wait3A_79 : memref<1x1x640xf32, #tpu.memory_space<hbm>> -> memref<640xf32, #tpu.memory_space<hbm>>
    %dma_wait3A_81 = tpu.memref_slice %arg3[%dma_wait3A_77, %dma_wait3A_78, %mul3A_2] : memref<2x2x10240xf32, #tpu.memory_space<hbm>> -> memref<1x1x640xf32, #tpu.memory_space<hbm>>
    %dma_wait3A_82 = tpu.memref_squeeze %dma_wait3A_81 : memref<1x1x640xf32, #tpu.memory_space<hbm>> -> memref<640xf32, #tpu.memory_space<hbm>>
    tpu.wait_dma2 semaphore(%arg21 : memref<!tpu.dma_semaphore, #tpu.memory_space<semaphore_mem>>) src(%dma_wait3A_82 : memref<640xf32, #tpu.memory_space<hbm>>) dst(%arg14 : memref<640xf32, #tpu.memory_space<vmem>>)
    %dma_wait3A_83 = arith.constant 1 : i32
    %dma_wait3A_84 = arith.constant 0 : i32
    %dma_wait3A_85 = tpu.memref_slice %arg3[%dma_wait3A_83, %dma_wait3A_84, %mul3A_2] : memref<2x2x10240xf32, #tpu.memory_space<hbm>> -> memref<1x1x640xf32, #tpu.memory_space<hbm>>
    %dma_wait3A_86 = tpu.memref_squeeze %dma_wait3A_85 : memref<1x1x640xf32, #tpu.memory_space<hbm>> -> memref<640xf32, #tpu.memory_space<hbm>>
    %dma_wait3A_87 = tpu.memref_slice %arg3[%dma_wait3A_83, %dma_wait3A_84, %mul3A_2] : memref<2x2x10240xf32, #tpu.memory_space<hbm>> -> memref<1x1x640xf32, #tpu.memory_space<hbm>>
    %dma_wait3A_88 = tpu.memref_squeeze %dma_wait3A_87 : memref<1x1x640xf32, #tpu.memory_space<hbm>> -> memref<640xf32, #tpu.memory_space<hbm>>
    tpu.wait_dma2 semaphore(%arg21 : memref<!tpu.dma_semaphore, #tpu.memory_space<semaphore_mem>>) src(%dma_wait3A_88 : memref<640xf32, #tpu.memory_space<hbm>>) dst(%arg15 : memref<640xf32, #tpu.memory_space<vmem>>)
    %dma_wait3A_89 = arith.constant 0 : i32
    %dma_wait3A_90 = arith.constant 1 : i32
    %dma_wait3A_91 = tpu.memref_slice %arg3[%dma_wait3A_89, %dma_wait3A_90, %mul3A_2] : memref<2x2x10240xf32, #tpu.memory_space<hbm>> -> memref<1x1x640xf32, #tpu.memory_space<hbm>>
    %dma_wait3A_92 = tpu.memref_squeeze %dma_wait3A_91 : memref<1x1x640xf32, #tpu.memory_space<hbm>> -> memref<640xf32, #tpu.memory_space<hbm>>
    %dma_wait3A_93 = tpu.memref_slice %arg3[%dma_wait3A_89, %dma_wait3A_90, %mul3A_2] : memref<2x2x10240xf32, #tpu.memory_space<hbm>> -> memref<1x1x640xf32, #tpu.memory_space<hbm>>
    %dma_wait3A_94 = tpu.memref_squeeze %dma_wait3A_93 : memref<1x1x640xf32, #tpu.memory_space<hbm>> -> memref<640xf32, #tpu.memory_space<hbm>>
    tpu.wait_dma2 semaphore(%arg21 : memref<!tpu.dma_semaphore, #tpu.memory_space<semaphore_mem>>) src(%dma_wait3A_94 : memref<640xf32, #tpu.memory_space<hbm>>) dst(%arg16 : memref<640xf32, #tpu.memory_space<vmem>>)
    %dma_wait3A_95 = arith.constant 1 : i32
    %dma_wait3A_96 = arith.constant 1 : i32
    %dma_wait3A_97 = tpu.memref_slice %arg3[%dma_wait3A_95, %dma_wait3A_96, %mul3A_2] : memref<2x2x10240xf32, #tpu.memory_space<hbm>> -> memref<1x1x640xf32, #tpu.memory_space<hbm>>
    %dma_wait3A_98 = tpu.memref_squeeze %dma_wait3A_97 : memref<1x1x640xf32, #tpu.memory_space<hbm>> -> memref<640xf32, #tpu.memory_space<hbm>>
    %dma_wait3A_99 = tpu.memref_slice %arg3[%dma_wait3A_95, %dma_wait3A_96, %mul3A_2] : memref<2x2x10240xf32, #tpu.memory_space<hbm>> -> memref<1x1x640xf32, #tpu.memory_space<hbm>>
    %dma_wait3A_100 = tpu.memref_squeeze %dma_wait3A_99 : memref<1x1x640xf32, #tpu.memory_space<hbm>> -> memref<640xf32, #tpu.memory_space<hbm>>
    tpu.wait_dma2 semaphore(%arg21 : memref<!tpu.dma_semaphore, #tpu.memory_space<semaphore_mem>>) src(%dma_wait3A_100 : memref<640xf32, #tpu.memory_space<hbm>>) dst(%arg17 : memref<640xf32, #tpu.memory_space<vmem>>)
    tpu.wait_dma2 semaphore(%arg21 : memref<!tpu.dma_semaphore, #tpu.memory_space<semaphore_mem>>) src(%arg4 : memref<16xf32, #tpu.memory_space<hbm>>) dst(%arg18 : memref<16xf32, #tpu.memory_space<vmem>>)
    %dma_wait3A_101 = arith.constant 0 : i32
    %dma_wait3A_102 = tpu.memref_slice %arg20[%mul3A_2, %dma_wait3A_101] : memref<10240x16xf32, #tpu.memory_space<vmem_shared>> -> memref<640x16xf32, #tpu.memory_space<vmem_shared>>
    %dma_wait3A_103 = arith.constant 0 : i32
    %dma_wait3A_104 = tpu.memref_slice %arg7[%mul3A_2, %dma_wait3A_103] : memref<10240x16xf32, #tpu.memory_space<hbm>> -> memref<640x16xf32, #tpu.memory_space<hbm>>
    tpu.wait_dma2 semaphore(%arg22 : memref<!tpu.dma_semaphore, #tpu.memory_space<semaphore_mem>>) src(%dma_wait3A_104 : memref<640x16xf32, #tpu.memory_space<hbm>>) dst(%dma_wait3A_102 : memref<640x16xf32, #tpu.memory_space<vmem_shared>>)
    %get3A = arith.constant 0 : index
    %get3A_105 = tpu.vector_load %arg18[%get3A] {strides = array<i32>} : memref<16xf32, #tpu.memory_space<vmem>>, vector<16xf32>,
    %get3A_106 = vector.shape_cast %get3A_105 : vector<16xf32> to vector<16xf32>
    %scan3A = arith.constant 0 : i32
    %scan3A_107 = arith.constant 0 : i32
    %scan3A_108 = arith.constant 40 : i32
    %scan3A_109 = arith.addi %scan3A_107, %scan3A_108 : i32
    %scan3A_110 = arith.constant 1 : i32
    scf.for %scan3A_179 = %scan3A_107 to %scan3A_109 step %scan3A_110  : i32 {
      %mul3A_180 = arith.constant 16 : i32
      %mul3A_181 = arith.muli %scan3A_179, %mul3A_180 : i32
      %get3A_182 = arith.index_cast %mul3A_181 : i32 to index
      %get3A_183 = tpu.vector_load %arg16[%get3A_182] {strides = array<i32>} : memref<640xf32, #tpu.memory_space<vmem>>, vector<16xf32>,
      %get3A_184 = vector.shape_cast %get3A_183 : vector<16xf32> to vector<16xf32>
      %get3A_185 = arith.index_cast %mul3A_181 : i32 to index
      %get3A_186 = tpu.vector_load %arg17[%get3A_185] {strides = array<i32>} : memref<640xf32, #tpu.memory_space<vmem>>, vector<16xf32>,
      %get3A_187 = vector.shape_cast %get3A_186 : vector<16xf32> to vector<16xf32>
      %add3A_188 = arith.addf %get3A_184, %get3A_187 : vector<16xf32>
      %max3A = arith.constant 1.000000e+00 : f32
      %max3A_189 = vector.broadcast %max3A : f32 to vector<16xf32>
      %max3A_190 = arith.maximumf %add3A_188, %max3A_189 : vector<16xf32>
      %bitcast_convert_type3A = tpu.bitcast %max3A_190 : vector<16xf32> -> vector<16xi32>
      %shift_right_logical3A = arith.constant 1 : i32
      %shift_right_logical3A_191 = vector.broadcast %shift_right_logical3A : i32 to vector<16xi32>
      %shift_right_logical3A_192 = arith.shrui %bitcast_convert_type3A, %shift_right_logical3A_191 : vector<16xi32>
      %sub3A = arith.constant 1597463007 : i32
      %sub3A_193 = vector.broadcast %sub3A : i32 to vector<16xi32>
      %sub3A_194 = arith.subi %sub3A_193, %shift_right_logical3A_192 : vector<16xi32>
      %bitcast_convert_type3A_195 = tpu.bitcast %sub3A_194 : vector<16xi32> -> vector<16xf32>
      %mul3A_196 = arith.constant 5.000000e-01 : f32
      %mul3A_197 = vector.broadcast %mul3A_196 : f32 to vector<16xf32>
      %mul3A_198 = arith.mulf %mul3A_197, %max3A_190 : vector<16xf32>
      %mul3A_199 = arith.mulf %mul3A_198, %bitcast_convert_type3A_195 : vector<16xf32>
      %mul3A_200 = arith.mulf %mul3A_199, %bitcast_convert_type3A_195 : vector<16xf32>
      %sub3A_201 = arith.constant 1.500000e+00 : f32
      %sub3A_202 = vector.broadcast %sub3A_201 : f32 to vector<16xf32>
      %sub3A_203 = arith.subf %sub3A_202, %mul3A_200 : vector<16xf32>
      %mul3A_204 = arith.mulf %bitcast_convert_type3A_195, %sub3A_203 : vector<16xf32>
      %mul3A_205 = arith.constant 5.000000e-01 : f32
      %mul3A_206 = vector.broadcast %mul3A_205 : f32 to vector<16xf32>
      %mul3A_207 = arith.mulf %mul3A_206, %max3A_190 : vector<16xf32>
      %mul3A_208 = arith.mulf %mul3A_207, %mul3A_204 : vector<16xf32>
      %mul3A_209 = arith.mulf %mul3A_208, %mul3A_204 : vector<16xf32>
      %sub3A_210 = arith.constant 1.500000e+00 : f32
      %sub3A_211 = vector.broadcast %sub3A_210 : f32 to vector<16xf32>
      %sub3A_212 = arith.subf %sub3A_211, %mul3A_209 : vector<16xf32>
      %mul3A_213 = arith.mulf %mul3A_204, %sub3A_212 : vector<16xf32>
      %mul3A_214 = arith.constant 5.000000e-01 : f32
      %mul3A_215 = vector.broadcast %mul3A_214 : f32 to vector<16xf32>
      %mul3A_216 = arith.mulf %mul3A_215, %max3A_190 : vector<16xf32>
      %mul3A_217 = arith.mulf %mul3A_216, %mul3A_213 : vector<16xf32>
      %mul3A_218 = arith.mulf %mul3A_217, %mul3A_213 : vector<16xf32>
      %sub3A_219 = arith.constant 1.500000e+00 : f32
      %sub3A_220 = vector.broadcast %sub3A_219 : f32 to vector<16xf32>
      %sub3A_221 = arith.subf %sub3A_220, %mul3A_218 : vector<16xf32>
      %mul3A_222 = arith.mulf %mul3A_213, %sub3A_221 : vector<16xf32>
      %get3A_223 = arith.index_cast %mul3A_181 : i32 to index
      %get3A_224 = tpu.vector_load %arg14[%get3A_223] {strides = array<i32>} : memref<640xf32, #tpu.memory_space<vmem>>, vector<16xf32>,
      %get3A_225 = vector.shape_cast %get3A_224 : vector<16xf32> to vector<16xf32>
      %get3A_226 = arith.index_cast %mul3A_181 : i32 to index
      %get3A_227 = tpu.vector_load %arg15[%get3A_226] {strides = array<i32>} : memref<640xf32, #tpu.memory_space<vmem>>, vector<16xf32>,
      %get3A_228 = vector.shape_cast %get3A_227 : vector<16xf32> to vector<16xf32>
      %add3A_229 = arith.addf %get3A_225, %get3A_228 : vector<16xf32>
      %max3A_230 = arith.constant 1.000000e+00 : f32
      %max3A_231 = vector.broadcast %max3A_230 : f32 to vector<16xf32>
      %max3A_232 = arith.maximumf %add3A_229, %max3A_231 : vector<16xf32>
      %bitcast_convert_type3A_233 = tpu.bitcast %max3A_232 : vector<16xf32> -> vector<16xi32>
      %shift_right_logical3A_234 = arith.constant 1 : i32
      %shift_right_logical3A_235 = vector.broadcast %shift_right_logical3A_234 : i32 to vector<16xi32>
      %shift_right_logical3A_236 = arith.shrui %bitcast_convert_type3A_233, %shift_right_logical3A_235 : vector<16xi32>
      %sub3A_237 = arith.constant 1597463007 : i32
      %sub3A_238 = vector.broadcast %sub3A_237 : i32 to vector<16xi32>
      %sub3A_239 = arith.subi %sub3A_238, %shift_right_logical3A_236 : vector<16xi32>
      %bitcast_convert_type3A_240 = tpu.bitcast %sub3A_239 : vector<16xi32> -> vector<16xf32>
      %mul3A_241 = arith.constant 5.000000e-01 : f32
      %mul3A_242 = vector.broadcast %mul3A_241 : f32 to vector<16xf32>
      %mul3A_243 = arith.mulf %mul3A_242, %max3A_232 : vector<16xf32>
      %mul3A_244 = arith.mulf %mul3A_243, %bitcast_convert_type3A_240 : vector<16xf32>
      %mul3A_245 = arith.mulf %mul3A_244, %bitcast_convert_type3A_240 : vector<16xf32>
      %sub3A_246 = arith.constant 1.500000e+00 : f32
      %sub3A_247 = vector.broadcast %sub3A_246 : f32 to vector<16xf32>
      %sub3A_248 = arith.subf %sub3A_247, %mul3A_245 : vector<16xf32>
      %mul3A_249 = arith.mulf %bitcast_convert_type3A_240, %sub3A_248 : vector<16xf32>
      %mul3A_250 = arith.constant 5.000000e-01 : f32
      %mul3A_251 = vector.broadcast %mul3A_250 : f32 to vector<16xf32>
      %mul3A_252 = arith.mulf %mul3A_251, %max3A_232 : vector<16xf32>
      %mul3A_253 = arith.mulf %mul3A_252, %mul3A_249 : vector<16xf32>
      %mul3A_254 = arith.mulf %mul3A_253, %mul3A_249 : vector<16xf32>
      %sub3A_255 = arith.constant 1.500000e+00 : f32
      %sub3A_256 = vector.broadcast %sub3A_255 : f32 to vector<16xf32>
      %sub3A_257 = arith.subf %sub3A_256, %mul3A_254 : vector<16xf32>
      %mul3A_258 = arith.mulf %mul3A_249, %sub3A_257 : vector<16xf32>
      %mul3A_259 = arith.constant 5.000000e-01 : f32
      %mul3A_260 = vector.broadcast %mul3A_259 : f32 to vector<16xf32>
      %mul3A_261 = arith.mulf %mul3A_260, %max3A_232 : vector<16xf32>
      %mul3A_262 = arith.mulf %mul3A_261, %mul3A_258 : vector<16xf32>
      %mul3A_263 = arith.mulf %mul3A_262, %mul3A_258 : vector<16xf32>
      %sub3A_264 = arith.constant 1.500000e+00 : f32
      %sub3A_265 = vector.broadcast %sub3A_264 : f32 to vector<16xf32>
      %sub3A_266 = arith.subf %sub3A_265, %mul3A_263 : vector<16xf32>
      %mul3A_267 = arith.mulf %mul3A_258, %sub3A_266 : vector<16xf32>
      %add3A_268 = arith.constant 0 : i32
      %add3A_269 = arith.addi %mul3A_181, %add3A_268 : i32
      %get3A_270 = arith.index_cast %add3A_269 : i32 to index
      %get3A_271 = arith.constant 0 : index
      %get3A_272 = tpu.vector_load %arg12[%get3A_270, %get3A_271] {strides = array<i32>} : memref<640x16xf32, #tpu.memory_space<vmem>>, vector<1x16xf32>,
      %get3A_273 = vector.shape_cast %get3A_272 : vector<1x16xf32> to vector<16xf32>
      %add3A_274 = arith.constant 0 : i32
      %add3A_275 = arith.addi %mul3A_181, %add3A_274 : i32
      %get3A_276 = arith.index_cast %add3A_275 : i32 to index
      %get3A_277 = arith.constant 0 : index
      %get3A_278 = tpu.vector_load %arg13[%get3A_276, %get3A_277] {strides = array<i32>} : memref<640x16xf32, #tpu.memory_space<vmem>>, vector<1x16xf32>,
      %get3A_279 = vector.shape_cast %get3A_278 : vector<1x16xf32> to vector<16xf32>
      %add3A_280 = arith.addf %get3A_273, %get3A_279 : vector<16xf32>
      %slice3A = vector.extract_strided_slice %mul3A_222 {offsets = [0], sizes = [1], strides = [1]} : vector<16xf32> to vector<1xf32>
      %squeeze3A = vector.extract %slice3A[0] : f32 from vector<1xf32>
      %mul3A_281 = vector.broadcast %squeeze3A : f32 to vector<16xf32>
      %mul3A_282 = arith.mulf %add3A_280, %mul3A_281 : vector<16xf32>
      %add3A_283 = arith.addf %mul3A_282, %get3A_106 : vector<16xf32>
      %max3A_284 = arith.constant 0.000000e+00 : f32
      %max3A_285 = vector.broadcast %max3A_284 : f32 to vector<16xf32>
      %max3A_286 = arith.maximumf %add3A_283, %max3A_285 : vector<16xf32>
      %slice3A_287 = vector.extract_strided_slice %mul3A_267 {offsets = [0], sizes = [1], strides = [1]} : vector<16xf32> to vector<1xf32>
      %squeeze3A_288 = vector.extract %slice3A_287[0] : f32 from vector<1xf32>
      %mul3A_289 = vector.broadcast %squeeze3A_288 : f32 to vector<16xf32>
      %mul3A_290 = arith.mulf %max3A_286, %mul3A_289 : vector<16xf32>
      %add3A_291 = arith.constant 0 : i32
      %add3A_292 = arith.addi %mul3A_181, %add3A_291 : i32
      %swap3A = arith.index_cast %add3A_292 : i32 to index
      %swap3A_293 = arith.constant 0 : index
      %swap3A_294 = tpu.vector_load %arg12[%swap3A, %swap3A_293] {strides = array<i32>} : memref<640x16xf32, #tpu.memory_space<vmem>>, vector<1x16xf32>,
      %swap3A_295 = vector.shape_cast %swap3A_294 : vector<1x16xf32> to vector<16xf32>
      %swap3A_296 = vector.shape_cast %mul3A_290 : vector<16xf32> to vector<1x16xf32>
      tpu.vector_store %arg12[%swap3A, %swap3A_293], %swap3A_296 {strides = array<i32>} : memref<640x16xf32, #tpu.memory_space<vmem>>, vector<1x16xf32>,
      %add3A_297 = arith.constant 1 : i32
      %add3A_298 = arith.addi %mul3A_181, %add3A_297 : i32
      %get3A_299 = arith.index_cast %add3A_298 : i32 to index
      %get3A_300 = arith.constant 0 : index
      %get3A_301 = tpu.vector_load %arg12[%get3A_299, %get3A_300] {strides = array<i32>} : memref<640x16xf32, #tpu.memory_space<vmem>>, vector<1x16xf32>,
      %get3A_302 = vector.shape_cast %get3A_301 : vector<1x16xf32> to vector<16xf32>
      %add3A_303 = arith.constant 1 : i32
      %add3A_304 = arith.addi %mul3A_181, %add3A_303 : i32
      %get3A_305 = arith.index_cast %add3A_304 : i32 to index
      %get3A_306 = arith.constant 0 : index
      %get3A_307 = tpu.vector_load %arg13[%get3A_305, %get3A_306] {strides = array<i32>} : memref<640x16xf32, #tpu.memory_space<vmem>>, vector<1x16xf32>,
      %get3A_308 = vector.shape_cast %get3A_307 : vector<1x16xf32> to vector<16xf32>
      %add3A_309 = arith.addf %get3A_302, %get3A_308 : vector<16xf32>
      %slice3A_310 = vector.extract_strided_slice %mul3A_222 {offsets = [1], sizes = [1], strides = [1]} : vector<16xf32> to vector<1xf32>
      %squeeze3A_311 = vector.extract %slice3A_310[0] : f32 from vector<1xf32>
      %mul3A_312 = vector.broadcast %squeeze3A_311 : f32 to vector<16xf32>
      %mul3A_313 = arith.mulf %add3A_309, %mul3A_312 : vector<16xf32>
      %add3A_314 = arith.addf %mul3A_313, %get3A_106 : vector<16xf32>
      %max3A_315 = arith.constant 0.000000e+00 : f32
      %max3A_316 = vector.broadcast %max3A_315 : f32 to vector<16xf32>
      %max3A_317 = arith.maximumf %add3A_314, %max3A_316 : vector<16xf32>
      %slice3A_318 = vector.extract_strided_slice %mul3A_267 {offsets = [1], sizes = [1], strides = [1]} : vector<16xf32> to vector<1xf32>
      %squeeze3A_319 = vector.extract %slice3A_318[0] : f32 from vector<1xf32>
      %mul3A_320 = vector.broadcast %squeeze3A_319 : f32 to vector<16xf32>
      %mul3A_321 = arith.mulf %max3A_317, %mul3A_320 : vector<16xf32>
      %add3A_322 = arith.constant 1 : i32
      %add3A_323 = arith.addi %mul3A_181, %add3A_322 : i32
      %swap3A_324 = arith.index_cast %add3A_323 : i32 to index
      %swap3A_325 = arith.constant 0 : index
      %swap3A_326 = tpu.vector_load %arg12[%swap3A_324, %swap3A_325] {strides = array<i32>} : memref<640x16xf32, #tpu.memory_space<vmem>>, vector<1x16xf32>,
      %swap3A_327 = vector.shape_cast %swap3A_326 : vector<1x16xf32> to vector<16xf32>
      %swap3A_328 = vector.shape_cast %mul3A_321 : vector<16xf32> to vector<1x16xf32>
      tpu.vector_store %arg12[%swap3A_324, %swap3A_325], %swap3A_328 {strides = array<i32>} : memref<640x16xf32, #tpu.memory_space<vmem>>, vector<1x16xf32>,
      %add3A_329 = arith.constant 2 : i32
      %add3A_330 = arith.addi %mul3A_181, %add3A_329 : i32
      %get3A_331 = arith.index_cast %add3A_330 : i32 to index
      %get3A_332 = arith.constant 0 : index
      %get3A_333 = tpu.vector_load %arg12[%get3A_331, %get3A_332] {strides = array<i32>} : memref<640x16xf32, #tpu.memory_space<vmem>>, vector<1x16xf32>,
      %get3A_334 = vector.shape_cast %get3A_333 : vector<1x16xf32> to vector<16xf32>
      %add3A_335 = arith.constant 2 : i32
      %add3A_336 = arith.addi %mul3A_181, %add3A_335 : i32
      %get3A_337 = arith.index_cast %add3A_336 : i32 to index
      %get3A_338 = arith.constant 0 : index
      %get3A_339 = tpu.vector_load %arg13[%get3A_337, %get3A_338] {strides = array<i32>} : memref<640x16xf32, #tpu.memory_space<vmem>>, vector<1x16xf32>,
      %get3A_340 = vector.shape_cast %get3A_339 : vector<1x16xf32> to vector<16xf32>
      %add3A_341 = arith.addf %get3A_334, %get3A_340 : vector<16xf32>
      %slice3A_342 = vector.extract_strided_slice %mul3A_222 {offsets = [2], sizes = [1], strides = [1]} : vector<16xf32> to vector<1xf32>
      %squeeze3A_343 = vector.extract %slice3A_342[0] : f32 from vector<1xf32>
      %mul3A_344 = vector.broadcast %squeeze3A_343 : f32 to vector<16xf32>
      %mul3A_345 = arith.mulf %add3A_341, %mul3A_344 : vector<16xf32>
      %add3A_346 = arith.addf %mul3A_345, %get3A_106 : vector<16xf32>
      %max3A_347 = arith.constant 0.000000e+00 : f32
      %max3A_348 = vector.broadcast %max3A_347 : f32 to vector<16xf32>
      %max3A_349 = arith.maximumf %add3A_346, %max3A_348 : vector<16xf32>
      %slice3A_350 = vector.extract_strided_slice %mul3A_267 {offsets = [2], sizes = [1], strides = [1]} : vector<16xf32> to vector<1xf32>
      %squeeze3A_351 = vector.extract %slice3A_350[0] : f32 from vector<1xf32>
      %mul3A_352 = vector.broadcast %squeeze3A_351 : f32 to vector<16xf32>
      %mul3A_353 = arith.mulf %max3A_349, %mul3A_352 : vector<16xf32>
      %add3A_354 = arith.constant 2 : i32
      %add3A_355 = arith.addi %mul3A_181, %add3A_354 : i32
      %swap3A_356 = arith.index_cast %add3A_355 : i32 to index
      %swap3A_357 = arith.constant 0 : index
      %swap3A_358 = tpu.vector_load %arg12[%swap3A_356, %swap3A_357] {strides = array<i32>} : memref<640x16xf32, #tpu.memory_space<vmem>>, vector<1x16xf32>,
      %swap3A_359 = vector.shape_cast %swap3A_358 : vector<1x16xf32> to vector<16xf32>
      %swap3A_360 = vector.shape_cast %mul3A_353 : vector<16xf32> to vector<1x16xf32>
      tpu.vector_store %arg12[%swap3A_356, %swap3A_357], %swap3A_360 {strides = array<i32>} : memref<640x16xf32, #tpu.memory_space<vmem>>, vector<1x16xf32>,
      %add3A_361 = arith.constant 3 : i32
      %add3A_362 = arith.addi %mul3A_181, %add3A_361 : i32
      %get3A_363 = arith.index_cast %add3A_362 : i32 to index
      %get3A_364 = arith.constant 0 : index
      %get3A_365 = tpu.vector_load %arg12[%get3A_363, %get3A_364] {strides = array<i32>} : memref<640x16xf32, #tpu.memory_space<vmem>>, vector<1x16xf32>,
      %get3A_366 = vector.shape_cast %get3A_365 : vector<1x16xf32> to vector<16xf32>
      %add3A_367 = arith.constant 3 : i32
      %add3A_368 = arith.addi %mul3A_181, %add3A_367 : i32
      %get3A_369 = arith.index_cast %add3A_368 : i32 to index
      %get3A_370 = arith.constant 0 : index
      %get3A_371 = tpu.vector_load %arg13[%get3A_369, %get3A_370] {strides = array<i32>} : memref<640x16xf32, #tpu.memory_space<vmem>>, vector<1x16xf32>,
      %get3A_372 = vector.shape_cast %get3A_371 : vector<1x16xf32> to vector<16xf32>
      %add3A_373 = arith.addf %get3A_366, %get3A_372 : vector<16xf32>
      %slice3A_374 = vector.extract_strided_slice %mul3A_222 {offsets = [3], sizes = [1], strides = [1]} : vector<16xf32> to vector<1xf32>
      %squeeze3A_375 = vector.extract %slice3A_374[0] : f32 from vector<1xf32>
      %mul3A_376 = vector.broadcast %squeeze3A_375 : f32 to vector<16xf32>
      %mul3A_377 = arith.mulf %add3A_373, %mul3A_376 : vector<16xf32>
      %add3A_378 = arith.addf %mul3A_377, %get3A_106 : vector<16xf32>
      %max3A_379 = arith.constant 0.000000e+00 : f32
      %max3A_380 = vector.broadcast %max3A_379 : f32 to vector<16xf32>
      %max3A_381 = arith.maximumf %add3A_378, %max3A_380 : vector<16xf32>
      %slice3A_382 = vector.extract_strided_slice %mul3A_267 {offsets = [3], sizes = [1], strides = [1]} : vector<16xf32> to vector<1xf32>
      %squeeze3A_383 = vector.extract %slice3A_382[0] : f32 from vector<1xf32>
      %mul3A_384 = vector.broadcast %squeeze3A_383 : f32 to vector<16xf32>
      %mul3A_385 = arith.mulf %max3A_381, %mul3A_384 : vector<16xf32>
      %add3A_386 = arith.constant 3 : i32
      %add3A_387 = arith.addi %mul3A_181, %add3A_386 : i32
      %swap3A_388 = arith.index_cast %add3A_387 : i32 to index
      %swap3A_389 = arith.constant 0 : index
      %swap3A_390 = tpu.vector_load %arg12[%swap3A_388, %swap3A_389] {strides = array<i32>} : memref<640x16xf32, #tpu.memory_space<vmem>>, vector<1x16xf32>,
      %swap3A_391 = vector.shape_cast %swap3A_390 : vector<1x16xf32> to vector<16xf32>
      %swap3A_392 = vector.shape_cast %mul3A_385 : vector<16xf32> to vector<1x16xf32>
      tpu.vector_store %arg12[%swap3A_388, %swap3A_389], %swap3A_392 {strides = array<i32>} : memref<640x16xf32, #tpu.memory_space<vmem>>, vector<1x16xf32>,
      %add3A_393 = arith.constant 4 : i32
      %add3A_394 = arith.addi %mul3A_181, %add3A_393 : i32
      %get3A_395 = arith.index_cast %add3A_394 : i32 to index
      %get3A_396 = arith.constant 0 : index
      %get3A_397 = tpu.vector_load %arg12[%get3A_395, %get3A_396] {strides = array<i32>} : memref<640x16xf32, #tpu.memory_space<vmem>>, vector<1x16xf32>,
      %get3A_398 = vector.shape_cast %get3A_397 : vector<1x16xf32> to vector<16xf32>
      %add3A_399 = arith.constant 4 : i32
      %add3A_400 = arith.addi %mul3A_181, %add3A_399 : i32
      %get3A_401 = arith.index_cast %add3A_400 : i32 to index
      %get3A_402 = arith.constant 0 : index
      %get3A_403 = tpu.vector_load %arg13[%get3A_401, %get3A_402] {strides = array<i32>} : memref<640x16xf32, #tpu.memory_space<vmem>>, vector<1x16xf32>,
      %get3A_404 = vector.shape_cast %get3A_403 : vector<1x16xf32> to vector<16xf32>
      %add3A_405 = arith.addf %get3A_398, %get3A_404 : vector<16xf32>
      %slice3A_406 = vector.extract_strided_slice %mul3A_222 {offsets = [4], sizes = [1], strides = [1]} : vector<16xf32> to vector<1xf32>
      %squeeze3A_407 = vector.extract %slice3A_406[0] : f32 from vector<1xf32>
      %mul3A_408 = vector.broadcast %squeeze3A_407 : f32 to vector<16xf32>
      %mul3A_409 = arith.mulf %add3A_405, %mul3A_408 : vector<16xf32>
      %add3A_410 = arith.addf %mul3A_409, %get3A_106 : vector<16xf32>
      %max3A_411 = arith.constant 0.000000e+00 : f32
      %max3A_412 = vector.broadcast %max3A_411 : f32 to vector<16xf32>
      %max3A_413 = arith.maximumf %add3A_410, %max3A_412 : vector<16xf32>
      %slice3A_414 = vector.extract_strided_slice %mul3A_267 {offsets = [4], sizes = [1], strides = [1]} : vector<16xf32> to vector<1xf32>
      %squeeze3A_415 = vector.extract %slice3A_414[0] : f32 from vector<1xf32>
      %mul3A_416 = vector.broadcast %squeeze3A_415 : f32 to vector<16xf32>
      %mul3A_417 = arith.mulf %max3A_413, %mul3A_416 : vector<16xf32>
      %add3A_418 = arith.constant 4 : i32
      %add3A_419 = arith.addi %mul3A_181, %add3A_418 : i32
      %swap3A_420 = arith.index_cast %add3A_419 : i32 to index
      %swap3A_421 = arith.constant 0 : index
      %swap3A_422 = tpu.vector_load %arg12[%swap3A_420, %swap3A_421] {strides = array<i32>} : memref<640x16xf32, #tpu.memory_space<vmem>>, vector<1x16xf32>,
      %swap3A_423 = vector.shape_cast %swap3A_422 : vector<1x16xf32> to vector<16xf32>
      %swap3A_424 = vector.shape_cast %mul3A_417 : vector<16xf32> to vector<1x16xf32>
      tpu.vector_store %arg12[%swap3A_420, %swap3A_421], %swap3A_424 {strides = array<i32>} : memref<640x16xf32, #tpu.memory_space<vmem>>, vector<1x16xf32>,
      %add3A_425 = arith.constant 5 : i32
      %add3A_426 = arith.addi %mul3A_181, %add3A_425 : i32
      %get3A_427 = arith.index_cast %add3A_426 : i32 to index
      %get3A_428 = arith.constant 0 : index
      %get3A_429 = tpu.vector_load %arg12[%get3A_427, %get3A_428] {strides = array<i32>} : memref<640x16xf32, #tpu.memory_space<vmem>>, vector<1x16xf32>,
      %get3A_430 = vector.shape_cast %get3A_429 : vector<1x16xf32> to vector<16xf32>
      %add3A_431 = arith.constant 5 : i32
      %add3A_432 = arith.addi %mul3A_181, %add3A_431 : i32
      %get3A_433 = arith.index_cast %add3A_432 : i32 to index
      %get3A_434 = arith.constant 0 : index
      %get3A_435 = tpu.vector_load %arg13[%get3A_433, %get3A_434] {strides = array<i32>} : memref<640x16xf32, #tpu.memory_space<vmem>>, vector<1x16xf32>,
      %get3A_436 = vector.shape_cast %get3A_435 : vector<1x16xf32> to vector<16xf32>
      %add3A_437 = arith.addf %get3A_430, %get3A_436 : vector<16xf32>
      %slice3A_438 = vector.extract_strided_slice %mul3A_222 {offsets = [5], sizes = [1], strides = [1]} : vector<16xf32> to vector<1xf32>
      %squeeze3A_439 = vector.extract %slice3A_438[0] : f32 from vector<1xf32>
      %mul3A_440 = vector.broadcast %squeeze3A_439 : f32 to vector<16xf32>
      %mul3A_441 = arith.mulf %add3A_437, %mul3A_440 : vector<16xf32>
      %add3A_442 = arith.addf %mul3A_441, %get3A_106 : vector<16xf32>
      %max3A_443 = arith.constant 0.000000e+00 : f32
      %max3A_444 = vector.broadcast %max3A_443 : f32 to vector<16xf32>
      %max3A_445 = arith.maximumf %add3A_442, %max3A_444 : vector<16xf32>
      %slice3A_446 = vector.extract_strided_slice %mul3A_267 {offsets = [5], sizes = [1], strides = [1]} : vector<16xf32> to vector<1xf32>
      %squeeze3A_447 = vector.extract %slice3A_446[0] : f32 from vector<1xf32>
      %mul3A_448 = vector.broadcast %squeeze3A_447 : f32 to vector<16xf32>
      %mul3A_449 = arith.mulf %max3A_445, %mul3A_448 : vector<16xf32>
      %add3A_450 = arith.constant 5 : i32
      %add3A_451 = arith.addi %mul3A_181, %add3A_450 : i32
      %swap3A_452 = arith.index_cast %add3A_451 : i32 to index
      %swap3A_453 = arith.constant 0 : index
      %swap3A_454 = tpu.vector_load %arg12[%swap3A_452, %swap3A_453] {strides = array<i32>} : memref<640x16xf32, #tpu.memory_space<vmem>>, vector<1x16xf32>,
      %swap3A_455 = vector.shape_cast %swap3A_454 : vector<1x16xf32> to vector<16xf32>
      %swap3A_456 = vector.shape_cast %mul3A_449 : vector<16xf32> to vector<1x16xf32>
      tpu.vector_store %arg12[%swap3A_452, %swap3A_453], %swap3A_456 {strides = array<i32>} : memref<640x16xf32, #tpu.memory_space<vmem>>, vector<1x16xf32>,
      %add3A_457 = arith.constant 6 : i32
      %add3A_458 = arith.addi %mul3A_181, %add3A_457 : i32
      %get3A_459 = arith.index_cast %add3A_458 : i32 to index
      %get3A_460 = arith.constant 0 : index
      %get3A_461 = tpu.vector_load %arg12[%get3A_459, %get3A_460] {strides = array<i32>} : memref<640x16xf32, #tpu.memory_space<vmem>>, vector<1x16xf32>,
      %get3A_462 = vector.shape_cast %get3A_461 : vector<1x16xf32> to vector<16xf32>
      %add3A_463 = arith.constant 6 : i32
      %add3A_464 = arith.addi %mul3A_181, %add3A_463 : i32
      %get3A_465 = arith.index_cast %add3A_464 : i32 to index
      %get3A_466 = arith.constant 0 : index
      %get3A_467 = tpu.vector_load %arg13[%get3A_465, %get3A_466] {strides = array<i32>} : memref<640x16xf32, #tpu.memory_space<vmem>>, vector<1x16xf32>,
      %get3A_468 = vector.shape_cast %get3A_467 : vector<1x16xf32> to vector<16xf32>
      %add3A_469 = arith.addf %get3A_462, %get3A_468 : vector<16xf32>
      %slice3A_470 = vector.extract_strided_slice %mul3A_222 {offsets = [6], sizes = [1], strides = [1]} : vector<16xf32> to vector<1xf32>
      %squeeze3A_471 = vector.extract %slice3A_470[0] : f32 from vector<1xf32>
      %mul3A_472 = vector.broadcast %squeeze3A_471 : f32 to vector<16xf32>
      %mul3A_473 = arith.mulf %add3A_469, %mul3A_472 : vector<16xf32>
      %add3A_474 = arith.addf %mul3A_473, %get3A_106 : vector<16xf32>
      %max3A_475 = arith.constant 0.000000e+00 : f32
      %max3A_476 = vector.broadcast %max3A_475 : f32 to vector<16xf32>
      %max3A_477 = arith.maximumf %add3A_474, %max3A_476 : vector<16xf32>
      %slice3A_478 = vector.extract_strided_slice %mul3A_267 {offsets = [6], sizes = [1], strides = [1]} : vector<16xf32> to vector<1xf32>
      %squeeze3A_479 = vector.extract %slice3A_478[0] : f32 from vector<1xf32>
      %mul3A_480 = vector.broadcast %squeeze3A_479 : f32 to vector<16xf32>
      %mul3A_481 = arith.mulf %max3A_477, %mul3A_480 : vector<16xf32>
      %add3A_482 = arith.constant 6 : i32
      %add3A_483 = arith.addi %mul3A_181, %add3A_482 : i32
      %swap3A_484 = arith.index_cast %add3A_483 : i32 to index
      %swap3A_485 = arith.constant 0 : index
      %swap3A_486 = tpu.vector_load %arg12[%swap3A_484, %swap3A_485] {strides = array<i32>} : memref<640x16xf32, #tpu.memory_space<vmem>>, vector<1x16xf32>,
      %swap3A_487 = vector.shape_cast %swap3A_486 : vector<1x16xf32> to vector<16xf32>
      %swap3A_488 = vector.shape_cast %mul3A_481 : vector<16xf32> to vector<1x16xf32>
      tpu.vector_store %arg12[%swap3A_484, %swap3A_485], %swap3A_488 {strides = array<i32>} : memref<640x16xf32, #tpu.memory_space<vmem>>, vector<1x16xf32>,
      %add3A_489 = arith.constant 7 : i32
      %add3A_490 = arith.addi %mul3A_181, %add3A_489 : i32
      %get3A_491 = arith.index_cast %add3A_490 : i32 to index
      %get3A_492 = arith.constant 0 : index
      %get3A_493 = tpu.vector_load %arg12[%get3A_491, %get3A_492] {strides = array<i32>} : memref<640x16xf32, #tpu.memory_space<vmem>>, vector<1x16xf32>,
      %get3A_494 = vector.shape_cast %get3A_493 : vector<1x16xf32> to vector<16xf32>
      %add3A_495 = arith.constant 7 : i32
      %add3A_496 = arith.addi %mul3A_181, %add3A_495 : i32
      %get3A_497 = arith.index_cast %add3A_496 : i32 to index
      %get3A_498 = arith.constant 0 : index
      %get3A_499 = tpu.vector_load %arg13[%get3A_497, %get3A_498] {strides = array<i32>} : memref<640x16xf32, #tpu.memory_space<vmem>>, vector<1x16xf32>,
      %get3A_500 = vector.shape_cast %get3A_499 : vector<1x16xf32> to vector<16xf32>
      %add3A_501 = arith.addf %get3A_494, %get3A_500 : vector<16xf32>
      %slice3A_502 = vector.extract_strided_slice %mul3A_222 {offsets = [7], sizes = [1], strides = [1]} : vector<16xf32> to vector<1xf32>
      %squeeze3A_503 = vector.extract %slice3A_502[0] : f32 from vector<1xf32>
      %mul3A_504 = vector.broadcast %squeeze3A_503 : f32 to vector<16xf32>
      %mul3A_505 = arith.mulf %add3A_501, %mul3A_504 : vector<16xf32>
      %add3A_506 = arith.addf %mul3A_505, %get3A_106 : vector<16xf32>
      %max3A_507 = arith.constant 0.000000e+00 : f32
      %max3A_508 = vector.broadcast %max3A_507 : f32 to vector<16xf32>
      %max3A_509 = arith.maximumf %add3A_506, %max3A_508 : vector<16xf32>
      %slice3A_510 = vector.extract_strided_slice %mul3A_267 {offsets = [7], sizes = [1], strides = [1]} : vector<16xf32> to vector<1xf32>
      %squeeze3A_511 = vector.extract %slice3A_510[0] : f32 from vector<1xf32>
      %mul3A_512 = vector.broadcast %squeeze3A_511 : f32 to vector<16xf32>
      %mul3A_513 = arith.mulf %max3A_509, %mul3A_512 : vector<16xf32>
      %add3A_514 = arith.constant 7 : i32
      %add3A_515 = arith.addi %mul3A_181, %add3A_514 : i32
      %swap3A_516 = arith.index_cast %add3A_515 : i32 to index
      %swap3A_517 = arith.constant 0 : index
      %swap3A_518 = tpu.vector_load %arg12[%swap3A_516, %swap3A_517] {strides = array<i32>} : memref<640x16xf32, #tpu.memory_space<vmem>>, vector<1x16xf32>,
      %swap3A_519 = vector.shape_cast %swap3A_518 : vector<1x16xf32> to vector<16xf32>
      %swap3A_520 = vector.shape_cast %mul3A_513 : vector<16xf32> to vector<1x16xf32>
      tpu.vector_store %arg12[%swap3A_516, %swap3A_517], %swap3A_520 {strides = array<i32>} : memref<640x16xf32, #tpu.memory_space<vmem>>, vector<1x16xf32>,
      %add3A_521 = arith.constant 8 : i32
      %add3A_522 = arith.addi %mul3A_181, %add3A_521 : i32
      %get3A_523 = arith.index_cast %add3A_522 : i32 to index
      %get3A_524 = arith.constant 0 : index
      %get3A_525 = tpu.vector_load %arg12[%get3A_523, %get3A_524] {strides = array<i32>} : memref<640x16xf32, #tpu.memory_space<vmem>>, vector<1x16xf32>,
      %get3A_526 = vector.shape_cast %get3A_525 : vector<1x16xf32> to vector<16xf32>
      %add3A_527 = arith.constant 8 : i32
      %add3A_528 = arith.addi %mul3A_181, %add3A_527 : i32
      %get3A_529 = arith.index_cast %add3A_528 : i32 to index
      %get3A_530 = arith.constant 0 : index
      %get3A_531 = tpu.vector_load %arg13[%get3A_529, %get3A_530] {strides = array<i32>} : memref<640x16xf32, #tpu.memory_space<vmem>>, vector<1x16xf32>,
      %get3A_532 = vector.shape_cast %get3A_531 : vector<1x16xf32> to vector<16xf32>
      %add3A_533 = arith.addf %get3A_526, %get3A_532 : vector<16xf32>
      %slice3A_534 = vector.extract_strided_slice %mul3A_222 {offsets = [8], sizes = [1], strides = [1]} : vector<16xf32> to vector<1xf32>
      %squeeze3A_535 = vector.extract %slice3A_534[0] : f32 from vector<1xf32>
      %mul3A_536 = vector.broadcast %squeeze3A_535 : f32 to vector<16xf32>
      %mul3A_537 = arith.mulf %add3A_533, %mul3A_536 : vector<16xf32>
      %add3A_538 = arith.addf %mul3A_537, %get3A_106 : vector<16xf32>
      %max3A_539 = arith.constant 0.000000e+00 : f32
      %max3A_540 = vector.broadcast %max3A_539 : f32 to vector<16xf32>
      %max3A_541 = arith.maximumf %add3A_538, %max3A_540 : vector<16xf32>
      %slice3A_542 = vector.extract_strided_slice %mul3A_267 {offsets = [8], sizes = [1], strides = [1]} : vector<16xf32> to vector<1xf32>
      %squeeze3A_543 = vector.extract %slice3A_542[0] : f32 from vector<1xf32>
      %mul3A_544 = vector.broadcast %squeeze3A_543 : f32 to vector<16xf32>
      %mul3A_545 = arith.mulf %max3A_541, %mul3A_544 : vector<16xf32>
      %add3A_546 = arith.constant 8 : i32
      %add3A_547 = arith.addi %mul3A_181, %add3A_546 : i32
      %swap3A_548 = arith.index_cast %add3A_547 : i32 to index
      %swap3A_549 = arith.constant 0 : index
      %swap3A_550 = tpu.vector_load %arg12[%swap3A_548, %swap3A_549] {strides = array<i32>} : memref<640x16xf32, #tpu.memory_space<vmem>>, vector<1x16xf32>,
      %swap3A_551 = vector.shape_cast %swap3A_550 : vector<1x16xf32> to vector<16xf32>
      %swap3A_552 = vector.shape_cast %mul3A_545 : vector<16xf32> to vector<1x16xf32>
      tpu.vector_store %arg12[%swap3A_548, %swap3A_549], %swap3A_552 {strides = array<i32>} : memref<640x16xf32, #tpu.memory_space<vmem>>, vector<1x16xf32>,
      %add3A_553 = arith.constant 9 : i32
      %add3A_554 = arith.addi %mul3A_181, %add3A_553 : i32
      %get3A_555 = arith.index_cast %add3A_554 : i32 to index
      %get3A_556 = arith.constant 0 : index
      %get3A_557 = tpu.vector_load %arg12[%get3A_555, %get3A_556] {strides = array<i32>} : memref<640x16xf32, #tpu.memory_space<vmem>>, vector<1x16xf32>,
      %get3A_558 = vector.shape_cast %get3A_557 : vector<1x16xf32> to vector<16xf32>
      %add3A_559 = arith.constant 9 : i32
      %add3A_560 = arith.addi %mul3A_181, %add3A_559 : i32
      %get3A_561 = arith.index_cast %add3A_560 : i32 to index
      %get3A_562 = arith.constant 0 : index
      %get3A_563 = tpu.vector_load %arg13[%get3A_561, %get3A_562] {strides = array<i32>} : memref<640x16xf32, #tpu.memory_space<vmem>>, vector<1x16xf32>,
      %get3A_564 = vector.shape_cast %get3A_563 : vector<1x16xf32> to vector<16xf32>
      %add3A_565 = arith.addf %get3A_558, %get3A_564 : vector<16xf32>
      %slice3A_566 = vector.extract_strided_slice %mul3A_222 {offsets = [9], sizes = [1], strides = [1]} : vector<16xf32> to vector<1xf32>
      %squeeze3A_567 = vector.extract %slice3A_566[0] : f32 from vector<1xf32>
      %mul3A_568 = vector.broadcast %squeeze3A_567 : f32 to vector<16xf32>
      %mul3A_569 = arith.mulf %add3A_565, %mul3A_568 : vector<16xf32>
      %add3A_570 = arith.addf %mul3A_569, %get3A_106 : vector<16xf32>
      %max3A_571 = arith.constant 0.000000e+00 : f32
      %max3A_572 = vector.broadcast %max3A_571 : f32 to vector<16xf32>
      %max3A_573 = arith.maximumf %add3A_570, %max3A_572 : vector<16xf32>
      %slice3A_574 = vector.extract_strided_slice %mul3A_267 {offsets = [9], sizes = [1], strides = [1]} : vector<16xf32> to vector<1xf32>
      %squeeze3A_575 = vector.extract %slice3A_574[0] : f32 from vector<1xf32>
      %mul3A_576 = vector.broadcast %squeeze3A_575 : f32 to vector<16xf32>
      %mul3A_577 = arith.mulf %max3A_573, %mul3A_576 : vector<16xf32>
      %add3A_578 = arith.constant 9 : i32
      %add3A_579 = arith.addi %mul3A_181, %add3A_578 : i32
      %swap3A_580 = arith.index_cast %add3A_579 : i32 to index
      %swap3A_581 = arith.constant 0 : index
      %swap3A_582 = tpu.vector_load %arg12[%swap3A_580, %swap3A_581] {strides = array<i32>} : memref<640x16xf32, #tpu.memory_space<vmem>>, vector<1x16xf32>,
      %swap3A_583 = vector.shape_cast %swap3A_582 : vector<1x16xf32> to vector<16xf32>
      %swap3A_584 = vector.shape_cast %mul3A_577 : vector<16xf32> to vector<1x16xf32>
      tpu.vector_store %arg12[%swap3A_580, %swap3A_581], %swap3A_584 {strides = array<i32>} : memref<640x16xf32, #tpu.memory_space<vmem>>, vector<1x16xf32>,
      %add3A_585 = arith.constant 10 : i32
      %add3A_586 = arith.addi %mul3A_181, %add3A_585 : i32
      %get3A_587 = arith.index_cast %add3A_586 : i32 to index
      %get3A_588 = arith.constant 0 : index
      %get3A_589 = tpu.vector_load %arg12[%get3A_587, %get3A_588] {strides = array<i32>} : memref<640x16xf32, #tpu.memory_space<vmem>>, vector<1x16xf32>,
      %get3A_590 = vector.shape_cast %get3A_589 : vector<1x16xf32> to vector<16xf32>
      %add3A_591 = arith.constant 10 : i32
      %add3A_592 = arith.addi %mul3A_181, %add3A_591 : i32
      %get3A_593 = arith.index_cast %add3A_592 : i32 to index
      %get3A_594 = arith.constant 0 : index
      %get3A_595 = tpu.vector_load %arg13[%get3A_593, %get3A_594] {strides = array<i32>} : memref<640x16xf32, #tpu.memory_space<vmem>>, vector<1x16xf32>,
      %get3A_596 = vector.shape_cast %get3A_595 : vector<1x16xf32> to vector<16xf32>
      %add3A_597 = arith.addf %get3A_590, %get3A_596 : vector<16xf32>
      %slice3A_598 = vector.extract_strided_slice %mul3A_222 {offsets = [10], sizes = [1], strides = [1]} : vector<16xf32> to vector<1xf32>
      %squeeze3A_599 = vector.extract %slice3A_598[0] : f32 from vector<1xf32>
      %mul3A_600 = vector.broadcast %squeeze3A_599 : f32 to vector<16xf32>
      %mul3A_601 = arith.mulf %add3A_597, %mul3A_600 : vector<16xf32>
      %add3A_602 = arith.addf %mul3A_601, %get3A_106 : vector<16xf32>
      %max3A_603 = arith.constant 0.000000e+00 : f32
      %max3A_604 = vector.broadcast %max3A_603 : f32 to vector<16xf32>
      %max3A_605 = arith.maximumf %add3A_602, %max3A_604 : vector<16xf32>
      %slice3A_606 = vector.extract_strided_slice %mul3A_267 {offsets = [10], sizes = [1], strides = [1]} : vector<16xf32> to vector<1xf32>
      %squeeze3A_607 = vector.extract %slice3A_606[0] : f32 from vector<1xf32>
      %mul3A_608 = vector.broadcast %squeeze3A_607 : f32 to vector<16xf32>
      %mul3A_609 = arith.mulf %max3A_605, %mul3A_608 : vector<16xf32>
      %add3A_610 = arith.constant 10 : i32
      %add3A_611 = arith.addi %mul3A_181, %add3A_610 : i32
      %swap3A_612 = arith.index_cast %add3A_611 : i32 to index
      %swap3A_613 = arith.constant 0 : index
      %swap3A_614 = tpu.vector_load %arg12[%swap3A_612, %swap3A_613] {strides = array<i32>} : memref<640x16xf32, #tpu.memory_space<vmem>>, vector<1x16xf32>,
      %swap3A_615 = vector.shape_cast %swap3A_614 : vector<1x16xf32> to vector<16xf32>
      %swap3A_616 = vector.shape_cast %mul3A_609 : vector<16xf32> to vector<1x16xf32>
      tpu.vector_store %arg12[%swap3A_612, %swap3A_613], %swap3A_616 {strides = array<i32>} : memref<640x16xf32, #tpu.memory_space<vmem>>, vector<1x16xf32>,
      %add3A_617 = arith.constant 11 : i32
      %add3A_618 = arith.addi %mul3A_181, %add3A_617 : i32
      %get3A_619 = arith.index_cast %add3A_618 : i32 to index
      %get3A_620 = arith.constant 0 : index
      %get3A_621 = tpu.vector_load %arg12[%get3A_619, %get3A_620] {strides = array<i32>} : memref<640x16xf32, #tpu.memory_space<vmem>>, vector<1x16xf32>,
      %get3A_622 = vector.shape_cast %get3A_621 : vector<1x16xf32> to vector<16xf32>
      %add3A_623 = arith.constant 11 : i32
      %add3A_624 = arith.addi %mul3A_181, %add3A_623 : i32
      %get3A_625 = arith.index_cast %add3A_624 : i32 to index
      %get3A_626 = arith.constant 0 : index
      %get3A_627 = tpu.vector_load %arg13[%get3A_625, %get3A_626] {strides = array<i32>} : memref<640x16xf32, #tpu.memory_space<vmem>>, vector<1x16xf32>,
      %get3A_628 = vector.shape_cast %get3A_627 : vector<1x16xf32> to vector<16xf32>
      %add3A_629 = arith.addf %get3A_622, %get3A_628 : vector<16xf32>
      %slice3A_630 = vector.extract_strided_slice %mul3A_222 {offsets = [11], sizes = [1], strides = [1]} : vector<16xf32> to vector<1xf32>
      %squeeze3A_631 = vector.extract %slice3A_630[0] : f32 from vector<1xf32>
      %mul3A_632 = vector.broadcast %squeeze3A_631 : f32 to vector<16xf32>
      %mul3A_633 = arith.mulf %add3A_629, %mul3A_632 : vector<16xf32>
      %add3A_634 = arith.addf %mul3A_633, %get3A_106 : vector<16xf32>
      %max3A_635 = arith.constant 0.000000e+00 : f32
      %max3A_636 = vector.broadcast %max3A_635 : f32 to vector<16xf32>
      %max3A_637 = arith.maximumf %add3A_634, %max3A_636 : vector<16xf32>
      %slice3A_638 = vector.extract_strided_slice %mul3A_267 {offsets = [11], sizes = [1], strides = [1]} : vector<16xf32> to vector<1xf32>
      %squeeze3A_639 = vector.extract %slice3A_638[0] : f32 from vector<1xf32>
      %mul3A_640 = vector.broadcast %squeeze3A_639 : f32 to vector<16xf32>
      %mul3A_641 = arith.mulf %max3A_637, %mul3A_640 : vector<16xf32>
      %add3A_642 = arith.constant 11 : i32
      %add3A_643 = arith.addi %mul3A_181, %add3A_642 : i32
      %swap3A_644 = arith.index_cast %add3A_643 : i32 to index
      %swap3A_645 = arith.constant 0 : index
      %swap3A_646 = tpu.vector_load %arg12[%swap3A_644, %swap3A_645] {strides = array<i32>} : memref<640x16xf32, #tpu.memory_space<vmem>>, vector<1x16xf32>,
      %swap3A_647 = vector.shape_cast %swap3A_646 : vector<1x16xf32> to vector<16xf32>
      %swap3A_648 = vector.shape_cast %mul3A_641 : vector<16xf32> to vector<1x16xf32>
      tpu.vector_store %arg12[%swap3A_644, %swap3A_645], %swap3A_648 {strides = array<i32>} : memref<640x16xf32, #tpu.memory_space<vmem>>, vector<1x16xf32>,
      %add3A_649 = arith.constant 12 : i32
      %add3A_650 = arith.addi %mul3A_181, %add3A_649 : i32
      %get3A_651 = arith.index_cast %add3A_650 : i32 to index
      %get3A_652 = arith.constant 0 : index
      %get3A_653 = tpu.vector_load %arg12[%get3A_651, %get3A_652] {strides = array<i32>} : memref<640x16xf32, #tpu.memory_space<vmem>>, vector<1x16xf32>,
      %get3A_654 = vector.shape_cast %get3A_653 : vector<1x16xf32> to vector<16xf32>
      %add3A_655 = arith.constant 12 : i32
      %add3A_656 = arith.addi %mul3A_181, %add3A_655 : i32
      %get3A_657 = arith.index_cast %add3A_656 : i32 to index
      %get3A_658 = arith.constant 0 : index
      %get3A_659 = tpu.vector_load %arg13[%get3A_657, %get3A_658] {strides = array<i32>} : memref<640x16xf32, #tpu.memory_space<vmem>>, vector<1x16xf32>,
      %get3A_660 = vector.shape_cast %get3A_659 : vector<1x16xf32> to vector<16xf32>
      %add3A_661 = arith.addf %get3A_654, %get3A_660 : vector<16xf32>
      %slice3A_662 = vector.extract_strided_slice %mul3A_222 {offsets = [12], sizes = [1], strides = [1]} : vector<16xf32> to vector<1xf32>
      %squeeze3A_663 = vector.extract %slice3A_662[0] : f32 from vector<1xf32>
      %mul3A_664 = vector.broadcast %squeeze3A_663 : f32 to vector<16xf32>
      %mul3A_665 = arith.mulf %add3A_661, %mul3A_664 : vector<16xf32>
      %add3A_666 = arith.addf %mul3A_665, %get3A_106 : vector<16xf32>
      %max3A_667 = arith.constant 0.000000e+00 : f32
      %max3A_668 = vector.broadcast %max3A_667 : f32 to vector<16xf32>
      %max3A_669 = arith.maximumf %add3A_666, %max3A_668 : vector<16xf32>
      %slice3A_670 = vector.extract_strided_slice %mul3A_267 {offsets = [12], sizes = [1], strides = [1]} : vector<16xf32> to vector<1xf32>
      %squeeze3A_671 = vector.extract %slice3A_670[0] : f32 from vector<1xf32>
      %mul3A_672 = vector.broadcast %squeeze3A_671 : f32 to vector<16xf32>
      %mul3A_673 = arith.mulf %max3A_669, %mul3A_672 : vector<16xf32>
      %add3A_674 = arith.constant 12 : i32
      %add3A_675 = arith.addi %mul3A_181, %add3A_674 : i32
      %swap3A_676 = arith.index_cast %add3A_675 : i32 to index
      %swap3A_677 = arith.constant 0 : index
      %swap3A_678 = tpu.vector_load %arg12[%swap3A_676, %swap3A_677] {strides = array<i32>} : memref<640x16xf32, #tpu.memory_space<vmem>>, vector<1x16xf32>,
      %swap3A_679 = vector.shape_cast %swap3A_678 : vector<1x16xf32> to vector<16xf32>
      %swap3A_680 = vector.shape_cast %mul3A_673 : vector<16xf32> to vector<1x16xf32>
      tpu.vector_store %arg12[%swap3A_676, %swap3A_677], %swap3A_680 {strides = array<i32>} : memref<640x16xf32, #tpu.memory_space<vmem>>, vector<1x16xf32>,
      %add3A_681 = arith.constant 13 : i32
      %add3A_682 = arith.addi %mul3A_181, %add3A_681 : i32
      %get3A_683 = arith.index_cast %add3A_682 : i32 to index
      %get3A_684 = arith.constant 0 : index
      %get3A_685 = tpu.vector_load %arg12[%get3A_683, %get3A_684] {strides = array<i32>} : memref<640x16xf32, #tpu.memory_space<vmem>>, vector<1x16xf32>,
      %get3A_686 = vector.shape_cast %get3A_685 : vector<1x16xf32> to vector<16xf32>
      %add3A_687 = arith.constant 13 : i32
      %add3A_688 = arith.addi %mul3A_181, %add3A_687 : i32
      %get3A_689 = arith.index_cast %add3A_688 : i32 to index
      %get3A_690 = arith.constant 0 : index
      %get3A_691 = tpu.vector_load %arg13[%get3A_689, %get3A_690] {strides = array<i32>} : memref<640x16xf32, #tpu.memory_space<vmem>>, vector<1x16xf32>,
      %get3A_692 = vector.shape_cast %get3A_691 : vector<1x16xf32> to vector<16xf32>
      %add3A_693 = arith.addf %get3A_686, %get3A_692 : vector<16xf32>
      %slice3A_694 = vector.extract_strided_slice %mul3A_222 {offsets = [13], sizes = [1], strides = [1]} : vector<16xf32> to vector<1xf32>
      %squeeze3A_695 = vector.extract %slice3A_694[0] : f32 from vector<1xf32>
      %mul3A_696 = vector.broadcast %squeeze3A_695 : f32 to vector<16xf32>
      %mul3A_697 = arith.mulf %add3A_693, %mul3A_696 : vector<16xf32>
      %add3A_698 = arith.addf %mul3A_697, %get3A_106 : vector<16xf32>
      %max3A_699 = arith.constant 0.000000e+00 : f32
      %max3A_700 = vector.broadcast %max3A_699 : f32 to vector<16xf32>
      %max3A_701 = arith.maximumf %add3A_698, %max3A_700 : vector<16xf32>
      %slice3A_702 = vector.extract_strided_slice %mul3A_267 {offsets = [13], sizes = [1], strides = [1]} : vector<16xf32> to vector<1xf32>
      %squeeze3A_703 = vector.extract %slice3A_702[0] : f32 from vector<1xf32>
      %mul3A_704 = vector.broadcast %squeeze3A_703 : f32 to vector<16xf32>
      %mul3A_705 = arith.mulf %max3A_701, %mul3A_704 : vector<16xf32>
      %add3A_706 = arith.constant 13 : i32
      %add3A_707 = arith.addi %mul3A_181, %add3A_706 : i32
      %swap3A_708 = arith.index_cast %add3A_707 : i32 to index
      %swap3A_709 = arith.constant 0 : index
      %swap3A_710 = tpu.vector_load %arg12[%swap3A_708, %swap3A_709] {strides = array<i32>} : memref<640x16xf32, #tpu.memory_space<vmem>>, vector<1x16xf32>,
      %swap3A_711 = vector.shape_cast %swap3A_710 : vector<1x16xf32> to vector<16xf32>
      %swap3A_712 = vector.shape_cast %mul3A_705 : vector<16xf32> to vector<1x16xf32>
      tpu.vector_store %arg12[%swap3A_708, %swap3A_709], %swap3A_712 {strides = array<i32>} : memref<640x16xf32, #tpu.memory_space<vmem>>, vector<1x16xf32>,
      %add3A_713 = arith.constant 14 : i32
      %add3A_714 = arith.addi %mul3A_181, %add3A_713 : i32
      %get3A_715 = arith.index_cast %add3A_714 : i32 to index
      %get3A_716 = arith.constant 0 : index
      %get3A_717 = tpu.vector_load %arg12[%get3A_715, %get3A_716] {strides = array<i32>} : memref<640x16xf32, #tpu.memory_space<vmem>>, vector<1x16xf32>,
      %get3A_718 = vector.shape_cast %get3A_717 : vector<1x16xf32> to vector<16xf32>
      %add3A_719 = arith.constant 14 : i32
      %add3A_720 = arith.addi %mul3A_181, %add3A_719 : i32
      %get3A_721 = arith.index_cast %add3A_720 : i32 to index
      %get3A_722 = arith.constant 0 : index
      %get3A_723 = tpu.vector_load %arg13[%get3A_721, %get3A_722] {strides = array<i32>} : memref<640x16xf32, #tpu.memory_space<vmem>>, vector<1x16xf32>,
      %get3A_724 = vector.shape_cast %get3A_723 : vector<1x16xf32> to vector<16xf32>
      %add3A_725 = arith.addf %get3A_718, %get3A_724 : vector<16xf32>
      %slice3A_726 = vector.extract_strided_slice %mul3A_222 {offsets = [14], sizes = [1], strides = [1]} : vector<16xf32> to vector<1xf32>
      %squeeze3A_727 = vector.extract %slice3A_726[0] : f32 from vector<1xf32>
      %mul3A_728 = vector.broadcast %squeeze3A_727 : f32 to vector<16xf32>
      %mul3A_729 = arith.mulf %add3A_725, %mul3A_728 : vector<16xf32>
      %add3A_730 = arith.addf %mul3A_729, %get3A_106 : vector<16xf32>
      %max3A_731 = arith.constant 0.000000e+00 : f32
      %max3A_732 = vector.broadcast %max3A_731 : f32 to vector<16xf32>
      %max3A_733 = arith.maximumf %add3A_730, %max3A_732 : vector<16xf32>
      %slice3A_734 = vector.extract_strided_slice %mul3A_267 {offsets = [14], sizes = [1], strides = [1]} : vector<16xf32> to vector<1xf32>
      %squeeze3A_735 = vector.extract %slice3A_734[0] : f32 from vector<1xf32>
      %mul3A_736 = vector.broadcast %squeeze3A_735 : f32 to vector<16xf32>
      %mul3A_737 = arith.mulf %max3A_733, %mul3A_736 : vector<16xf32>
      %add3A_738 = arith.constant 14 : i32
      %add3A_739 = arith.addi %mul3A_181, %add3A_738 : i32
      %swap3A_740 = arith.index_cast %add3A_739 : i32 to index
      %swap3A_741 = arith.constant 0 : index
      %swap3A_742 = tpu.vector_load %arg12[%swap3A_740, %swap3A_741] {strides = array<i32>} : memref<640x16xf32, #tpu.memory_space<vmem>>, vector<1x16xf32>,
      %swap3A_743 = vector.shape_cast %swap3A_742 : vector<1x16xf32> to vector<16xf32>
      %swap3A_744 = vector.shape_cast %mul3A_737 : vector<16xf32> to vector<1x16xf32>
      tpu.vector_store %arg12[%swap3A_740, %swap3A_741], %swap3A_744 {strides = array<i32>} : memref<640x16xf32, #tpu.memory_space<vmem>>, vector<1x16xf32>,
      %add3A_745 = arith.constant 15 : i32
      %add3A_746 = arith.addi %mul3A_181, %add3A_745 : i32
      %get3A_747 = arith.index_cast %add3A_746 : i32 to index
      %get3A_748 = arith.constant 0 : index
      %get3A_749 = tpu.vector_load %arg12[%get3A_747, %get3A_748] {strides = array<i32>} : memref<640x16xf32, #tpu.memory_space<vmem>>, vector<1x16xf32>,
      %get3A_750 = vector.shape_cast %get3A_749 : vector<1x16xf32> to vector<16xf32>
      %add3A_751 = arith.constant 15 : i32
      %add3A_752 = arith.addi %mul3A_181, %add3A_751 : i32
      %get3A_753 = arith.index_cast %add3A_752 : i32 to index
      %get3A_754 = arith.constant 0 : index
      %get3A_755 = tpu.vector_load %arg13[%get3A_753, %get3A_754] {strides = array<i32>} : memref<640x16xf32, #tpu.memory_space<vmem>>, vector<1x16xf32>,
      %get3A_756 = vector.shape_cast %get3A_755 : vector<1x16xf32> to vector<16xf32>
      %add3A_757 = arith.addf %get3A_750, %get3A_756 : vector<16xf32>
      %slice3A_758 = vector.extract_strided_slice %mul3A_222 {offsets = [15], sizes = [1], strides = [1]} : vector<16xf32> to vector<1xf32>
      %squeeze3A_759 = vector.extract %slice3A_758[0] : f32 from vector<1xf32>
      %mul3A_760 = vector.broadcast %squeeze3A_759 : f32 to vector<16xf32>
      %mul3A_761 = arith.mulf %add3A_757, %mul3A_760 : vector<16xf32>
      %add3A_762 = arith.addf %mul3A_761, %get3A_106 : vector<16xf32>
      %max3A_763 = arith.constant 0.000000e+00 : f32
      %max3A_764 = vector.broadcast %max3A_763 : f32 to vector<16xf32>
      %max3A_765 = arith.maximumf %add3A_762, %max3A_764 : vector<16xf32>
      %slice3A_766 = vector.extract_strided_slice %mul3A_267 {offsets = [15], sizes = [1], strides = [1]} : vector<16xf32> to vector<1xf32>
      %squeeze3A_767 = vector.extract %slice3A_766[0] : f32 from vector<1xf32>
      %mul3A_768 = vector.broadcast %squeeze3A_767 : f32 to vector<16xf32>
      %mul3A_769 = arith.mulf %max3A_765, %mul3A_768 : vector<16xf32>
      %add3A_770 = arith.constant 15 : i32
      %add3A_771 = arith.addi %mul3A_181, %add3A_770 : i32
      %swap3A_772 = arith.index_cast %add3A_771 : i32 to index
      %swap3A_773 = arith.constant 0 : index
      %swap3A_774 = tpu.vector_load %arg12[%swap3A_772, %swap3A_773] {strides = array<i32>} : memref<640x16xf32, #tpu.memory_space<vmem>>, vector<1x16xf32>,
      %swap3A_775 = vector.shape_cast %swap3A_774 : vector<1x16xf32> to vector<16xf32>
      %swap3A_776 = vector.shape_cast %mul3A_769 : vector<16xf32> to vector<1x16xf32>
      tpu.vector_store %arg12[%swap3A_772, %swap3A_773], %swap3A_776 {strides = array<i32>} : memref<640x16xf32, #tpu.memory_space<vmem>>, vector<1x16xf32>,
    }
    %scan3A_111 = arith.constant 40 : i32
    "tpu.region"() ({
      %run_scoped3A = tpu.sem_alloc : memref<!tpu.dma_semaphore, #tpu.memory_space<semaphore_mem>>
      %dma_start3A_179 = arith.constant 0 : i32
      %dma_start3A_180 = tpu.memref_slice %arg8[%arg0, %mul3A_2, %dma_start3A_179] : memref<2x10240x16xf32, #tpu.memory_space<hbm>> -> memref<1x640x16xf32, #tpu.memory_space<hbm>>
      %dma_start3A_181 = tpu.memref_squeeze %dma_start3A_180 : memref<1x640x16xf32, #tpu.memory_space<hbm>> -> memref<640x16xf32, #tpu.memory_space<hbm>>
      %dma_start3A_182 = arith.constant 0 : i32
      %dma_start3A_183 = tpu.memref_slice %arg8[%arg0, %mul3A_2, %dma_start3A_182] : memref<2x10240x16xf32, #tpu.memory_space<hbm>> -> memref<1x640x16xf32, #tpu.memory_space<hbm>>
      %dma_start3A_184 = tpu.memref_squeeze %dma_start3A_183 : memref<1x640x16xf32, #tpu.memory_space<hbm>> -> memref<640x16xf32, #tpu.memory_space<hbm>>
      tpu.enqueue_dma source(%arg12 : memref<640x16xf32, #tpu.memory_space<vmem>>) target(%dma_start3A_184 : memref<640x16xf32, #tpu.memory_space<hbm>>) target_semaphore(%run_scoped3A : memref<!tpu.dma_semaphore, #tpu.memory_space<semaphore_mem>>)
      %dma_wait3A_185 = arith.constant 0 : i32
      %dma_wait3A_186 = tpu.memref_slice %arg8[%arg0, %mul3A_2, %dma_wait3A_185] : memref<2x10240x16xf32, #tpu.memory_space<hbm>> -> memref<1x640x16xf32, #tpu.memory_space<hbm>>
      %dma_wait3A_187 = tpu.memref_squeeze %dma_wait3A_186 : memref<1x640x16xf32, #tpu.memory_space<hbm>> -> memref<640x16xf32, #tpu.memory_space<hbm>>
      %dma_wait3A_188 = arith.constant 0 : i32
      %dma_wait3A_189 = tpu.memref_slice %arg8[%arg0, %mul3A_2, %dma_wait3A_188] : memref<2x10240x16xf32, #tpu.memory_space<hbm>> -> memref<1x640x16xf32, #tpu.memory_space<hbm>>
      %dma_wait3A_190 = tpu.memref_squeeze %dma_wait3A_189 : memref<1x640x16xf32, #tpu.memory_space<hbm>> -> memref<640x16xf32, #tpu.memory_space<hbm>>
      tpu.wait_dma2 semaphore(%run_scoped3A : memref<!tpu.dma_semaphore, #tpu.memory_space<semaphore_mem>>) src(%arg12 : memref<640x16xf32, #tpu.memory_space<vmem>>) dst(%dma_wait3A_190 : memref<640x16xf32, #tpu.memory_space<hbm>>)
      tpu.yield
    }) : () -> ()
    %barrier3A = arith.constant 0 : index
    tpu.barrier barrier_id(%barrier3A)
    %dma_start3A_112 = arith.constant 0 : i32
    %dma_start3A_113 = arith.constant 0 : i32
    %dma_start3A_114 = arith.constant 0 : i32
    %dma_start3A_115 = arith.constant 0 : i32
    %dma_start3A_116 = tpu.memref_slice %arg19[%dma_start3A_113, %dma_start3A_114, %dma_start3A_115] : memref<4x1000x16xf32, #tpu.memory_space<vmem>> -> memref<1x1000x16xf32, #tpu.memory_space<vmem>>
    %dma_start3A_117 = tpu.memref_squeeze %dma_start3A_116 : memref<1x1000x16xf32, #tpu.memory_space<vmem>> -> memref<1000x16xf32, #tpu.memory_space<vmem>>
    %dma_start3A_118 = arith.constant 0 : i32
    %dma_start3A_119 = tpu.memref_slice %arg10[%dma_start3A_112, %dma_start3A_118] : memref<10x1000xi32, #tpu.memory_space<vmem>> -> memref<1x1000xi32, #tpu.memory_space<vmem>>
    %dma_start3A_120 = tpu.memref_squeeze %dma_start3A_119 : memref<1x1000xi32, #tpu.memory_space<vmem>> -> memref<1000xi32, #tpu.memory_space<vmem>>
    %dma_start3A_121 = arith.constant 0 : i32
    %dma_start3A_122 = arith.constant 0 : i32
    %dma_start3A_123 = tpu.memref_slice %arg8[%arg0, %dma_start3A_121, %dma_start3A_122] : memref<2x10240x16xf32, #tpu.memory_space<hbm>> -> memref<1x10240x16xf32, #tpu.memory_space<hbm>>
    %dma_start3A_124 = tpu.memref_squeeze %dma_start3A_123 : memref<1x10240x16xf32, #tpu.memory_space<hbm>> -> memref<10240x16xf32, #tpu.memory_space<hbm>>
    %dma_start3A_125 = arith.constant 0 : i32
    %dma_start3A_126 = arith.constant 0 : i32
    %dma_start3A_127 = tpu.memref_slice %dma_start3A_124[%dma_start3A_125, %dma_start3A_126] : memref<10240x16xf32, #tpu.memory_space<hbm>> -> memref<10240x16xf32, #tpu.memory_space<hbm>>
    tpu.enqueue_indirect_dma source(%dma_start3A_127 : memref<10240x16xf32, #tpu.memory_space<hbm>>) target(%dma_start3A_117 : memref<1000x16xf32, #tpu.memory_space<vmem>>) offsets(%dma_start3A_120 : memref<1000xi32, #tpu.memory_space<vmem>>) semaphore(%arg21 : memref<!tpu.dma_semaphore, #tpu.memory_space<semaphore_mem>>)
    %dma_start3A_128 = arith.constant 1 : i32
    %dma_start3A_129 = arith.constant 1 : i32
    %dma_start3A_130 = arith.constant 0 : i32
    %dma_start3A_131 = arith.constant 0 : i32
    %dma_start3A_132 = tpu.memref_slice %arg19[%dma_start3A_129, %dma_start3A_130, %dma_start3A_131] : memref<4x1000x16xf32, #tpu.memory_space<vmem>> -> memref<1x1000x16xf32, #tpu.memory_space<vmem>>
    %dma_start3A_133 = tpu.memref_squeeze %dma_start3A_132 : memref<1x1000x16xf32, #tpu.memory_space<vmem>> -> memref<1000x16xf32, #tpu.memory_space<vmem>>
    %dma_start3A_134 = arith.constant 0 : i32
    %dma_start3A_135 = tpu.memref_slice %arg10[%dma_start3A_128, %dma_start3A_134] : memref<10x1000xi32, #tpu.memory_space<vmem>> -> memref<1x1000xi32, #tpu.memory_space<vmem>>
    %dma_start3A_136 = tpu.memref_squeeze %dma_start3A_135 : memref<1x1000xi32, #tpu.memory_space<vmem>> -> memref<1000xi32, #tpu.memory_space<vmem>>
    %dma_start3A_137 = arith.constant 0 : i32
    %dma_start3A_138 = arith.constant 0 : i32
    %dma_start3A_139 = tpu.memref_slice %arg8[%arg0, %dma_start3A_137, %dma_start3A_138] : memref<2x10240x16xf32, #tpu.memory_space<hbm>> -> memref<1x10240x16xf32, #tpu.memory_space<hbm>>
    %dma_start3A_140 = tpu.memref_squeeze %dma_start3A_139 : memref<1x10240x16xf32, #tpu.memory_space<hbm>> -> memref<10240x16xf32, #tpu.memory_space<hbm>>
    %dma_start3A_141 = arith.constant 0 : i32
    %dma_start3A_142 = arith.constant 0 : i32
    %dma_start3A_143 = tpu.memref_slice %dma_start3A_140[%dma_start3A_141, %dma_start3A_142] : memref<10240x16xf32, #tpu.memory_space<hbm>> -> memref<10240x16xf32, #tpu.memory_space<hbm>>
    tpu.enqueue_indirect_dma source(%dma_start3A_143 : memref<10240x16xf32, #tpu.memory_space<hbm>>) target(%dma_start3A_133 : memref<1000x16xf32, #tpu.memory_space<vmem>>) offsets(%dma_start3A_136 : memref<1000xi32, #tpu.memory_space<vmem>>) semaphore(%arg21 : memref<!tpu.dma_semaphore, #tpu.memory_space<semaphore_mem>>)
    %dma_start3A_144 = arith.constant 2 : i32
    %dma_start3A_145 = arith.constant 2 : i32
    %dma_start3A_146 = arith.constant 0 : i32
    %dma_start3A_147 = arith.constant 0 : i32
    %dma_start3A_148 = tpu.memref_slice %arg19[%dma_start3A_145, %dma_start3A_146, %dma_start3A_147] : memref<4x1000x16xf32, #tpu.memory_space<vmem>> -> memref<1x1000x16xf32, #tpu.memory_space<vmem>>
    %dma_start3A_149 = tpu.memref_squeeze %dma_start3A_148 : memref<1x1000x16xf32, #tpu.memory_space<vmem>> -> memref<1000x16xf32, #tpu.memory_space<vmem>>
    %dma_start3A_150 = arith.constant 0 : i32
    %dma_start3A_151 = tpu.memref_slice %arg10[%dma_start3A_144, %dma_start3A_150] : memref<10x1000xi32, #tpu.memory_space<vmem>> -> memref<1x1000xi32, #tpu.memory_space<vmem>>
    %dma_start3A_152 = tpu.memref_squeeze %dma_start3A_151 : memref<1x1000xi32, #tpu.memory_space<vmem>> -> memref<1000xi32, #tpu.memory_space<vmem>>
    %dma_start3A_153 = arith.constant 0 : i32
    %dma_start3A_154 = arith.constant 0 : i32
    %dma_start3A_155 = tpu.memref_slice %arg8[%arg0, %dma_start3A_153, %dma_start3A_154] : memref<2x10240x16xf32, #tpu.memory_space<hbm>> -> memref<1x10240x16xf32, #tpu.memory_space<hbm>>
    %dma_start3A_156 = tpu.memref_squeeze %dma_start3A_155 : memref<1x10240x16xf32, #tpu.memory_space<hbm>> -> memref<10240x16xf32, #tpu.memory_space<hbm>>
    %dma_start3A_157 = arith.constant 0 : i32
    %dma_start3A_158 = arith.constant 0 : i32
    %dma_start3A_159 = tpu.memref_slice %dma_start3A_156[%dma_start3A_157, %dma_start3A_158] : memref<10240x16xf32, #tpu.memory_space<hbm>> -> memref<10240x16xf32, #tpu.memory_space<hbm>>
    tpu.enqueue_indirect_dma source(%dma_start3A_159 : memref<10240x16xf32, #tpu.memory_space<hbm>>) target(%dma_start3A_149 : memref<1000x16xf32, #tpu.memory_space<vmem>>) offsets(%dma_start3A_152 : memref<1000xi32, #tpu.memory_space<vmem>>) semaphore(%arg21 : memref<!tpu.dma_semaphore, #tpu.memory_space<semaphore_mem>>)
    %scan3A_160 = arith.constant 0 : i32
    %scan3A_161 = arith.constant 0 : i32
    %scan3A_162 = arith.constant 10 : i32
    %scan3A_163 = arith.addi %scan3A_161, %scan3A_162 : i32
    %scan3A_164 = arith.constant 1 : i32
    scf.for %scan3A_179 = %scan3A_161 to %scan3A_163 step %scan3A_164  : i32 {
      %jit3A = arith.constant 4 : i32
      %eq3A = arith.constant 0 : i32
      %eq3A_180 = arith.cmpi eq, %jit3A, %eq3A : i32
      %jit3A_181 = arith.constant 1 : i32
      %select_n3A = arith.select %eq3A_180, %jit3A_181, %jit3A : i32
      %rem3A = arith.remsi %scan3A_179, %select_n3A : i32
      %ne3A = arith.constant 0 : i32
      %ne3A_182 = arith.cmpi ne, %rem3A, %ne3A : i32
      %lt3A = arith.constant 0 : i32
      %lt3A_183 = arith.cmpi slt, %rem3A, %lt3A : i32
      %lt3A_184 = arith.constant 0 : i32
      %lt3A_185 = arith.cmpi slt, %select_n3A, %lt3A_184 : i32
      %ne3A_186 = arith.xori %lt3A_183, %lt3A_185 : i1
      %and3A = arith.andi %ne3A_186, %ne3A_182 : i1
      %add3A_187 = arith.addi %rem3A, %select_n3A : i32
      %select_n3A_188 = arith.select %and3A, %add3A_187, %rem3A : i32
      %dma_wait3A_189 = arith.constant 0 : i32
      %dma_wait3A_190 = arith.constant 0 : i32
      %dma_wait3A_191 = tpu.memref_slice %arg19[%select_n3A_188, %dma_wait3A_189, %dma_wait3A_190] : memref<4x1000x16xf32, #tpu.memory_space<vmem>> -> memref<1x1000x16xf32, #tpu.memory_space<vmem>>
      %dma_wait3A_192 = tpu.memref_squeeze %dma_wait3A_191 : memref<1x1000x16xf32, #tpu.memory_space<vmem>> -> memref<1000x16xf32, #tpu.memory_space<vmem>>
      %dma_wait3A_193 = arith.constant 0 : i32
      %dma_wait3A_194 = tpu.memref_slice %arg10[%scan3A_179, %dma_wait3A_193] : memref<10x1000xi32, #tpu.memory_space<vmem>> -> memref<1x1000xi32, #tpu.memory_space<vmem>>
      %dma_wait3A_195 = tpu.memref_squeeze %dma_wait3A_194 : memref<1x1000xi32, #tpu.memory_space<vmem>> -> memref<1000xi32, #tpu.memory_space<vmem>>
      %dma_wait3A_196 = arith.constant 0 : i32
      %dma_wait3A_197 = arith.constant 0 : i32
      %dma_wait3A_198 = tpu.memref_slice %arg8[%arg0, %dma_wait3A_196, %dma_wait3A_197] : memref<2x10240x16xf32, #tpu.memory_space<hbm>> -> memref<1x10240x16xf32, #tpu.memory_space<hbm>>
      %dma_wait3A_199 = tpu.memref_squeeze %dma_wait3A_198 : memref<1x10240x16xf32, #tpu.memory_space<hbm>> -> memref<10240x16xf32, #tpu.memory_space<hbm>>
      %dma_wait3A_200 = arith.constant 0 : i32
      %dma_wait3A_201 = arith.constant 0 : i32
      %dma_wait3A_202 = tpu.memref_slice %dma_wait3A_199[%dma_wait3A_200, %dma_wait3A_201] : memref<10240x16xf32, #tpu.memory_space<hbm>> -> memref<10240x16xf32, #tpu.memory_space<hbm>>
      tpu.wait_indirect_dma semaphore(%arg21 : memref<!tpu.dma_semaphore, #tpu.memory_space<semaphore_mem>>) src(%dma_wait3A_202 : memref<10240x16xf32, #tpu.memory_space<hbm>>) dst(%dma_wait3A_192 : memref<1000x16xf32, #tpu.memory_space<vmem>>)
      %ge3A = arith.constant 1 : i32
      %ge3A_203 = arith.cmpi sge, %scan3A_179, %ge3A : i32
      %convert_element_type3A = arith.extui %ge3A_203 : i1 to i32
      %cond3A = arith.constant 0 : i32
      %cond3A_204 = arith.cmpi ne, %convert_element_type3A, %cond3A : i32
      scf.if %cond3A_204 {
        %sub3A_239 = arith.constant 1 : i32
        %sub3A_240 = arith.subi %scan3A_179, %sub3A_239 : i32
        %jit3A_241 = arith.constant 4 : i32
        %eq3A_242 = arith.constant 0 : i32
        %eq3A_243 = arith.cmpi eq, %jit3A_241, %eq3A_242 : i32
        %jit3A_244 = arith.constant 1 : i32
        %select_n3A_245 = arith.select %eq3A_243, %jit3A_244, %jit3A_241 : i32
        %rem3A_246 = arith.remsi %sub3A_240, %select_n3A_245 : i32
        %ne3A_247 = arith.constant 0 : i32
        %ne3A_248 = arith.cmpi ne, %rem3A_246, %ne3A_247 : i32
        %lt3A_249 = arith.constant 0 : i32
        %lt3A_250 = arith.cmpi slt, %rem3A_246, %lt3A_249 : i32
        %lt3A_251 = arith.constant 0 : i32
        %lt3A_252 = arith.cmpi slt, %select_n3A_245, %lt3A_251 : i32
        %ne3A_253 = arith.xori %lt3A_250, %lt3A_252 : i1
        %and3A_254 = arith.andi %ne3A_253, %ne3A_248 : i1
        %add3A_255 = arith.addi %rem3A_246, %select_n3A_245 : i32
        %select_n3A_256 = arith.select %and3A_254, %add3A_255, %rem3A_246 : i32
        %sub3A_257 = arith.constant 1 : i32
        %sub3A_258 = arith.subi %scan3A_179, %sub3A_257 : i32
        %dma_wait3A_259 = arith.constant 0 : i32
        %dma_wait3A_260 = arith.constant 0 : i32
        %dma_wait3A_261 = tpu.memref_slice %arg19[%select_n3A_256, %dma_wait3A_259, %dma_wait3A_260] : memref<4x1000x16xf32, #tpu.memory_space<vmem>> -> memref<1x1000x16xf32, #tpu.memory_space<vmem>>
        %dma_wait3A_262 = tpu.memref_squeeze %dma_wait3A_261 : memref<1x1000x16xf32, #tpu.memory_space<vmem>> -> memref<1000x16xf32, #tpu.memory_space<vmem>>
        %dma_wait3A_263 = arith.constant 0 : i32
        %dma_wait3A_264 = tpu.memref_slice %arg11[%sub3A_258, %dma_wait3A_263] : memref<10x1000xi32, #tpu.memory_space<vmem>> -> memref<1x1000xi32, #tpu.memory_space<vmem>>
        %dma_wait3A_265 = tpu.memref_squeeze %dma_wait3A_264 : memref<1x1000xi32, #tpu.memory_space<vmem>> -> memref<1000xi32, #tpu.memory_space<vmem>>
        %dma_wait3A_266 = arith.constant 0 : i32
        %dma_wait3A_267 = arith.constant 0 : i32
        %dma_wait3A_268 = tpu.memref_slice %arg20[%dma_wait3A_266, %dma_wait3A_267] : memref<10240x16xf32, #tpu.memory_space<vmem_shared>> -> memref<10240x16xf32, #tpu.memory_space<vmem_shared>>
        tpu.wait_indirect_dma semaphore(%arg22 : memref<!tpu.dma_semaphore, #tpu.memory_space<semaphore_mem>>) src(%dma_wait3A_262 : memref<1000x16xf32, #tpu.memory_space<vmem>>) dst(%dma_wait3A_268 : memref<10240x16xf32, #tpu.memory_space<vmem_shared>>)
      } else {
      }
      %add3A_205 = arith.constant 4 : i32
      %add3A_206 = arith.addi %scan3A_179, %add3A_205 : i32
      %sub3A = arith.constant 1 : i32
      %sub3A_207 = arith.subi %add3A_206, %sub3A : i32
      %lt3A_208 = arith.constant 10 : i32
      %lt3A_209 = arith.cmpi slt, %sub3A_207, %lt3A_208 : i32
      %convert_element_type3A_210 = arith.extui %lt3A_209 : i1 to i32
      %cond3A_211 = arith.constant 0 : i32
      %cond3A_212 = arith.cmpi ne, %convert_element_type3A_210, %cond3A_211 : i32
      scf.if %cond3A_212 {
        %add3A_239 = arith.constant 4 : i32
        %add3A_240 = arith.addi %scan3A_179, %add3A_239 : i32
        %sub3A_241 = arith.constant 1 : i32
        %sub3A_242 = arith.subi %add3A_240, %sub3A_241 : i32
        %add3A_243 = arith.constant 4 : i32
        %add3A_244 = arith.addi %scan3A_179, %add3A_243 : i32
        %sub3A_245 = arith.constant 1 : i32
        %sub3A_246 = arith.subi %add3A_244, %sub3A_245 : i32
        %jit3A_247 = arith.constant 4 : i32
        %eq3A_248 = arith.constant 0 : i32
        %eq3A_249 = arith.cmpi eq, %jit3A_247, %eq3A_248 : i32
        %jit3A_250 = arith.constant 1 : i32
        %select_n3A_251 = arith.select %eq3A_249, %jit3A_250, %jit3A_247 : i32
        %rem3A_252 = arith.remsi %sub3A_246, %select_n3A_251 : i32
        %ne3A_253 = arith.constant 0 : i32
        %ne3A_254 = arith.cmpi ne, %rem3A_252, %ne3A_253 : i32
        %lt3A_255 = arith.constant 0 : i32
        %lt3A_256 = arith.cmpi slt, %rem3A_252, %lt3A_255 : i32
        %lt3A_257 = arith.constant 0 : i32
        %lt3A_258 = arith.cmpi slt, %select_n3A_251, %lt3A_257 : i32
        %ne3A_259 = arith.xori %lt3A_256, %lt3A_258 : i1
        %and3A_260 = arith.andi %ne3A_259, %ne3A_254 : i1
        %add3A_261 = arith.addi %rem3A_252, %select_n3A_251 : i32
        %select_n3A_262 = arith.select %and3A_260, %add3A_261, %rem3A_252 : i32
        %dma_start3A_263 = arith.constant 0 : i32
        %dma_start3A_264 = arith.constant 0 : i32
        %dma_start3A_265 = tpu.memref_slice %arg19[%select_n3A_262, %dma_start3A_263, %dma_start3A_264] : memref<4x1000x16xf32, #tpu.memory_space<vmem>> -> memref<1x1000x16xf32, #tpu.memory_space<vmem>>
        %dma_start3A_266 = tpu.memref_squeeze %dma_start3A_265 : memref<1x1000x16xf32, #tpu.memory_space<vmem>> -> memref<1000x16xf32, #tpu.memory_space<vmem>>
        %dma_start3A_267 = arith.constant 0 : i32
        %dma_start3A_268 = tpu.memref_slice %arg10[%sub3A_242, %dma_start3A_267] : memref<10x1000xi32, #tpu.memory_space<vmem>> -> memref<1x1000xi32, #tpu.memory_space<vmem>>
        %dma_start3A_269 = tpu.memref_squeeze %dma_start3A_268 : memref<1x1000xi32, #tpu.memory_space<vmem>> -> memref<1000xi32, #tpu.memory_space<vmem>>
        %dma_start3A_270 = arith.constant 0 : i32
        %dma_start3A_271 = arith.constant 0 : i32
        %dma_start3A_272 = tpu.memref_slice %arg8[%arg0, %dma_start3A_270, %dma_start3A_271] : memref<2x10240x16xf32, #tpu.memory_space<hbm>> -> memref<1x10240x16xf32, #tpu.memory_space<hbm>>
        %dma_start3A_273 = tpu.memref_squeeze %dma_start3A_272 : memref<1x10240x16xf32, #tpu.memory_space<hbm>> -> memref<10240x16xf32, #tpu.memory_space<hbm>>
        %dma_start3A_274 = arith.constant 0 : i32
        %dma_start3A_275 = arith.constant 0 : i32
        %dma_start3A_276 = tpu.memref_slice %dma_start3A_273[%dma_start3A_274, %dma_start3A_275] : memref<10240x16xf32, #tpu.memory_space<hbm>> -> memref<10240x16xf32, #tpu.memory_space<hbm>>
        tpu.enqueue_indirect_dma source(%dma_start3A_276 : memref<10240x16xf32, #tpu.memory_space<hbm>>) target(%dma_start3A_266 : memref<1000x16xf32, #tpu.memory_space<vmem>>) offsets(%dma_start3A_269 : memref<1000xi32, #tpu.memory_space<vmem>>) semaphore(%arg21 : memref<!tpu.dma_semaphore, #tpu.memory_space<semaphore_mem>>)
      } else {
      }
      %jit3A_213 = arith.constant 4 : i32
      %eq3A_214 = arith.constant 0 : i32
      %eq3A_215 = arith.cmpi eq, %jit3A_213, %eq3A_214 : i32
      %jit3A_216 = arith.constant 1 : i32
      %select_n3A_217 = arith.select %eq3A_215, %jit3A_216, %jit3A_213 : i32
      %rem3A_218 = arith.remsi %scan3A_179, %select_n3A_217 : i32
      %ne3A_219 = arith.constant 0 : i32
      %ne3A_220 = arith.cmpi ne, %rem3A_218, %ne3A_219 : i32
      %lt3A_221 = arith.constant 0 : i32
      %lt3A_222 = arith.cmpi slt, %rem3A_218, %lt3A_221 : i32
      %lt3A_223 = arith.constant 0 : i32
      %lt3A_224 = arith.cmpi slt, %select_n3A_217, %lt3A_223 : i32
      %ne3A_225 = arith.xori %lt3A_222, %lt3A_224 : i1
      %and3A_226 = arith.andi %ne3A_225, %ne3A_220 : i1
      %add3A_227 = arith.addi %rem3A_218, %select_n3A_217 : i32
      %select_n3A_228 = arith.select %and3A_226, %add3A_227, %rem3A_218 : i32
      %dma_start3A_229 = arith.constant 0 : i32
      %dma_start3A_230 = arith.constant 0 : i32
      %dma_start3A_231 = tpu.memref_slice %arg19[%select_n3A_228, %dma_start3A_229, %dma_start3A_230] : memref<4x1000x16xf32, #tpu.memory_space<vmem>> -> memref<1x1000x16xf32, #tpu.memory_space<vmem>>
      %dma_start3A_232 = tpu.memref_squeeze %dma_start3A_231 : memref<1x1000x16xf32, #tpu.memory_space<vmem>> -> memref<1000x16xf32, #tpu.memory_space<vmem>>
      %dma_start3A_233 = arith.constant 0 : i32
      %dma_start3A_234 = tpu.memref_slice %arg11[%scan3A_179, %dma_start3A_233] : memref<10x1000xi32, #tpu.memory_space<vmem>> -> memref<1x1000xi32, #tpu.memory_space<vmem>>
      %dma_start3A_235 = tpu.memref_squeeze %dma_start3A_234 : memref<1x1000xi32, #tpu.memory_space<vmem>> -> memref<1000xi32, #tpu.memory_space<vmem>>
      %dma_start3A_236 = arith.constant 0 : i32
      %dma_start3A_237 = arith.constant 0 : i32
      %dma_start3A_238 = tpu.memref_slice %arg20[%dma_start3A_236, %dma_start3A_237] : memref<10240x16xf32, #tpu.memory_space<vmem_shared>> -> memref<10240x16xf32, #tpu.memory_space<vmem_shared>>
      tpu.enqueue_indirect_dma source(%dma_start3A_232 : memref<1000x16xf32, #tpu.memory_space<vmem>>) target(%dma_start3A_238 : memref<10240x16xf32, #tpu.memory_space<vmem_shared>>) offsets(%dma_start3A_235 : memref<1000xi32, #tpu.memory_space<vmem>>) semaphore(%arg22 : memref<!tpu.dma_semaphore, #tpu.memory_space<semaphore_mem>>) {add = true}
    }
    %scan3A_165 = arith.constant 10 : i32
    %dma_wait3A_166 = arith.constant 1 : i32
    %dma_wait3A_167 = arith.constant 9 : i32
    %dma_wait3A_168 = arith.constant 0 : i32
    %dma_wait3A_169 = arith.constant 0 : i32
    %dma_wait3A_170 = tpu.memref_slice %arg19[%dma_wait3A_166, %dma_wait3A_168, %dma_wait3A_169] : memref<4x1000x16xf32, #tpu.memory_space<vmem>> -> memref<1x1000x16xf32, #tpu.memory_space<vmem>>
    %dma_wait3A_171 = tpu.memref_squeeze %dma_wait3A_170 : memref<1x1000x16xf32, #tpu.memory_space<vmem>> -> memref<1000x16xf32, #tpu.memory_space<vmem>>
    %dma_wait3A_172 = arith.constant 0 : i32
    %dma_wait3A_173 = tpu.memref_slice %arg11[%dma_wait3A_167, %dma_wait3A_172] : memref<10x1000xi32, #tpu.memory_space<vmem>> -> memref<1x1000xi32, #tpu.memory_space<vmem>>
    %dma_wait3A_174 = tpu.memref_squeeze %dma_wait3A_173 : memref<1x1000xi32, #tpu.memory_space<vmem>> -> memref<1000xi32, #tpu.memory_space<vmem>>
    %dma_wait3A_175 = arith.constant 0 : i32
    %dma_wait3A_176 = arith.constant 0 : i32
    %dma_wait3A_177 = tpu.memref_slice %arg20[%dma_wait3A_175, %dma_wait3A_176] : memref<10240x16xf32, #tpu.memory_space<vmem_shared>> -> memref<10240x16xf32, #tpu.memory_space<vmem_shared>>
    tpu.wait_indirect_dma semaphore(%arg22 : memref<!tpu.dma_semaphore, #tpu.memory_space<semaphore_mem>>) src(%dma_wait3A_171 : memref<1000x16xf32, #tpu.memory_space<vmem>>) dst(%dma_wait3A_177 : memref<10240x16xf32, #tpu.memory_space<vmem_shared>>)
    %barrier3A_178 = arith.constant 0 : index
    tpu.barrier barrier_id(%barrier3A_178)
    "tpu.region"() ({
      %run_scoped3A = tpu.sem_alloc : memref<!tpu.dma_semaphore, #tpu.memory_space<semaphore_mem>>
      %dma_start3A_179 = arith.constant 0 : i32
      %dma_start3A_180 = tpu.memref_slice %arg9[%arg0, %mul3A_2, %dma_start3A_179] : memref<2x10240x16xf32, #tpu.memory_space<hbm>> -> memref<1x640x16xf32, #tpu.memory_space<hbm>>
      %dma_start3A_181 = tpu.memref_squeeze %dma_start3A_180 : memref<1x640x16xf32, #tpu.memory_space<hbm>> -> memref<640x16xf32, #tpu.memory_space<hbm>>
      %dma_start3A_182 = arith.constant 0 : i32
      %dma_start3A_183 = tpu.memref_slice %arg20[%mul3A_2, %dma_start3A_182] : memref<10240x16xf32, #tpu.memory_space<vmem_shared>> -> memref<640x16xf32, #tpu.memory_space<vmem_shared>>
      tpu.enqueue_dma source(%dma_start3A_183 : memref<640x16xf32, #tpu.memory_space<vmem_shared>>) target(%dma_start3A_181 : memref<640x16xf32, #tpu.memory_space<hbm>>) target_semaphore(%run_scoped3A : memref<!tpu.dma_semaphore, #tpu.memory_space<semaphore_mem>>)
      %dma_wait3A_184 = arith.constant 0 : i32
      %dma_wait3A_185 = tpu.memref_slice %arg9[%arg0, %mul3A_2, %dma_wait3A_184] : memref<2x10240x16xf32, #tpu.memory_space<hbm>> -> memref<1x640x16xf32, #tpu.memory_space<hbm>>
      %dma_wait3A_186 = tpu.memref_squeeze %dma_wait3A_185 : memref<1x640x16xf32, #tpu.memory_space<hbm>> -> memref<640x16xf32, #tpu.memory_space<hbm>>
      %dma_wait3A_187 = arith.constant 0 : i32
      %dma_wait3A_188 = tpu.memref_slice %arg20[%mul3A_2, %dma_wait3A_187] : memref<10240x16xf32, #tpu.memory_space<vmem_shared>> -> memref<640x16xf32, #tpu.memory_space<vmem_shared>>
      tpu.wait_dma2 semaphore(%run_scoped3A : memref<!tpu.dma_semaphore, #tpu.memory_space<semaphore_mem>>) src(%dma_wait3A_188 : memref<640x16xf32, #tpu.memory_space<vmem_shared>>) dst(%dma_wait3A_186 : memref<640x16xf32, #tpu.memory_space<hbm>>)
      tpu.yield
    }) : () -> ()
    return
  }
}

module attributes {stable_mosaic.version = 14 : i64} {
  func.func @_d1_body(%arg0: memref<10000x128xf32, #tpu.memory_space<vmem>>, %arg1: memref<2x2x10240xf32, #tpu.memory_space<vmem>>, %arg2: memref<128x16xf32, #tpu.memory_space<vmem>>, %arg3: memref<10240x16xf32, #tpu.memory_space<vmem>>) attributes {dimension_semantics = [], scalar_prefetch = 0 : i64, scratch_operands = 0 : i64, tpu.core_type = #tpu.core_type<tc>} {
    %get3A = arith.constant 0 : index
    %get3A_0 = arith.constant 0 : index
    %get3A_1 = arith.constant 0 : index
    %get3A_2 = vector.load %arg1[%get3A, %get3A_0, %get3A_1] : memref<2x2x10240xf32, #tpu.memory_space<vmem>>, vector<1x1x10240xf32>
    %get3A_3 = vector.shape_cast %get3A_2 : vector<1x1x10240xf32> to vector<10240xf32>
    %get3A_4 = arith.constant 1 : index
    %get3A_5 = arith.constant 0 : index
    %get3A_6 = arith.constant 0 : index
    %get3A_7 = vector.load %arg1[%get3A_4, %get3A_5, %get3A_6] : memref<2x2x10240xf32, #tpu.memory_space<vmem>>, vector<1x1x10240xf32>
    %get3A_8 = vector.shape_cast %get3A_7 : vector<1x1x10240xf32> to vector<10240xf32>
    %add3A = arith.addf %get3A_3, %get3A_8 : vector<10240xf32>
    %slice3A = vector.extract_strided_slice %add3A {offsets = [0], sizes = [10000], strides = [1]} : vector<10240xf32> to vector<10000xf32>
    %max3A = arith.constant 1.000000e+00 : f32
    %max3A_9 = vector.broadcast %max3A : f32 to vector<10000xf32>
    %max3A_10 = arith.maximumf %slice3A, %max3A_9 : vector<10000xf32>
    %rsqrt3A = math.rsqrt %max3A_10 : vector<10000xf32>
    %get3A_11 = arith.constant 0 : index
    %get3A_12 = arith.constant 0 : index
    %get3A_13 = vector.load %arg0[%get3A_11, %get3A_12] : memref<10000x128xf32, #tpu.memory_space<vmem>>, vector<10000x128xf32>
    %broadcast_in_dim3A = vector.shape_cast %rsqrt3A : vector<10000xf32> to vector<10000x1xf32>
    %mul3A = vector.broadcast %broadcast_in_dim3A : vector<10000x1xf32> to vector<10000x128xf32>
    %mul3A_14 = arith.mulf %get3A_13, %mul3A : vector<10000x128xf32>
    %get3A_15 = arith.constant 0 : index
    %get3A_16 = arith.constant 0 : index
    %get3A_17 = vector.load %arg2[%get3A_15, %get3A_16] : memref<128x16xf32, #tpu.memory_space<vmem>>, vector<128x16xf32>
    %dot_general3A = arith.constant dense<0.000000e+00> : vector<10000x16xf32>
    %dot_general3A_18 = tpu.matmul %mul3A_14, %get3A_17, %dot_general3A {dimension_numbers = #tpu.dot_dimension_numbers<[1], [0], [0], [1], [0, 0, 1, 1], [], []>, transpose_lhs_hint = false} : vector<10000x128xf32>, vector<128x16xf32>, vector<10000x16xf32> -> vector<10000x16xf32>
    %swap3A = arith.constant 0 : index
    %swap3A_19 = arith.constant 0 : index
    %swap3A_20 = vector.load %arg3[%swap3A, %swap3A_19] : memref<10240x16xf32, #tpu.memory_space<vmem>>, vector<10000x16xf32>
    tpu.vector_store %arg3[%swap3A, %swap3A_19], %dot_general3A_18 {strides = array<i32>} : memref<10240x16xf32, #tpu.memory_space<vmem>>, vector<10000x16xf32>,
    %broadcast_in_dim3A_21 = arith.constant 0.000000e+00 : f32
    %broadcast_in_dim3A_22 = vector.broadcast %broadcast_in_dim3A_21 : f32 to vector<240x16xf32>
    %swap3A_23 = arith.constant 10000 : index
    %swap3A_24 = arith.constant 0 : index
    %swap3A_25 = vector.load %arg3[%swap3A_23, %swap3A_24] : memref<10240x16xf32, #tpu.memory_space<vmem>>, vector<240x16xf32>
    tpu.vector_store %arg3[%swap3A_23, %swap3A_24], %broadcast_in_dim3A_22 {strides = array<i32>} : memref<10240x16xf32, #tpu.memory_space<vmem>>, vector<240x16xf32>,
    return
  }
}

module attributes {stable_mosaic.version = 14 : i64} {
  func.func @_d3_body(%arg0: memref<2x10240x16xf32, #tpu.memory_space<vmem>>, %arg1: memref<2x2x10240xf32, #tpu.memory_space<vmem>>, %arg2: memref<16x40xf32, #tpu.memory_space<vmem>>, %arg3: memref<40xf32, #tpu.memory_space<vmem>>, %arg4: memref<10000x40xf32, #tpu.memory_space<vmem>>) attributes {dimension_semantics = [], scalar_prefetch = 0 : i64, scratch_operands = 0 : i64, tpu.core_type = #tpu.core_type<tc>} {
    %get3A = arith.constant 0 : index
    %get3A_0 = arith.constant 0 : index
    %get3A_1 = arith.constant 0 : index
    %get3A_2 = vector.load %arg0[%get3A, %get3A_0, %get3A_1] : memref<2x10240x16xf32, #tpu.memory_space<vmem>>, vector<1x10000x16xf32>
    %get3A_3 = vector.shape_cast %get3A_2 : vector<1x10000x16xf32> to vector<10000x16xf32>
    %get3A_4 = arith.constant 1 : index
    %get3A_5 = arith.constant 0 : index
    %get3A_6 = arith.constant 0 : index
    %get3A_7 = vector.load %arg0[%get3A_4, %get3A_5, %get3A_6] : memref<2x10240x16xf32, #tpu.memory_space<vmem>>, vector<1x10000x16xf32>
    %get3A_8 = vector.shape_cast %get3A_7 : vector<1x10000x16xf32> to vector<10000x16xf32>
    %add3A = arith.addf %get3A_3, %get3A_8 : vector<10000x16xf32>
    %get3A_9 = arith.constant 0 : index
    %get3A_10 = arith.constant 1 : index
    %get3A_11 = arith.constant 0 : index
    %get3A_12 = vector.load %arg1[%get3A_9, %get3A_10, %get3A_11] : memref<2x2x10240xf32, #tpu.memory_space<vmem>>, vector<1x1x10000xf32>
    %get3A_13 = vector.shape_cast %get3A_12 : vector<1x1x10000xf32> to vector<10000xf32>
    %get3A_14 = arith.constant 1 : index
    %get3A_15 = arith.constant 1 : index
    %get3A_16 = arith.constant 0 : index
    %get3A_17 = vector.load %arg1[%get3A_14, %get3A_15, %get3A_16] : memref<2x2x10240xf32, #tpu.memory_space<vmem>>, vector<1x1x10000xf32>
    %get3A_18 = vector.shape_cast %get3A_17 : vector<1x1x10000xf32> to vector<10000xf32>
    %add3A_19 = arith.addf %get3A_13, %get3A_18 : vector<10000xf32>
    %max3A = arith.constant 1.000000e+00 : f32
    %max3A_20 = vector.broadcast %max3A : f32 to vector<10000xf32>
    %max3A_21 = arith.maximumf %add3A_19, %max3A_20 : vector<10000xf32>
    %rsqrt3A = math.rsqrt %max3A_21 : vector<10000xf32>
    %broadcast_in_dim3A = vector.shape_cast %rsqrt3A : vector<10000xf32> to vector<10000x1xf32>
    %get3A_22 = arith.constant 0 : index
    %get3A_23 = arith.constant 0 : index
    %get3A_24 = vector.load %arg2[%get3A_22, %get3A_23] : memref<16x40xf32, #tpu.memory_space<vmem>>, vector<16x40xf32>
    %dot_general3A = arith.constant dense<0.000000e+00> : vector<10000x40xf32>
    %dot_general3A_25 = tpu.matmul %add3A, %get3A_24, %dot_general3A {dimension_numbers = #tpu.dot_dimension_numbers<[1], [0], [0], [1], [0, 0, 1, 1], [], []>, transpose_lhs_hint = false} : vector<10000x16xf32>, vector<16x40xf32>, vector<10000x40xf32> -> vector<10000x40xf32>
    %mul3A = vector.broadcast %broadcast_in_dim3A : vector<10000x1xf32> to vector<10000x40xf32>
    %mul3A_26 = arith.mulf %dot_general3A_25, %mul3A : vector<10000x40xf32>
    %get3A_27 = arith.constant 0 : index
    %get3A_28 = vector.load %arg3[%get3A_27] : memref<40xf32, #tpu.memory_space<vmem>>, vector<40xf32>
    %broadcast_in_dim3A_29 = vector.shape_cast %get3A_28 : vector<40xf32> to vector<1x40xf32>
    %add3A_30 = vector.broadcast %broadcast_in_dim3A_29 : vector<1x40xf32> to vector<10000x40xf32>
    %add3A_31 = arith.addf %mul3A_26, %add3A_30 : vector<10000x40xf32>
    %swap3A = arith.constant 0 : index
    %swap3A_32 = arith.constant 0 : index
    %swap3A_33 = vector.load %arg4[%swap3A, %swap3A_32] : memref<10000x40xf32, #tpu.memory_space<vmem>>, vector<10000x40xf32>
    tpu.vector_store %arg4[%swap3A, %swap3A_32], %add3A_31 {strides = array<i32>} : memref<10000x40xf32, #tpu.memory_space<vmem>>, vector<10000x40xf32>,
    return
  }
}

</mosaic_0001>

<sc_bundles>
// kernel: kernel.10.cloned.1.call-start
scs
__scs_entry_jumppad:
0x0: {  	(pc) =	sbr.rel $0x88, $3  }
0x1: {  	(tag) =	ssettag $0x0;
	lr =	simm.s32 $0x1  }
0x2: {  	[smem:$0x3F9B] =	sst lr;
	_ =	strace $0xD0000000  }
0x3: {  	_ = 	snop  }
0x4: {  	_ = 	snop  }
0x5: {  	_ = 	snop  }
0x6: {  	_ = 	snop  }
0x7: {  	_ = 	snop  }
__scs_overlays_trampoline_lowered:
0x8: {  	[smem:$0x3FAA] =	sst s0  }
0x9: {  	[smem:$0x3FAB] =	sst s1  }
0xa: {  	[smem:$0x3FAC] =	sst s2  }
0xb: {  	[smem:$0x3FAD] =	sst s3  }
0xc: {  	[smem:$0x3FAE] =	sst s4  }
0xd: {  	[smem:$0x3FAF] =	sst s5  }
0xe: {  	[smem:$0x3FB0] =	sst s6  }
0xf: {  	[smem:$0x3FB1] =	sst s7  }
0x10: {  	[smem:$0x3FB2] =	sst s8  }
0x11: {  	[smem:$0x3FB3] =	sst s9;
	s0 =	simm.s32 @!p0 $0x0  }
0x12: {  	s1 =	sld [smem:$0x3F99];
	s0 =	simm.s32 @p0 $0x1  }
0x13: {  	[smem:$0x3FB4] =	sst s0;
	s0 =	simm.s32 @!p1 $0x0  }
0x14: {  	s2 =	sld [smem:$0x3F98];
	s0 =	simm.s32 @p1 $0x1  }
0x15: {  	[smem:$0x3FB5] =	sst s0;
	s0 =	simm.s32 @!p2 $0x0  }
0x16: {  	s3 =	sld [smem:$0x3FDB];
	s0 =	simm.s32 @p2 $0x1  }
0x17: {  	s4 =	simm.s32 $0x1BF5;
	[smem:$0x3FB7] =	sst s0  }
0x18: {  	s0 =	sld [smem:$0x3F9A];
	_ =	swait.ge [sflag:s4], $0x0  }
0x19: {  	s7 =	sld [smem:$0x3F9B]  }
0x1a: {  	s8 =	sadd.s32 $0xFFFFE003, lr  }
0x1b: {  	s9 =	sadd.s32 $0xFFFFFEF7, lr;
	s5 =	simm.s32 $0xFFFFFFFF;
	p2 =	slt.u32 s8, $0xFFFFF086  }
0x1c: {  	p1 =	slt.u32 s9, $0xF7A;
	s5 =	simm.s32 @!p2 $0x0  }
0x1d: {  	s5 =	simm.s32 @p1 $0x1;
	p0 =	seq.s32 s7, s2  }
0x1e: {  	s7 =	smul.u32 @!p0 $0xF7A, s2;
	p2 =	seq.s32 @!p0 s5, $0x0  }
0x1f: {  	s9 =	smul.u32 $0xF7A, s1;
	s8 =	simm.s32 @!p0 $0x1BF5;
	p2 =	por !p2, p0  }
0x20: {  	[sflag:s8] =	ssyncset.s32 @!p0 $0xFFFFF086;
	s6 =	sadd.s32 @!p0 s3, s7;
	s7 =	simm.s32 @!p0 $0x108  }
0x21: {  	s3 =	sadd.s32 s3, s9;
	s6 =	sadd.s32 @!p0 $0x88, s6;
	s7 =	simm.s32 @p2 $0x1082  }
0x22: {  	[simem:s7], [sflag:s8] =	dma.local @!p0 [hbm:s6], $0xF7A  }
0x23: {  	s9 =	sor.u32 $0xD0000000, s2;
	s6 =	simm.s32 $0x108;
	_ =	swait.ge @!p0 [sflag:s8], $0x0  }
0x24: {  	s3 =	sadd.s32 $0x88, s3;
	s6 =	simm.s32 @!p1 $0x1082;
	[sflag:s4] =	ssyncset.s32 $0xFFFFF086  }
0x25: {  	[simem:s6], [sflag:s4] =	dma.local [hbm:s3], $0xF7A  }
0x26: {  	[smem:$0x3F9B] =	sst s1;
	(tag) =	ssettag s2;
	_ =	strace s9  }
0x27: {  	s1 =	sld [smem:$0x3FAB]  }
0x28: {  	s2 =	sld [smem:$0x3FAC]  }
0x29: {  	s4 =	sld [smem:$0x3FAE]  }
0x2a: {  	p0 =	seq.s32 s5, $0x0;
	s5 =	sld [smem:$0x3FAF]  }
0x2b: {  	s6 =	sld [smem:$0x3FB0]  }
0x2c: {  	s7 =	sld [smem:$0x3FB1]  }
0x2d: {  	s3 =	simm.s32 $0x108;
	s8 =	sld [smem:$0x3FB2]  }
0x2e: {  	s3 =	simm.s32 @!p0 $0x1082;
	s9 =	sld [smem:$0x3FB3]  }
0x2f: {  	lr =	sadd.s32 s0, s3;
	s0 =	sld [smem:$0x3FAA]  }
0x30: {  	s3 =	sld [smem:$0x3FAD]  }
0x31: {  	[smem:$0x3FB6] =	sst s10  }
0x32: {  	s10 =	sld [smem:$0x3FB4];
	_ =	sdelay $0x3  }
0x33: {  	p0 =	seq.s32 s10, $0x1;
	s10 =	sld [smem:$0x3FB6];
	_ =	sdelay $0x3  }
0x34: {  	[smem:$0x3FB6] =	sst s10  }
0x35: {  	s10 =	sld [smem:$0x3FB5];
	_ =	sdelay $0x3  }
0x36: {  	p1 =	seq.s32 s10, $0x1;
	s10 =	sld [smem:$0x3FB6];
	_ =	sdelay $0x3  }
0x37: {  	[smem:$0x3FB6] =	sst s10  }
0x38: {  	s10 =	sld [smem:$0x3FB7]  }
0x39: {  	_ = 	snop;
	(pc) =	sbr.ind lr, $3  }
0x3a: {  	_ = 	snop  }
0x3b: {  	_ = 	snop  }
0x3c: {  	p2 =	seq.s32 s10, $0x1;
	s10 =	sld [smem:$0x3FB6]  }
0x3d: {  	_ =	shalt  }
0x3e: {  	_ =	shalt  }
0x3f: {  	_ =	shalt  }
0x40: {  	_ =	shalt  }
0x41: {  	_ =	shalt  }
0x42: {  	_ =	shalt  }
0x43: {  	_ =	shalt  }
0x44: {  	_ =	shalt  }
0x45: {  	_ =	shalt  }
0x46: {  	_ =	shalt  }
0x47: {  	_ =	shalt  }
0x48: {  	_ =	shalt  }
0x49: {  	_ =	shalt  }
0x4a: {  	_ =	shalt  }
0x4b: {  	_ =	shalt  }
0x4c: {  	_ =	shalt  }
0x4d: {  	_ =	shalt  }
0x4e: {  	_ =	shalt  }
0x4f: {  	_ =	shalt  }
0x50: {  	_ =	shalt  }
0x51: {  	_ =	shalt  }
0x52: {  	_ =	shalt  }
0x53: {  	_ =	shalt  }
0x54: {  	_ =	shalt  }
0x55: {  	_ =	shalt  }
0x56: {  	_ =	shalt  }
0x57: {  	_ =	shalt  }
0x58: {  	_ =	shalt  }
0x59: {  	_ =	shalt  }
0x5a: {  	_ =	shalt  }
0x5b: {  	_ =	shalt  }
0x5c: {  	_ =	shalt  }
0x5d: {  	_ =	shalt  }
0x5e: {  	_ =	shalt  }
0x5f: {  	_ =	shalt  }
0x60: {  	_ =	shalt  }
0x61: {  	_ =	shalt  }
0x62: {  	_ =	shalt  }
0x63: {  	_ =	shalt  }
0x64: {  	_ =	shalt  }
0x65: {  	_ =	shalt  }
0x66: {  	_ =	shalt  }
0x67: {  	_ =	shalt  }
0x68: {  	_ =	shalt  }
0x69: {  	_ =	shalt  }
0x6a: {  	_ =	shalt  }
0x6b: {  	_ =	shalt  }
0x6c: {  	_ =	shalt  }
0x6d: {  	_ =	shalt  }
0x6e: {  	_ =	shalt  }
0x6f: {  	_ =	shalt  }
0x70: {  	_ =	shalt  }
0x71: {  	_ =	shalt  }
0x72: {  	_ =	shalt  }
0x73: {  	_ =	shalt  }
0x74: {  	_ =	shalt  }
0x75: {  	_ =	shalt  }
0x76: {  	_ =	shalt  }
0x77: {  	_ =	shalt  }
0x78: {  	_ =	shalt  }
0x79: {  	_ =	shalt  }
0x7a: {  	_ =	shalt  }
0x7b: {  	_ =	shalt  }
0x7c: {  	_ =	shalt  }
0x7d: {  	_ =	shalt  }
0x7e: {  	_ =	shalt  }
0x7f: {  	_ =	shalt  }
0x80: {  	_ =	shalt  }
0x81: {  	_ =	shalt  }
0x82: {  	_ =	shalt  }
0x83: {  	_ =	shalt  }
0x84: {  	_ =	shalt  }
0x85: {  	_ =	shalt  }
0x86: {  	_ =	shalt  }
0x87: {  	_ =	shalt  }
.Lfunc_end0:
.L_simem_size_0:
called_computation.1_lowered:
.L_overlay_start_0:
0x88: {  	s2 =	sld [smem:$0x3FD9]  }
0x89: {  	s3 =	sld [smem:$0x3FFE];
	_ =	sdelay $0x1  }
0x8a: {  	s1 =	srdreg.scid  }
0x8b: {  	s0 =	sand.u32 $0x1, s1  }
0x8c: {  	s17 =	sshll.u32 s0, $0xA;
	s2 =	sadd.s32 s3, s2  }
0x8d: {  	s2 =	sadd.s32 s2, s17  }
0x8e: {  	[smem:$0x3FC2] =	sst s2  }
0x8f: {  	_ = 	snop  }
0x90: {  	s2 =	sld [smem:$0x3FD0];
	(tm) =	ssettm $0x1  }
0x91: {  	s18 =	sld [smem:$0x3FFB];
	_ =	sdelay $0x3  }
0x92: {  	_ =	strace s18  }
0x93: {  	s3 =	sld [smem:$0x3FFC];
	_ =	sdelay $0x3  }
0x94: {  	_ =	strace s3  }
0x95: {  	s3 =	sld [smem:$0x3FFD];
	_ =	sdelay $0x3  }
0x96: {  	_ =	strace s3  }
0x97: {  	_ =	strace $0x8FFFFFFF  }
0x98: {  	s19 =	sld [smem:$0x3FDB];
	_ =	sdelay $0x1  }
0x99: {  	s4 =	simm.s32 $_scs_section_size  }
0x9a: {  	s5 =	simm.s32 $_size__tile_overlayer_lowered;
	s6 =	simm.s32 $_tile_overlayer_lowered  }
0x9b: {  	s22 =	simm.s32 $0x1BFF;
	s21 =	sshll.u32 s6, $0x1;
	s3 =	sadd.s32 s4, s19  }
0x9c: {  	s7 =	simm.s32 $0x0;
	s20 =	sshll.u32 s5, $0x1;
	s5 =	sadd.s32 s21, s3  }
0x9d: {  	[timem:s7], [sflag:s22] =	dma.local [hbm:s5], s20  }
0x9e: {  	_ =	swait.ge [sflag:s22], s20  }
0x9f: {  	s4 =	ssub.s32 $0x0, s20;
	[sflag:s22] =	ssyncset.done $0x0  }
0xa0: {  	[sflag:s22] =	ssyncadd.s32 s4;
	_ =	sdelay $0x1  }
0xa1: {  	s23 =	simm.s32 $0x1B8B  }
0xa2: {  	_ =	swait.ge [sflag:s23], $0x1  }
0xa3: {  	[sflag:s23] =	ssyncset.done $0x0  }
0xa4: {  	s25 =	simm.s32 $0x1B8E;
	s24 =	sld [smem:$0x3FFE];
	[sflag:s23] =	ssyncadd.s32 $0xFFFFFFFF  }
0xa5: {  	s26 =	simm.s32 $execute0_lowered;
	[smem:$0x3FD2] =	sst s25  }
0xa6: {  	s5 =	sshll.u32 s26, $0x1;
	_ =	strace $0x80000049;
	[dreg:$0x1] =	wrdreg $0xFFFFFFFF  }
0xa7: {  	s28 =	simm.s32 $_size_execute0_lowered;
	s3 =	sadd.s32 s3, s5;
	[dreg:$0x0] =	wrdreg $0x0  }
0xa8: {  	s5 =	sshll.u32 s28, $0x1;
	[dreg:$0x2] =	wrdreg s3  }
0xa9: {  	[dreg:$0x3] =	wrdreg s5  }
0xaa: {  	[dreg:$0x4] =	wrdreg $0xC0  }
0xab: {  	_ =	task [dreg:s7], $0x5FFFF  }
0xac: {  	[dreg:$0x1] =	wrdreg $0xFFFFFFFF  }
0xad: {  	[dreg:$0x0] =	wrdreg $0x60  }
0xae: {  	[dreg:$0x2] =	wrdreg s2  }
0xaf: {  	[dreg:$0x3] =	wrdreg s24  }
0xb0: {  	[dreg:$0x4] =	wrdreg $0x148200  }
0xb1: {  	[dreg:$0x5] =	wrdreg $0x9  }
0xb2: {  	_ =	task.clear_ibuf [dreg:s7], $0x6FFFF;
	_ =	strace $0x90000049  }
0xb3: {  	s29 =	simm.s32 $0x9;
	_ =	strace $0x8000004B  }
0xb4: {  	_ =	swait.ge [sflag:s29], $0x1  }
0xb5: {  	[sflag:s29] =	ssyncadd.s32 $0xFFFFFFFF  }
0xb6: {  	_ =	strace $0x9000004B  }
0xb7: {  	_ =	sfence  }
0xb8: {  	s30 =	sld [smem:$0x0];
	_ =	sdelay $0x2  }
0xb9: {  	s31 =	sshll.u32 s1, $0xD;
	s1 =	sshrl.u32 s1, $0x2  }
0xba: {  	s3 =	sand.u32 $0x4000, s31;
	s1 =	sadd.s32 s1, s30  }
0xbb: {  	s0 =	sor.u32 s3, s0;
	s1 =	sshll.u32 s1, $0x11  }
0xbc: {  	s0 =	sor.u32 s1, s0  }
0xbd: {  	s0 =	sadd.s32 $0x8F2B, s0  }
0xbe: {  	[sflag:s0] =	ssyncadd.remote.s32 $0x1  }
0xbf: {  	_ =	sfence.sel $0xFFFF  }
0xc0: {  	[dreg:$0x0] =	wrdreg $0xFFFFFFFF;
	(pc) =	sbr.abs _section_cstart, $3  }
0xc1: {  	[dreg:$0x1] =	wrdreg $0xFFFFFFFF  }
0xc2: {  	_ =	task.clear_ibuf [dreg:s7], $0x2FFFF;
	_ =	strace $0x9FFFFFFF  }
0xc3: {  	(tm) =	ssettm $0x7FFFFFFF  }
tec
execute0_lowered:
.L_overlay_start_1:
0x0: {  	(tag) =	ssettag $0x1  }
0x1: {  	s3 =	rddreg [dreg:$0x0]  }
0x2: {  	s0 =	rddreg [dreg:$0x1]  }
0x3: {  	s1 =	srdreg.scid;
	s2 =	rddreg [dreg:$0x2]  }
0x4: {  	s15 =	stileid.u32;
	s14 =	rddreg [dreg:$0x3];
	s19 =	simm.s32 $0x0  }
0x5: {  	s26 =	simm.s32 $0x2710;
	s10 =	simm.s32 $0x4E20;
	s23 =	simm.s32 $0x7D0  }
0x6: {  	s9 =	simm.s32 $0x8CA0;
	s24 =	simm.s32 $0xBB8;
	s13 =	simm.s32 $0xCB20  }
0x7: {  	s25 =	simm.s32 $0xFA0;
	s12 =	simm.s32 $0x109A0;
	s29 =	simm.s32 $0x1388  }
0x8: {  	s30 =	simm.s32 $0x2EE0;
	s28 =	simm.s32 $0x32C8;
	s21 =	simm.s32 $0x1F40  }
0x9: {  	s22 =	simm.s32 $0x3A98;
	p0 =	por $0x0, $0x0;
	s11 =	simm.s32 $0x3  }
0xa: {  	s1 =	sand.u32 $0x1, s1;
	s5 =	smul.u32 $0x2800, s15;
	[smem:$0x7FF] =	sst s19  }
0xb: {  	s31 =	sshll.u32 s15, $0x6;
	_ =	strace $0x8000004A;
	[dreg:$0x9] =	wrdreg s23  }
0xc: {  	s4 =	sshll.u32 s1, $0x4;
	s6 =	smul.u32 $0x28000, s1;
	[dreg:$0xa] =	wrdreg s24  }
0xd: {  	s1 =	ssub.s32 $0x2, s1;
	s18 =	sor.u32 $0x1C02, s31;
	[dreg:$0xb] =	wrdreg s25  }
0xe: {  	s25 =	simm.s32 $0x1770;
	s23 =	simm.s32 $0x1B58;
	s24 =	simm.s32 $0x36B0  }
0xf: {  	s4 =	sor.u32 s15, s4;
	s7 =	sshrl.u32 s5, $0x3;
	s8 =	sshrl.u32 s1, $0x1  }
0x10: {  	[dreg:$0x7] =	wrdreg s18;
	s18 =	simm.s32 $0x2AF8;
	s4 =	smul.u32 $0x4E2, s4  }
0x11: {  	s6 =	sadd.s32 s5, s6;
	s7 =	sadd.s32 s7, s0;
	s1 =	ssub.s32 s1, s8  }
0x12: {  	s5 =	sadd.s32 s5, s2;
	s8 =	simm.s32 $0x1;
	s6 =	sshrl.u32 s6, $0x3  }
0x13: {  	s17 =	sadd.s32 $0x16800, s7;
	s20 =	smax.u32 s1, $0x1;
	s5 =	sshrl.u32 s5, $0x3  }
0x14: {  	s1 =	rddreg [dreg:$0x7];
	s4 =	sadd.s32 s4, s0;
	p1 =	sne.s32 s20, $0x1  }
.Ltmp0:
0x15: {  	[dreg:$0x6] =	wrdreg s17;
	s16 =	sadd.s32 $0xB400, s4;
	(pc) =	sbr.rel @!p1 .LBB2_1-.Ltmp0, $4  }
0x16: {  	s0 =	sadd.s32 s6, s0;
	s4 =	sadd.s32 $0x1600, s4;
	[dreg:$0x4] =	wrdreg s16  }
0x17: {  	s7 =	simm.s32 $0x3E8;
	s0 =	sadd.s32 $0x1B800, s0;
	[dreg:$0x5] =	wrdreg s4  }
0x18: {  	s6 =	simm.s32 $0x2;
	s17 =	simm.s32 $0x4268;
	[dreg:$0x8] =	wrdreg s0  }
0x19: {  	s0 =	sadd.s32 $0xFFFFFFFF, s20;
	s20 =	simm.s32 $0x3E80;
	s16 =	simm.s32 $0x4650  }
0x1a: {  	s14 =	smov.u32 s31;
	s31 =	rddreg [dreg:$0x4]  }
0x1b: {  	s4 =	rddreg [dreg:$0x5]  }
0x1c: {  	[tilespmem:s19], [sflag:$0x1] =	stream.linear.gather [hbm4b:s31+s19], $0x2710, $0x38;
	[tilespmem:$0x17020] =	vst v63  }
0x1d: {  	s31 =	rddreg [dreg:$0x6]  }
0x1e: {  	[tilespmem:s26], [sflag:$0x1] =	stream.linear.gather [hbm4b:s4+s19], $0x2710, $0x38;
	[tilespmem:$0x17020] =	vst v63  }
0x1f: {  	[spmem:s5], [sflag:s1] =	dma.local [hbm:s31], $0x500  }
0x20: {  	_ =	swait.ge [sflag:s8], $0x2710  }
0x21: {  	[sflag:s8] =	ssyncset.done $0x0  }
0x22: {  	[sflag:s8] =	ssyncadd.s32 $0xFFFFD8F0  }
0x23: {  	_ =	swait.ge [sflag:s8], $0x2710  }
0x24: {  	[sflag:s8] =	ssyncset.done $0x0  }
0x25: {  	[sflag:s8] =	ssyncadd.s32 $0xFFFFD8F0  }
0x26: {  	_ =	swait.ge [sflag:s6], $0x500  }
0x27: {  	[sflag:s6] =	ssyncset.done $0x0  }
0x28: {  	[sflag:s6] =	ssyncadd.s32 $0xFFFFFB00  }
0x29: {  	[bflag:$0x0] =	sbarrier.arrive $0xFFFF  }
0x2a: {  	[tilespmem:s10], [sflag:$0x1] =	stream.indirect.gather [hbm4b:s3+s7], $0x10, s19, s7, $0xb8;
	[tilespmem:$0x17020] =	vst v63  }
0x2b: {  	_ = 	snop  }
0x2c: {  	[tilespmem:s9], [sflag:$0x1] =	stream.indirect.gather [hbm4b:s3+s7], $0x10, s7, s7, $0xb8;
	[tilespmem:$0x17020] =	vst v63  }
0x2d: {  	s15 =	rddreg [dreg:$0x9]  }
0x2e: {  	[tilespmem:s13], [sflag:$0x1] =	stream.indirect.gather [hbm4b:s3+s7], $0x10, s15, s7, $0xb8;
	[tilespmem:$0x17020] =	vst v63  }
0x2f: {  	_ =	swait.ge [sflag:s8], $0x3E80  }
0x30: {  	[sflag:s8] =	ssyncset.done $0x0  }
0x31: {  	s15 =	rddreg [dreg:$0xa];
	[sflag:s8] =	ssyncadd.s32 $0xFFFFC180  }
0x32: {  	[tilespmem:s12], [sflag:$0x1] =	stream.indirect.gather [hbm4b:s3+s7], $0x10, s15, s7, $0xb8;
	[tilespmem:$0x17020] =	vst v63  }
0x33: {  	_ = 	snop  }
0x34: {  	[spmem:s2] =	stream.indirect.scatter.add.f32 [tilespmem:s10], [sflag:$0x2], $0x10, s26, s7, $0xb8;
	[tilespmem:$0x17020] =	vst v63  }
0x35: {  	_ =	swait.ge [sflag:s8], $0x3E80  }
0x36: {  	[sflag:s8] =	ssyncset.done $0x0  }
0x37: {  	[sflag:s8] =	ssyncadd.s32 $0xFFFFC180  }
0x38: {  	_ =	swait.ge [sflag:s6], $0x3E80  }
0x39: {  	[sflag:s6] =	ssyncset.done $0x0  }
0x3a: {  	s15 =	rddreg [dreg:$0xb];
	[sflag:s6] =	ssyncadd.s32 $0xFFFFC180  }
0x3b: {  	[tilespmem:s10], [sflag:$0x1] =	stream.indirect.gather [hbm4b:s3+s7], $0x10, s15, s7, $0xb8;
	[tilespmem:$0x17020] =	vst v63  }
0x3c: {  	_ = 	snop  }
0x3d: {  	[spmem:s2] =	stream.indirect.scatter.add.f32 [tilespmem:s9], [sflag:$0x2], $0x10, s18, s7, $0xb8;
	[tilespmem:$0x17020] =	vst v63  }
0x3e: {  	_ =	swait.ge [sflag:s8], $0x3E80  }
0x3f: {  	[sflag:s8] =	ssyncset.done $0x0  }
0x40: {  	[sflag:s8] =	ssyncadd.s32 $0xFFFFC180  }
0x41: {  	_ =	swait.ge [sflag:s6], $0x3E80  }
0x42: {  	[sflag:s6] =	ssyncset.done $0x0  }
0x43: {  	[sflag:s6] =	ssyncadd.s32 $0xFFFFC180  }
0x44: {  	[tilespmem:s9], [sflag:$0x1] =	stream.indirect.gather [hbm4b:s3+s7], $0x10, s29, s7, $0xb8;
	[tilespmem:$0x17020] =	vst v63  }
0x45: {  	_ = 	snop  }
0x46: {  	[spmem:s2] =	stream.indirect.scatter.add.f32 [tilespmem:s13], [sflag:$0x2], $0x10, s30, s7, $0xb8;
	[tilespmem:$0x17020] =	vst v63  }
0x47: {  	_ =	swait.ge [sflag:s8], $0x3E80  }
0x48: {  	[sflag:s8] =	ssyncset.done $0x0  }
0x49: {  	[sflag:s8] =	ssyncadd.s32 $0xFFFFC180  }
0x4a: {  	_ =	swait.ge [sflag:s6], $0x3E80  }
0x4b: {  	[sflag:s6] =	ssyncset.done $0x0  }
0x4c: {  	[sflag:s6] =	ssyncadd.s32 $0xFFFFC180  }
0x4d: {  	[tilespmem:s13], [sflag:$0x1] =	stream.indirect.gather [hbm4b:s3+s7], $0x10, s25, s7, $0xb8;
	[tilespmem:$0x17020] =	vst v63  }
0x4e: {  	_ = 	snop  }
0x4f: {  	[spmem:s2] =	stream.indirect.scatter.add.f32 [tilespmem:s12], [sflag:$0x2], $0x10, s28, s7, $0xb8;
	[tilespmem:$0x17020] =	vst v63  }
0x50: {  	_ =	swait.ge [sflag:s8], $0x3E80  }
0x51: {  	[sflag:s8] =	ssyncset.done $0x0  }
0x52: {  	[sflag:s8] =	ssyncadd.s32 $0xFFFFC180  }
0x53: {  	_ =	swait.ge [sflag:s6], $0x3E80  }
0x54: {  	[sflag:s6] =	ssyncset.done $0x0  }
0x55: {  	[sflag:s6] =	ssyncadd.s32 $0xFFFFC180  }
0x56: {  	[tilespmem:s12], [sflag:$0x1] =	stream.indirect.gather [hbm4b:s3+s7], $0x10, s23, s7, $0xb8;
	[tilespmem:$0x17020] =	vst v63  }
0x57: {  	_ = 	snop  }
0x58: {  	[spmem:s2] =	stream.indirect.scatter.add.f32 [tilespmem:s10], [sflag:$0x2], $0x10, s24, s7, $0xb8;
	[tilespmem:$0x17020] =	vst v63  }
0x59: {  	_ =	swait.ge [sflag:s8], $0x3E80  }
0x5a: {  	[sflag:s8] =	ssyncset.done $0x0  }
0x5b: {  	[sflag:s8] =	ssyncadd.s32 $0xFFFFC180  }
0x5c: {  	_ =	swait.ge [sflag:s6], $0x3E80  }
0x5d: {  	[sflag:s6] =	ssyncset.done $0x0  }
0x5e: {  	[sflag:s6] =	ssyncadd.s32 $0xFFFFC180  }
0x5f: {  	[tilespmem:s10], [sflag:$0x1] =	stream.indirect.gather [hbm4b:s3+s7], $0x10, s21, s7, $0xb8;
	[tilespmem:$0x17020] =	vst v63  }
0x60: {  	_ = 	snop  }
0x61: {  	[spmem:s2] =	stream.indirect.scatter.add.f32 [tilespmem:s9], [sflag:$0x2], $0x10, s22, s7, $0xb8;
	[tilespmem:$0x17020] =	vst v63  }
0x62: {  	_ =	swait.ge [sflag:s8], $0x3E80  }
0x63: {  	[sflag:s8] =	ssyncset.done $0x0  }
0x64: {  	[sflag:s8] =	ssyncadd.s32 $0xFFFFC180  }
0x65: {  	_ =	swait.ge [sflag:s6], $0x3E80  }
0x66: {  	[sflag:s6] =	ssyncset.done $0x0  }
0x67: {  	s15 =	simm.s32 $0x2328;
	[sflag:s6] =	ssyncadd.s32 $0xFFFFC180  }
0x68: {  	[tilespmem:s9], [sflag:$0x1] =	stream.indirect.gather [hbm4b:s3+s7], $0x10, s15, s7, $0xb8;
	[tilespmem:$0x17020] =	vst v63  }
0x69: {  	_ = 	snop  }
0x6a: {  	[spmem:s2] =	stream.indirect.scatter.add.f32 [tilespmem:s13], [sflag:$0x2], $0x10, s20, s7, $0xb8;
	[tilespmem:$0x17020] =	vst v63  }
0x6b: {  	_ =	swait.ge [sflag:s8], $0x3E80  }
0x6c: {  	[sflag:s8] =	ssyncset.done $0x0  }
0x6d: {  	[sflag:s8] =	ssyncadd.s32 $0xFFFFC180  }
0x6e: {  	_ =	swait.ge [sflag:s6], $0x3E80  }
0x6f: {  	[sflag:s6] =	ssyncset.done $0x0  }
0x70: {  	[sflag:s6] =	ssyncadd.s32 $0xFFFFC180  }
0x71: {  	[spmem:s2] =	stream.indirect.scatter.add.f32 [tilespmem:s12], [sflag:$0x2], $0x10, s17, s7, $0xb8;
	[tilespmem:$0x17020] =	vst v63  }
0x72: {  	_ =	swait.ge [sflag:s8], $0x3E80  }
0x73: {  	[sflag:s8] =	ssyncset.done $0x0  }
0x74: {  	[sflag:s8] =	ssyncadd.s32 $0xFFFFC180  }
0x75: {  	_ =	swait.ge [sflag:s6], $0x3E80  }
0x76: {  	[sflag:s6] =	ssyncset.done $0x0  }
0x77: {  	[sflag:s6] =	ssyncadd.s32 $0xFFFFC180  }
0x78: {  	[spmem:s2] =	stream.indirect.scatter.add.f32 [tilespmem:s10], [sflag:$0x2], $0x10, s16, s7, $0xb8;
	[tilespmem:$0x17020] =	vst v63  }
0x79: {  	_ =	swait.ge [sflag:s8], $0x3E80  }
0x7a: {  	[sflag:s8] =	ssyncset.done $0x0  }
0x7b: {  	[sflag:s8] =	ssyncadd.s32 $0xFFFFC180  }
0x7c: {  	_ =	swait.ge [sflag:s6], $0x3E80  }
0x7d: {  	[sflag:s6] =	ssyncset.done $0x0  }
0x7e: {  	s4 =	simm.s32 $0x4A38;
	[sflag:s6] =	ssyncadd.s32 $0xFFFFC180  }
0x7f: {  	[spmem:s2] =	stream.indirect.scatter.add.f32 [tilespmem:s9], [sflag:$0x2], $0x10, s4, s7, $0xb8;
	[tilespmem:$0x17020] =	vst v63  }
0x80: {  	_ =	swait.ge [sflag:s6], $0x3E80  }
0x81: {  	[sflag:s6] =	ssyncset.done $0x0  }
0x82: {  	[sflag:s6] =	ssyncadd.s32 $0xFFFFC180  }
0x83: {  	p1 =	sne.s32 s0, $0x1;
	[bflag:$0x0] =	sbarrier.arrive $0xFFFF  }
.Ltmp1:
0x84: {  	s15 =	rddreg [dreg:$0x8];
	(pc) =	sbr.rel @!p1 .LBB2_3-.Ltmp1, $4  }
0x85: {  	s31 =	sor.u32 $0x1C03, s14;
	[dreg:$0xc] =	wrdreg s14  }
0x86: {  	[hbm:s15], [sflag:s31] =	dma.local [spmem:s5], $0x500  }
0x87: {  	s0 =	sadd.s32 $0xFFFFFFFF, s0;
	_ =	swait.ge [sflag:s11], $0x500  }
0x88: {  	p0 =	por $0x1, $0x1;
	s1 =	rddreg [dreg:$0x7];
	[sflag:s11] =	ssyncset.done $0x0  }
.LBB2_4:
0x89: {  	s4 =	rddreg [dreg:$0x4]  }
0x8a: {  	[sflag:s11] =	ssyncadd.s32 $0xFFFFFB00;
	s14 =	rddreg [dreg:$0x6]  }
0x8b: {  	[tilespmem:s19], [sflag:$0x1] =	stream.linear.gather [hbm4b:s4+s19], $0x2710, $0x38;
	[tilespmem:$0x17020] =	vst v63  }
0x8c: {  	s15 =	rddreg [dreg:$0x5]  }
0x8d: {  	[tilespmem:s26], [sflag:$0x1] =	stream.linear.gather [hbm4b:s15+s19], $0x2710, $0x38;
	[tilespmem:$0x17020] =	vst v63  }
0x8e: {  	[spmem:s5], [sflag:s1] =	dma.local [hbm:s14], $0x500  }
0x8f: {  	_ =	swait.ge [sflag:s8], $0x2710  }
0x90: {  	[sflag:s8] =	ssyncset.done $0x0  }
0x91: {  	[sflag:s8] =	ssyncadd.s32 $0xFFFFD8F0  }
0x92: {  	_ =	swait.ge [sflag:s8], $0x2710  }
0x93: {  	[sflag:s8] =	ssyncset.done $0x0  }
0x94: {  	[sflag:s8] =	ssyncadd.s32 $0xFFFFD8F0  }
0x95: {  	_ =	swait.ge [sflag:s6], $0x500  }
0x96: {  	[sflag:s6] =	ssyncset.done $0x0  }
0x97: {  	[sflag:s6] =	ssyncadd.s32 $0xFFFFFB00  }
0x98: {  	[bflag:$0x0] =	sbarrier.arrive $0xFFFF  }
0x99: {  	[tilespmem:s10], [sflag:$0x1] =	stream.indirect.gather [hbm4b:s3+s7], $0x10, s19, s7, $0xb8;
	[tilespmem:$0x17020] =	vst v63  }
0x9a: {  	_ = 	snop  }
0x9b: {  	[tilespmem:s9], [sflag:$0x1] =	stream.indirect.gather [hbm4b:s3+s7], $0x10, s7, s7, $0xb8;
	[tilespmem:$0x17020] =	vst v63  }
0x9c: {  	s15 =	rddreg [dreg:$0x9]  }
0x9d: {  	[tilespmem:s13], [sflag:$0x1] =	stream.indirect.gather [hbm4b:s3+s7], $0x10, s15, s7, $0xb8;
	[tilespmem:$0x17020] =	vst v63  }
0x9e: {  	_ =	swait.ge [sflag:s8], $0x3E80  }
0x9f: {  	[sflag:s8] =	ssyncset.done $0x0  }
0xa0: {  	s14 =	rddreg [dreg:$0xa];
	[sflag:s8] =	ssyncadd.s32 $0xFFFFC180  }
0xa1: {  	[tilespmem:s12], [sflag:$0x1] =	stream.indirect.gather [hbm4b:s3+s7], $0x10, s14, s7, $0xb8;
	[tilespmem:$0x17020] =	vst v63  }
0xa2: {  	_ = 	snop  }
0xa3: {  	[spmem:s2] =	stream.indirect.scatter.add.f32 [tilespmem:s10], [sflag:$0x2], $0x10, s26, s7, $0xb8;
	[tilespmem:$0x17020] =	vst v63  }
0xa4: {  	_ =	swait.ge [sflag:s8], $0x3E80  }
0xa5: {  	[sflag:s8] =	ssyncset.done $0x0  }
0xa6: {  	[sflag:s8] =	ssyncadd.s32 $0xFFFFC180  }
0xa7: {  	_ =	swait.ge [sflag:s6], $0x3E80  }
0xa8: {  	[sflag:s6] =	ssyncset.done $0x0  }
0xa9: {  	s15 =	rddreg [dreg:$0xb];
	[sflag:s6] =	ssyncadd.s32 $0xFFFFC180  }
0xaa: {  	[tilespmem:s10], [sflag:$0x1] =	stream.indirect.gather [hbm4b:s3+s7], $0x10, s15, s7, $0xb8;
	[tilespmem:$0x17020] =	vst v63  }
0xab: {  	_ = 	snop  }
0xac: {  	[spmem:s2] =	stream.indirect.scatter.add.f32 [tilespmem:s9], [sflag:$0x2], $0x10, s18, s7, $0xb8;
	[tilespmem:$0x17020] =	vst v63  }
0xad: {  	_ =	swait.ge [sflag:s8], $0x3E80  }
0xae: {  	[sflag:s8] =	ssyncset.done $0x0  }
0xaf: {  	[sflag:s8] =	ssyncadd.s32 $0xFFFFC180  }
0xb0: {  	_ =	swait.ge [sflag:s6], $0x3E80  }
0xb1: {  	[sflag:s6] =	ssyncset.done $0x0  }
0xb2: {  	[sflag:s6] =	ssyncadd.s32 $0xFFFFC180  }
0xb3: {  	[tilespmem:s9], [sflag:$0x1] =	stream.indirect.gather [hbm4b:s3+s7], $0x10, s29, s7, $0xb8;
	[tilespmem:$0x17020] =	vst v63  }
0xb4: {  	_ = 	snop  }
0xb5: {  	[spmem:s2] =	stream.indirect.scatter.add.f32 [tilespmem:s13], [sflag:$0x2], $0x10, s30, s7, $0xb8;
	[tilespmem:$0x17020] =	vst v63  }
0xb6: {  	_ =	swait.ge [sflag:s8], $0x3E80  }
0xb7: {  	[sflag:s8] =	ssyncset.done $0x0  }
0xb8: {  	[sflag:s8] =	ssyncadd.s32 $0xFFFFC180  }
0xb9: {  	_ =	swait.ge [sflag:s6], $0x3E80  }
0xba: {  	[sflag:s6] =	ssyncset.done $0x0  }
0xbb: {  	[sflag:s6] =	ssyncadd.s32 $0xFFFFC180  }
0xbc: {  	[tilespmem:s13], [sflag:$0x1] =	stream.indirect.gather [hbm4b:s3+s7], $0x10, s25, s7, $0xb8;
	[tilespmem:$0x17020] =	vst v63  }
0xbd: {  	_ = 	snop  }
0xbe: {  	[spmem:s2] =	stream.indirect.scatter.add.f32 [tilespmem:s12], [sflag:$0x2], $0x10, s28, s7, $0xb8;
	[tilespmem:$0x17020] =	vst v63  }
0xbf: {  	_ =	swait.ge [sflag:s8], $0x3E80  }
0xc0: {  	[sflag:s8] =	ssyncset.done $0x0  }
0xc1: {  	[sflag:s8] =	ssyncadd.s32 $0xFFFFC180  }
0xc2: {  	_ =	swait.ge [sflag:s6], $0x3E80  }
0xc3: {  	[sflag:s6] =	ssyncset.done $0x0  }
0xc4: {  	[sflag:s6] =	ssyncadd.s32 $0xFFFFC180  }
0xc5: {  	[tilespmem:s12], [sflag:$0x1] =	stream.indirect.gather [hbm4b:s3+s7], $0x10, s23, s7, $0xb8;
	[tilespmem:$0x17020] =	vst v63  }
0xc6: {  	_ = 	snop  }
0xc7: {  	[spmem:s2] =	stream.indirect.scatter.add.f32 [tilespmem:s10], [sflag:$0x2], $0x10, s24, s7, $0xb8;
	[tilespmem:$0x17020] =	vst v63  }
0xc8: {  	_ =	swait.ge [sflag:s8], $0x3E80  }
0xc9: {  	[sflag:s8] =	ssyncset.done $0x0  }
0xca: {  	[sflag:s8] =	ssyncadd.s32 $0xFFFFC180  }
0xcb: {  	_ =	swait.ge [sflag:s6], $0x3E80  }
0xcc: {  	[sflag:s6] =	ssyncset.done $0x0  }
0xcd: {  	[sflag:s6] =	ssyncadd.s32 $0xFFFFC180  }
0xce: {  	[tilespmem:s10], [sflag:$0x1] =	stream.indirect.gather [hbm4b:s3+s7], $0x10, s21, s7, $0xb8;
	[tilespmem:$0x17020] =	vst v63  }
0xcf: {  	_ = 	snop  }
0xd0: {  	[spmem:s2] =	stream.indirect.scatter.add.f32 [tilespmem:s9], [sflag:$0x2], $0x10, s22, s7, $0xb8;
	[tilespmem:$0x17020] =	vst v63  }
0xd1: {  	_ =	swait.ge [sflag:s8], $0x3E80  }
0xd2: {  	[sflag:s8] =	ssyncset.done $0x0  }
0xd3: {  	[sflag:s8] =	ssyncadd.s32 $0xFFFFC180  }
0xd4: {  	_ =	swait.ge [sflag:s6], $0x3E80  }
0xd5: {  	[sflag:s6] =	ssyncset.done $0x0  }
0xd6: {  	s14 =	simm.s32 $0x2328;
	[sflag:s6] =	ssyncadd.s32 $0xFFFFC180  }
0xd7: {  	[tilespmem:s9], [sflag:$0x1] =	stream.indirect.gather [hbm4b:s3+s7], $0x10, s14, s7, $0xb8;
	[tilespmem:$0x17020] =	vst v63  }
0xd8: {  	_ = 	snop  }
0xd9: {  	[spmem:s2] =	stream.indirect.scatter.add.f32 [tilespmem:s13], [sflag:$0x2], $0x10, s20, s7, $0xb8;
	[tilespmem:$0x17020] =	vst v63  }
0xda: {  	_ =	swait.ge [sflag:s8], $0x3E80  }
0xdb: {  	[sflag:s8] =	ssyncset.done $0x0  }
0xdc: {  	[sflag:s8] =	ssyncadd.s32 $0xFFFFC180  }
0xdd: {  	_ =	swait.ge [sflag:s6], $0x3E80  }
0xde: {  	[sflag:s6] =	ssyncset.done $0x0  }
0xdf: {  	[sflag:s6] =	ssyncadd.s32 $0xFFFFC180  }
0xe0: {  	[spmem:s2] =	stream.indirect.scatter.add.f32 [tilespmem:s12], [sflag:$0x2], $0x10, s17, s7, $0xb8;
	[tilespmem:$0x17020] =	vst v63  }
0xe1: {  	_ =	swait.ge [sflag:s8], $0x3E80  }
0xe2: {  	[sflag:s8] =	ssyncset.done $0x0  }
0xe3: {  	[sflag:s8] =	ssyncadd.s32 $0xFFFFC180  }
0xe4: {  	_ =	swait.ge [sflag:s6], $0x3E80  }
0xe5: {  	[sflag:s6] =	ssyncset.done $0x0  }
0xe6: {  	[sflag:s6] =	ssyncadd.s32 $0xFFFFC180  }
0xe7: {  	[spmem:s2] =	stream.indirect.scatter.add.f32 [tilespmem:s10], [sflag:$0x2], $0x10, s16, s7, $0xb8;
	[tilespmem:$0x17020] =	vst v63  }
0xe8: {  	_ =	swait.ge [sflag:s8], $0x3E80  }
0xe9: {  	[sflag:s8] =	ssyncset.done $0x0  }
0xea: {  	[sflag:s8] =	ssyncadd.s32 $0xFFFFC180  }
0xeb: {  	_ =	swait.ge [sflag:s6], $0x3E80  }
0xec: {  	[sflag:s6] =	ssyncset.done $0x0  }
0xed: {  	s4 =	simm.s32 $0x4A38;
	[sflag:s6] =	ssyncadd.s32 $0xFFFFC180  }
0xee: {  	[spmem:s2] =	stream.indirect.scatter.add.f32 [tilespmem:s9], [sflag:$0x2], $0x10, s4, s7, $0xb8;
	[tilespmem:$0x17020] =	vst v63  }
0xef: {  	_ =	swait.ge [sflag:s6], $0x3E80  }
0xf0: {  	[sflag:s6] =	ssyncset.done $0x0  }
0xf1: {  	p1 =	sne.s32 s0, $0x1;
	[sflag:s6] =	ssyncadd.s32 $0xFFFFC180  }
.Ltmp2:
0xf2: {  	[bflag:$0x0] =	sbarrier.arrive $0xFFFF;
	(pc) =	sbr.rel @p1 .LBB2_4-.Ltmp2, $4  }
0xf3: {  	s15 =	rddreg [dreg:$0x8]  }
0xf4: {  	[hbm:s15], [sflag:s31] =	dma.local [spmem:s5], $0x500  }
0xf5: {  	_ =	swait.ge [sflag:s11], $0x500  }
0xf6: {  	s0 =	sadd.s32 $0xFFFFFFFF, s0;
	s1 =	rddreg [dreg:$0x7];
	[sflag:s11] =	ssyncset.done $0x0  }
0xf7: {  	s16 =	simm.s32 $0x2AF8;
	s30 =	simm.s32 $0x2EE0;
	s29 =	simm.s32 $0x1388  }
0xf8: {  	s28 =	simm.s32 $0x32C8;
	s25 =	simm.s32 $0x1770;
	s24 =	simm.s32 $0x36B0  }
0xf9: {  	s23 =	simm.s32 $0x1B58;
	s22 =	simm.s32 $0x3A98;
	s21 =	simm.s32 $0x1F40  }
0xfa: {  	s20 =	simm.s32 $0x3E80;
	s18 =	simm.s32 $0x2328;
	s14 =	rddreg [dreg:$0x3]  }
0xfb: {  	s17 =	simm.s32 $0x4268;
	s15 =	stileid.u32;
	s31 =	rddreg [dreg:$0xc]  }
.LBB2_6:
0xfc: {  	s0 =	rddreg [dreg:$0x4]  }
0xfd: {  	[sflag:s11] =	ssyncadd.s32 @p0 $0xFFFFFB00;
	s4 =	rddreg [dreg:$0x6]  }
0xfe: {  	[tilespmem:s19], [sflag:$0x1] =	stream.linear.gather [hbm4b:s0+s19], $0x2710, $0x38;
	[tilespmem:$0x17020] =	vst v63  }
0xff: {  	s0 =	rddreg [dreg:$0x5]  }
0x100: {  	[tilespmem:s26], [sflag:$0x1] =	stream.linear.gather [hbm4b:s0+s19], $0x2710, $0x38;
	[tilespmem:$0x17020] =	vst v63  }
0x101: {  	[spmem:s5], [sflag:s1] =	dma.local [hbm:s4], $0x500  }
0x102: {  	_ =	swait.ge [sflag:s8], $0x2710  }
0x103: {  	[sflag:s8] =	ssyncset.done $0x0  }
0x104: {  	[sflag:s8] =	ssyncadd.s32 $0xFFFFD8F0  }
0x105: {  	_ =	swait.ge [sflag:s8], $0x2710  }
0x106: {  	[sflag:s8] =	ssyncset.done $0x0  }
0x107: {  	[sflag:s8] =	ssyncadd.s32 $0xFFFFD8F0  }
0x108: {  	_ =	swait.ge [sflag:s6], $0x500  }
0x109: {  	[sflag:s6] =	ssyncset.done $0x0  }
0x10a: {  	[sflag:s6] =	ssyncadd.s32 $0xFFFFFB00  }
0x10b: {  	[bflag:$0x0] =	sbarrier.arrive $0xFFFF  }
0x10c: {  	[tilespmem:s10], [sflag:$0x1] =	stream.indirect.gather [hbm4b:s3+s7], $0x10, s19, s7, $0xb8;
	[tilespmem:$0x17020] =	vst v63  }
0x10d: {  	_ = 	snop  }
0x10e: {  	[tilespmem:s9], [sflag:$0x1] =	stream.indirect.gather [hbm4b:s3+s7], $0x10, s7, s7, $0xb8;
	[tilespmem:$0x17020] =	vst v63  }
0x10f: {  	s4 =	rddreg [dreg:$0x9]  }
0x110: {  	[tilespmem:s13], [sflag:$0x1] =	stream.indirect.gather [hbm4b:s3+s7], $0x10, s4, s7, $0xb8;
	[tilespmem:$0x17020] =	vst v63  }
0x111: {  	_ =	swait.ge [sflag:s8], $0x3E80  }
0x112: {  	[sflag:s8] =	ssyncset.done $0x0  }
0x113: {  	s19 =	rddreg [dreg:$0xa];
	[sflag:s8] =	ssyncadd.s32 $0xFFFFC180  }
0x114: {  	[tilespmem:s12], [sflag:$0x1] =	stream.indirect.gather [hbm4b:s3+s7], $0x10, s19, s7, $0xb8;
	[tilespmem:$0x17020] =	vst v63  }
0x115: {  	_ = 	snop  }
0x116: {  	[spmem:s2] =	stream.indirect.scatter.add.f32 [tilespmem:s10], [sflag:$0x2], $0x10, s26, s7, $0xb8;
	[tilespmem:$0x17020] =	vst v63  }
0x117: {  	_ =	swait.ge [sflag:s8], $0x3E80  }
0x118: {  	[sflag:s8] =	ssyncset.done $0x0  }
0x119: {  	[sflag:s8] =	ssyncadd.s32 $0xFFFFC180  }
0x11a: {  	_ =	swait.ge [sflag:s6], $0x3E80  }
0x11b: {  	[sflag:s6] =	ssyncset.done $0x0  }
0x11c: {  	s26 =	rddreg [dreg:$0xb];
	[sflag:s6] =	ssyncadd.s32 $0xFFFFC180  }
0x11d: {  	[tilespmem:s10], [sflag:$0x1] =	stream.indirect.gather [hbm4b:s3+s7], $0x10, s26, s7, $0xb8;
	[tilespmem:$0x17020] =	vst v63  }
0x11e: {  	_ = 	snop  }
0x11f: {  	[spmem:s2] =	stream.indirect.scatter.add.f32 [tilespmem:s9], [sflag:$0x2], $0x10, s16, s7, $0xb8;
	[tilespmem:$0x17020] =	vst v63  }
0x120: {  	_ =	swait.ge [sflag:s8], $0x3E80  }
0x121: {  	[sflag:s8] =	ssyncset.done $0x0  }
0x122: {  	[sflag:s8] =	ssyncadd.s32 $0xFFFFC180  }
0x123: {  	_ =	swait.ge [sflag:s6], $0x3E80  }
0x124: {  	[sflag:s6] =	ssyncset.done $0x0  }
0x125: {  	[sflag:s6] =	ssyncadd.s32 $0xFFFFC180  }
0x126: {  	[tilespmem:s9], [sflag:$0x1] =	stream.indirect.gather [hbm4b:s3+s7], $0x10, s29, s7, $0xb8;
	[tilespmem:$0x17020] =	vst v63  }
0x127: {  	_ = 	snop  }
0x128: {  	[spmem:s2] =	stream.indirect.scatter.add.f32 [tilespmem:s13], [sflag:$0x2], $0x10, s30, s7, $0xb8;
	[tilespmem:$0x17020] =	vst v63  }
0x129: {  	_ =	swait.ge [sflag:s8], $0x3E80  }
0x12a: {  	[sflag:s8] =	ssyncset.done $0x0  }
0x12b: {  	[sflag:s8] =	ssyncadd.s32 $0xFFFFC180  }
0x12c: {  	_ =	swait.ge [sflag:s6], $0x3E80  }
0x12d: {  	[sflag:s6] =	ssyncset.done $0x0  }
0x12e: {  	[sflag:s6] =	ssyncadd.s32 $0xFFFFC180  }
0x12f: {  	[tilespmem:s13], [sflag:$0x1] =	stream.indirect.gather [hbm4b:s3+s7], $0x10, s25, s7, $0xb8;
	[tilespmem:$0x17020] =	vst v63  }
0x130: {  	_ = 	snop  }
0x131: {  	[spmem:s2] =	stream.indirect.scatter.add.f32 [tilespmem:s12], [sflag:$0x2], $0x10, s28, s7, $0xb8;
	[tilespmem:$0x17020] =	vst v63  }
0x132: {  	_ =	swait.ge [sflag:s8], $0x3E80  }
0x133: {  	[sflag:s8] =	ssyncset.done $0x0  }
0x134: {  	[sflag:s8] =	ssyncadd.s32 $0xFFFFC180  }
0x135: {  	_ =	swait.ge [sflag:s6], $0x3E80  }
0x136: {  	[sflag:s6] =	ssyncset.done $0x0  }
0x137: {  	[sflag:s6] =	ssyncadd.s32 $0xFFFFC180  }
0x138: {  	[tilespmem:s12], [sflag:$0x1] =	stream.indirect.gather [hbm4b:s3+s7], $0x10, s23, s7, $0xb8;
	[tilespmem:$0x17020] =	vst v63  }
0x139: {  	_ = 	snop  }
0x13a: {  	[spmem:s2] =	stream.indirect.scatter.add.f32 [tilespmem:s10], [sflag:$0x2], $0x10, s24, s7, $0xb8;
	[tilespmem:$0x17020] =	vst v63  }
0x13b: {  	_ =	swait.ge [sflag:s8], $0x3E80  }
0x13c: {  	[sflag:s8] =	ssyncset.done $0x0  }
0x13d: {  	[sflag:s8] =	ssyncadd.s32 $0xFFFFC180  }
0x13e: {  	_ =	swait.ge [sflag:s6], $0x3E80  }
0x13f: {  	[sflag:s6] =	ssyncset.done $0x0  }
0x140: {  	[sflag:s6] =	ssyncadd.s32 $0xFFFFC180  }
0x141: {  	[tilespmem:s10], [sflag:$0x1] =	stream.indirect.gather [hbm4b:s3+s7], $0x10, s21, s7, $0xb8;
	[tilespmem:$0x17020] =	vst v63  }
0x142: {  	_ = 	snop  }
0x143: {  	[spmem:s2] =	stream.indirect.scatter.add.f32 [tilespmem:s9], [sflag:$0x2], $0x10, s22, s7, $0xb8;
	[tilespmem:$0x17020] =	vst v63  }
0x144: {  	_ =	swait.ge [sflag:s8], $0x3E80  }
0x145: {  	[sflag:s8] =	ssyncset.done $0x0  }
0x146: {  	[sflag:s8] =	ssyncadd.s32 $0xFFFFC180  }
0x147: {  	_ =	swait.ge [sflag:s6], $0x3E80  }
0x148: {  	[sflag:s6] =	ssyncset.done $0x0  }
0x149: {  	[sflag:s6] =	ssyncadd.s32 $0xFFFFC180  }
0x14a: {  	[tilespmem:s9], [sflag:$0x1] =	stream.indirect.gather [hbm4b:s3+s7], $0x10, s18, s7, $0xb8;
	[tilespmem:$0x17020] =	vst v63  }
0x14b: {  	_ = 	snop  }
0x14c: {  	[spmem:s2] =	stream.indirect.scatter.add.f32 [tilespmem:s13], [sflag:$0x2], $0x10, s20, s7, $0xb8;
	[tilespmem:$0x17020] =	vst v63  }
0x14d: {  	_ =	swait.ge [sflag:s8], $0x3E80  }
0x14e: {  	[sflag:s8] =	ssyncset.done $0x0  }
0x14f: {  	[sflag:s8] =	ssyncadd.s32 $0xFFFFC180  }
0x150: {  	_ =	swait.ge [sflag:s6], $0x3E80  }
0x151: {  	[sflag:s6] =	ssyncset.done $0x0  }
0x152: {  	[sflag:s6] =	ssyncadd.s32 $0xFFFFC180  }
0x153: {  	[spmem:s2] =	stream.indirect.scatter.add.f32 [tilespmem:s12], [sflag:$0x2], $0x10, s17, s7, $0xb8;
	[tilespmem:$0x17020] =	vst v63  }
0x154: {  	_ =	swait.ge [sflag:s8], $0x3E80  }
0x155: {  	[sflag:s8] =	ssyncset.done $0x0  }
0x156: {  	[sflag:s8] =	ssyncadd.s32 $0xFFFFC180  }
0x157: {  	_ =	swait.ge [sflag:s6], $0x3E80  }
0x158: {  	[sflag:s6] =	ssyncset.done $0x0  }
0x159: {  	s28 =	simm.s32 $0x4650;
	[sflag:s6] =	ssyncadd.s32 $0xFFFFC180  }
0x15a: {  	[spmem:s2] =	stream.indirect.scatter.add.f32 [tilespmem:s10], [sflag:$0x2], $0x10, s28, s7, $0xb8;
	[tilespmem:$0x17020] =	vst v63  }
0x15b: {  	_ =	swait.ge [sflag:s8], $0x3E80  }
0x15c: {  	[sflag:s8] =	ssyncset.done $0x0  }
0x15d: {  	[sflag:s8] =	ssyncadd.s32 $0xFFFFC180  }
0x15e: {  	_ =	swait.ge [sflag:s6], $0x3E80  }
0x15f: {  	[sflag:s6] =	ssyncset.done $0x0  }
0x160: {  	s29 =	simm.s32 $0x4A38;
	[sflag:s6] =	ssyncadd.s32 $0xFFFFC180  }
0x161: {  	[spmem:s2] =	stream.indirect.scatter.add.f32 [tilespmem:s9], [sflag:$0x2], $0x10, s29, s7, $0xb8;
	[tilespmem:$0x17020] =	vst v63  }
0x162: {  	_ =	swait.ge [sflag:s6], $0x3E80  }
0x163: {  	[sflag:s6] =	ssyncset.done $0x0  }
0x164: {  	[sflag:s6] =	ssyncadd.s32 $0xFFFFC180  }
0x165: {  	[bflag:$0x0] =	sbarrier.arrive $0xFFFF  }
0x166: {  	s31 =	sor.u32 $0x1C03, s31;
	s30 =	rddreg [dreg:$0x8]  }
0x167: {  	[hbm:s30], [sflag:s31] =	dma.local [spmem:s5], $0x500  }
0x168: {  	_ =	swait.ge [sflag:s11], $0x500  }
0x169: {  	[sflag:s11] =	ssyncset.done $0x0  }
0x16a: {  	[sflag:s11] =	ssyncadd.s32 $0xFFFFFB00  }
0x16b: {  	_ =	sfence.sel $0x180000  }
0x16c: {  	[bflag:$0x0] =	sbarrier.arrive $0xFFFF  }
0x16d: {  	p0 =	sne.s32 s15, $0x0;
	_ =	strace $0x9000004A  }
0x16e: {  	s0 =	sadd.s32 @!p0 $0x100000, s14;
	[bflag:$0x2] =	sbarrier.arrive $0xFFFF  }
0x16f: {  	[sflag:s0] =	ssyncadd.tile.s32 @!p0 $0x1;
	_ =	shalt  }
.LBB2_1:
.Ltmp3:
0x170: {  	(pc) =	sbr.rel .LBB2_6-.Ltmp3, $4  }
0x171: {  	s16 =	simm.s32 $0x2AF8;
	s30 =	simm.s32 $0x2EE0;
	s29 =	simm.s32 $0x1388  }
0x172: {  	s28 =	simm.s32 $0x32C8;
	s25 =	simm.s32 $0x1770;
	s24 =	simm.s32 $0x36B0  }
0x173: {  	s23 =	simm.s32 $0x1B58;
	s22 =	simm.s32 $0x3A98;
	s21 =	simm.s32 $0x1F40  }
0x174: {  	s20 =	simm.s32 $0x3E80;
	s18 =	simm.s32 $0x2328;
	s17 =	simm.s32 $0x4268  }
.LBB2_3:
0x175: {  	s16 =	simm.s32 $0x2AF8  }
.Ltmp4:
0x176: {  	s30 =	simm.s32 $0x2EE0;
	s29 =	simm.s32 $0x1388;
	(pc) =	sbr.rel .LBB2_6-.Ltmp4, $4  }
0x177: {  	s28 =	simm.s32 $0x32C8;
	s25 =	simm.s32 $0x1770;
	s24 =	simm.s32 $0x36B0  }
0x178: {  	s23 =	simm.s32 $0x1B58;
	s22 =	simm.s32 $0x3A98;
	s21 =	simm.s32 $0x1F40  }
0x179: {  	s20 =	simm.s32 $0x3E80;
	s18 =	simm.s32 $0x2328;
	s14 =	rddreg [dreg:$0x3]  }
0x17a: {  	s17 =	simm.s32 $0x4268;
	s15 =	stileid.u32;
	s31 =	rddreg [dreg:$0xc]  }
.Lfunc_end2:
_tile_overlayer_lowered:
.L_overlay_start_2:
0x17b: {  	(tag) =	ssettag $0x2  }
0x17c: {  	s0 =	rddreg [dreg:$0x0];
	s2 =	stileid.u32  }
0x17d: {  	s1 =	rddreg [dreg:$0x1];
	p0 =	sne.s32 s2, $0x0  }
0x17e: {  	s3 =	rddreg [dreg:$0x2];
	[bflag:$0x3] =	sbarrier.arrive $0xFFFF;
	s2 =	simm.s32 @!p0 $0x1C03  }
0x17f: {  	[timem:s3], [sflag:s2] =	dma.local @!p0 [hbm:s0], s1  }
0x180: {  	s0 =	simm.s32 @!p0 $0x3  }
0x181: {  	_ =	swait.ge @!p0 [sflag:s0], s1  }
0x182: {  	s1 =	ssub.s32 @!p0 $0x0, s1;
	[sflag:s0] =	ssyncset.done @!p0 $0x0  }
0x183: {  	[sflag:s0] =	ssyncadd.s32 @!p0 s1  }
0x184: {  	[bflag:$0x3] =	sbarrier.arrive $0xFFFF  }
0x185: {  	_ =	shalt  }

// kernel: kernel.13.cloned.1.call-start
scs
__scs_entry_jumppad:
0x0: {  	(pc) =	sbr.rel $0x88, $3  }
0x1: {  	(tag) =	ssettag $0x0;
	lr =	simm.s32 $0x1  }
0x2: {  	[smem:$0x3F9B] =	sst lr;
	_ =	strace $0xD0000000  }
0x3: {  	_ = 	snop  }
0x4: {  	_ = 	snop  }
0x5: {  	_ = 	snop  }
0x6: {  	_ = 	snop  }
0x7: {  	_ = 	snop  }
__scs_overlays_trampoline_lowered:
0x8: {  	[smem:$0x3FAA] =	sst s0  }
0x9: {  	[smem:$0x3FAB] =	sst s1  }
0xa: {  	[smem:$0x3FAC] =	sst s2  }
0xb: {  	[smem:$0x3FAD] =	sst s3  }
0xc: {  	[smem:$0x3FAE] =	sst s4  }
0xd: {  	[smem:$0x3FAF] =	sst s5  }
0xe: {  	[smem:$0x3FB0] =	sst s6  }
0xf: {  	[smem:$0x3FB1] =	sst s7  }
0x10: {  	[smem:$0x3FB2] =	sst s8  }
0x11: {  	[smem:$0x3FB3] =	sst s9;
	s0 =	simm.s32 @!p0 $0x0  }
0x12: {  	s1 =	sld [smem:$0x3F99];
	s0 =	simm.s32 @p0 $0x1  }
0x13: {  	[smem:$0x3FB4] =	sst s0;
	s0 =	simm.s32 @!p1 $0x0  }
0x14: {  	s2 =	sld [smem:$0x3F98];
	s0 =	simm.s32 @p1 $0x1  }
0x15: {  	[smem:$0x3FB5] =	sst s0;
	s0 =	simm.s32 @!p2 $0x0  }
0x16: {  	s3 =	sld [smem:$0x3FDB];
	s0 =	simm.s32 @p2 $0x1  }
0x17: {  	s4 =	simm.s32 $0x1BF5;
	[smem:$0x3FB7] =	sst s0  }
0x18: {  	s0 =	sld [smem:$0x3F9A];
	_ =	swait.ge [sflag:s4], $0x0  }
0x19: {  	s7 =	sld [smem:$0x3F9B]  }
0x1a: {  	s8 =	sadd.s32 $0xFFFFE003, lr  }
0x1b: {  	s9 =	sadd.s32 $0xFFFFFEF7, lr;
	s5 =	simm.s32 $0xFFFFFFFF;
	p2 =	slt.u32 s8, $0xFFFFF086  }
0x1c: {  	p1 =	slt.u32 s9, $0xF7A;
	s5 =	simm.s32 @!p2 $0x0  }
0x1d: {  	s5 =	simm.s32 @p1 $0x1;
	p0 =	seq.s32 s7, s2  }
0x1e: {  	s7 =	smul.u32 @!p0 $0xF7A, s2;
	p2 =	seq.s32 @!p0 s5, $0x0  }
0x1f: {  	s9 =	smul.u32 $0xF7A, s1;
	s8 =	simm.s32 @!p0 $0x1BF5;
	p2 =	por !p2, p0  }
0x20: {  	[sflag:s8] =	ssyncset.s32 @!p0 $0xFFFFF086;
	s6 =	sadd.s32 @!p0 s3, s7;
	s7 =	simm.s32 @!p0 $0x108  }
0x21: {  	s3 =	sadd.s32 s3, s9;
	s6 =	sadd.s32 @!p0 $0x88, s6;
	s7 =	simm.s32 @p2 $0x1082  }
0x22: {  	[simem:s7], [sflag:s8] =	dma.local @!p0 [hbm:s6], $0xF7A  }
0x23: {  	s9 =	sor.u32 $0xD0000000, s2;
	s6 =	simm.s32 $0x108;
	_ =	swait.ge @!p0 [sflag:s8], $0x0  }
0x24: {  	s3 =	sadd.s32 $0x88, s3;
	s6 =	simm.s32 @!p1 $0x1082;
	[sflag:s4] =	ssyncset.s32 $0xFFFFF086  }
0x25: {  	[simem:s6], [sflag:s4] =	dma.local [hbm:s3], $0xF7A  }
0x26: {  	[smem:$0x3F9B] =	sst s1;
	(tag) =	ssettag s2;
	_ =	strace s9  }
0x27: {  	s1 =	sld [smem:$0x3FAB]  }
0x28: {  	s2 =	sld [smem:$0x3FAC]  }
0x29: {  	s4 =	sld [smem:$0x3FAE]  }
0x2a: {  	p0 =	seq.s32 s5, $0x0;
	s5 =	sld [smem:$0x3FAF]  }
0x2b: {  	s6 =	sld [smem:$0x3FB0]  }
0x2c: {  	s7 =	sld [smem:$0x3FB1]  }
0x2d: {  	s3 =	simm.s32 $0x108;
	s8 =	sld [smem:$0x3FB2]  }
0x2e: {  	s3 =	simm.s32 @!p0 $0x1082;
	s9 =	sld [smem:$0x3FB3]  }
0x2f: {  	lr =	sadd.s32 s0, s3;
	s0 =	sld [smem:$0x3FAA]  }
0x30: {  	s3 =	sld [smem:$0x3FAD]  }
0x31: {  	[smem:$0x3FB6] =	sst s10  }
0x32: {  	s10 =	sld [smem:$0x3FB4];
	_ =	sdelay $0x3  }
0x33: {  	p0 =	seq.s32 s10, $0x1;
	s10 =	sld [smem:$0x3FB6];
	_ =	sdelay $0x3  }
0x34: {  	[smem:$0x3FB6] =	sst s10  }
0x35: {  	s10 =	sld [smem:$0x3FB5];
	_ =	sdelay $0x3  }
0x36: {  	p1 =	seq.s32 s10, $0x1;
	s10 =	sld [smem:$0x3FB6];
	_ =	sdelay $0x3  }
0x37: {  	[smem:$0x3FB6] =	sst s10  }
0x38: {  	s10 =	sld [smem:$0x3FB7]  }
0x39: {  	_ = 	snop;
	(pc) =	sbr.ind lr, $3  }
0x3a: {  	_ = 	snop  }
0x3b: {  	_ = 	snop  }
0x3c: {  	p2 =	seq.s32 s10, $0x1;
	s10 =	sld [smem:$0x3FB6]  }
0x3d: {  	_ =	shalt  }
0x3e: {  	_ =	shalt  }
0x3f: {  	_ =	shalt  }
0x40: {  	_ =	shalt  }
0x41: {  	_ =	shalt  }
0x42: {  	_ =	shalt  }
0x43: {  	_ =	shalt  }
0x44: {  	_ =	shalt  }
0x45: {  	_ =	shalt  }
0x46: {  	_ =	shalt  }
0x47: {  	_ =	shalt  }
0x48: {  	_ =	shalt  }
0x49: {  	_ =	shalt  }
0x4a: {  	_ =	shalt  }
0x4b: {  	_ =	shalt  }
0x4c: {  	_ =	shalt  }
0x4d: {  	_ =	shalt  }
0x4e: {  	_ =	shalt  }
0x4f: {  	_ =	shalt  }
0x50: {  	_ =	shalt  }
0x51: {  	_ =	shalt  }
0x52: {  	_ =	shalt  }
0x53: {  	_ =	shalt  }
0x54: {  	_ =	shalt  }
0x55: {  	_ =	shalt  }
0x56: {  	_ =	shalt  }
0x57: {  	_ =	shalt  }
0x58: {  	_ =	shalt  }
0x59: {  	_ =	shalt  }
0x5a: {  	_ =	shalt  }
0x5b: {  	_ =	shalt  }
0x5c: {  	_ =	shalt  }
0x5d: {  	_ =	shalt  }
0x5e: {  	_ =	shalt  }
0x5f: {  	_ =	shalt  }
0x60: {  	_ =	shalt  }
0x61: {  	_ =	shalt  }
0x62: {  	_ =	shalt  }
0x63: {  	_ =	shalt  }
0x64: {  	_ =	shalt  }
0x65: {  	_ =	shalt  }
0x66: {  	_ =	shalt  }
0x67: {  	_ =	shalt  }
0x68: {  	_ =	shalt  }
0x69: {  	_ =	shalt  }
0x6a: {  	_ =	shalt  }
0x6b: {  	_ =	shalt  }
0x6c: {  	_ =	shalt  }
0x6d: {  	_ =	shalt  }
0x6e: {  	_ =	shalt  }
0x6f: {  	_ =	shalt  }
0x70: {  	_ =	shalt  }
0x71: {  	_ =	shalt  }
0x72: {  	_ =	shalt  }
0x73: {  	_ =	shalt  }
0x74: {  	_ =	shalt  }
0x75: {  	_ =	shalt  }
0x76: {  	_ =	shalt  }
0x77: {  	_ =	shalt  }
0x78: {  	_ =	shalt  }
0x79: {  	_ =	shalt  }
0x7a: {  	_ =	shalt  }
0x7b: {  	_ =	shalt  }
0x7c: {  	_ =	shalt  }
0x7d: {  	_ =	shalt  }
0x7e: {  	_ =	shalt  }
0x7f: {  	_ =	shalt  }
0x80: {  	_ =	shalt  }
0x81: {  	_ =	shalt  }
0x82: {  	_ =	shalt  }
0x83: {  	_ =	shalt  }
0x84: {  	_ =	shalt  }
0x85: {  	_ =	shalt  }
0x86: {  	_ =	shalt  }
0x87: {  	_ =	shalt  }
.Lfunc_end0:
.L_simem_size_0:
called_computation.2_lowered:
.L_overlay_start_0:
0x88: {  	s2 =	sld [smem:$0x3FD9]  }
0x89: {  	s3 =	sld [smem:$0x3FFE];
	_ =	sdelay $0x1  }
0x8a: {  	s1 =	srdreg.scid  }
0x8b: {  	s0 =	sand.u32 $0x1, s1  }
0x8c: {  	s17 =	sshll.u32 s0, $0xA;
	s2 =	sadd.s32 s3, s2  }
0x8d: {  	s2 =	sadd.s32 s2, s17  }
0x8e: {  	[smem:$0x3FC2] =	sst s2  }
0x8f: {  	_ = 	snop  }
0x90: {  	s2 =	sld [smem:$0x3FC6]  }
0x91: {  	s18 =	sld [smem:$0x3FD0];
	(tm) =	ssettm $0x1  }
0x92: {  	s4 =	sld [smem:$0x3FFB];
	_ =	sdelay $0x3  }
0x93: {  	_ =	strace s4  }
0x94: {  	s4 =	sld [smem:$0x3FFC];
	_ =	sdelay $0x3  }
0x95: {  	_ =	strace s4  }
0x96: {  	s4 =	sld [smem:$0x3FFD];
	_ =	sdelay $0x3  }
0x97: {  	_ =	strace s4  }
0x98: {  	_ =	strace $0x8FFFFFFF  }
0x99: {  	s19 =	sld [smem:$0x3FDB];
	_ =	sdelay $0x1  }
0x9a: {  	s5 =	simm.s32 $_scs_section_size  }
0x9b: {  	s6 =	simm.s32 $_size__tile_overlayer_lowered;
	s7 =	simm.s32 $_tile_overlayer_lowered  }
0x9c: {  	s22 =	simm.s32 $0x1BFF;
	s21 =	sshll.u32 s7, $0x1;
	s4 =	sadd.s32 s5, s19  }
0x9d: {  	s8 =	simm.s32 $0x0;
	s20 =	sshll.u32 s6, $0x1;
	s6 =	sadd.s32 s21, s4  }
0x9e: {  	[timem:s8], [sflag:s22] =	dma.local [hbm:s6], s20  }
0x9f: {  	_ =	swait.ge [sflag:s22], s20  }
0xa0: {  	s5 =	ssub.s32 $0x0, s20;
	[sflag:s22] =	ssyncset.done $0x0  }
0xa1: {  	[sflag:s22] =	ssyncadd.s32 s5;
	_ =	sdelay $0x1  }
0xa2: {  	s23 =	simm.s32 $0x1B8B  }
0xa3: {  	_ =	swait.ge [sflag:s23], $0x1  }
0xa4: {  	[sflag:s23] =	ssyncset.done $0x0  }
0xa5: {  	s25 =	simm.s32 $0x1B8E;
	s24 =	sld [smem:$0x3FFE];
	[sflag:s23] =	ssyncadd.s32 $0xFFFFFFFF  }
0xa6: {  	s26 =	simm.s32 $execute0_lowered;
	[smem:$0x3FD2] =	sst s25  }
0xa7: {  	s6 =	sshll.u32 s26, $0x1;
	_ =	strace $0x8000004C;
	[dreg:$0x1] =	wrdreg $0xFFFFFFFF  }
0xa8: {  	s28 =	simm.s32 $_size_execute0_lowered;
	s4 =	sadd.s32 s4, s6;
	[dreg:$0x0] =	wrdreg $0x0  }
0xa9: {  	s6 =	sshll.u32 s28, $0x1;
	[dreg:$0x2] =	wrdreg s4  }
0xaa: {  	[dreg:$0x3] =	wrdreg s6  }
0xab: {  	[dreg:$0x4] =	wrdreg $0xC0  }
0xac: {  	_ =	task [dreg:s8], $0x5FFFF  }
0xad: {  	[dreg:$0x1] =	wrdreg $0xFFFFFFFF  }
0xae: {  	[dreg:$0x0] =	wrdreg $0x60  }
0xaf: {  	[dreg:$0x2] =	wrdreg s24  }
0xb0: {  	[dreg:$0x3] =	wrdreg s2  }
0xb1: {  	[dreg:$0x4] =	wrdreg s18  }
0xb2: {  	[dreg:$0x5] =	wrdreg $0x1A2300  }
0xb3: {  	[dreg:$0x6] =	wrdreg $0x9  }
0xb4: {  	_ =	task.clear_ibuf [dreg:s8], $0x7FFFF;
	_ =	strace $0x9000004C  }
0xb5: {  	s29 =	simm.s32 $0x9;
	_ =	strace $0x8000004E  }
0xb6: {  	_ =	swait.ge [sflag:s29], $0x1  }
0xb7: {  	[sflag:s29] =	ssyncadd.s32 $0xFFFFFFFF  }
0xb8: {  	_ =	strace $0x9000004E  }
0xb9: {  	_ =	sfence  }
0xba: {  	s30 =	sld [smem:$0x0];
	_ =	sdelay $0x2  }
0xbb: {  	s31 =	sshll.u32 s1, $0xD;
	s1 =	sshrl.u32 s1, $0x2  }
0xbc: {  	s3 =	sand.u32 $0x4000, s31;
	s1 =	sadd.s32 s1, s30  }
0xbd: {  	s0 =	sor.u32 s3, s0;
	s1 =	sshll.u32 s1, $0x11  }
0xbe: {  	s0 =	sor.u32 s1, s0  }
0xbf: {  	s0 =	sadd.s32 $0x8F2B, s0  }
0xc0: {  	[sflag:s0] =	ssyncadd.remote.s32 $0x1  }
0xc1: {  	_ =	sfence.sel $0xFFFF  }
0xc2: {  	[dreg:$0x0] =	wrdreg $0xFFFFFFFF;
	(pc) =	sbr.abs _section_cstart, $3  }
0xc3: {  	[dreg:$0x1] =	wrdreg $0xFFFFFFFF  }
0xc4: {  	_ =	task.clear_ibuf [dreg:s8], $0x2FFFF;
	_ =	strace $0x9FFFFFFF  }
0xc5: {  	(tm) =	ssettm $0x7FFFFFFF  }
tec
execute0_lowered:
.L_overlay_start_1:
0x0: {  	(tag) =	ssettag $0x1  }
0x1: {  	s0 =	srdreg.scid;
	s1 =	rddreg [dreg:$0x0]  }
0x2: {  	s15 =	stileid.u32;
	s5 =	rddreg [dreg:$0x2]  }
0x3: {  	s3 =	rddreg [dreg:$0x3];
	s4 =	simm.s32 $0x0;
	s21 =	simm.s32 $0x2710  }
0x4: {  	s30 =	simm.s32 $0x1;
	s31 =	simm.s32 $0x2;
	s28 =	simm.s32 $0x163B0  }
0x5: {  	s29 =	simm.s32 $0x0;
	s0 =	sand.u32 $0x1, s0;
	s6 =	smul.u32 $0x280, s15  }
0x6: {  	s7 =	smul.u32 $0x2800, s15;
	[smem:$0x7FF] =	sst s4;
	s2 =	sshll.u32 s0, $0x4  }
0x7: {  	s16 =	smul.u32 $0x28000, s0;
	_ =	strace $0x8000004D;
	s0 =	ssub.s32 $0x2, s0  }
0x8: {  	s2 =	sor.u32 s15, s2;
	s6 =	sshrl.u32 s6, $0x3;
	s9 =	sshrl.u32 s7, $0x3  }
0x9: {  	s22 =	sshrl.u32 s0, $0x1;
	s13 =	sadd.s32 s7, s3;
	s15 =	sshll.u32 s15, $0x6  }
0xa: {  	s2 =	smul.u32 $0x4E2, s2;
	s6 =	sadd.s32 s6, s1;
	s8 =	sadd.s32 s7, s16  }
0xb: {  	s14 =	sadd.s32 s9, s1;
	s0 =	ssub.s32 s0, s22;
	s26 =	sshrl.u32 s16, $0x3  }
0xc: {  	s16 =	sor.u32 $0x1C02, s15;
	s22 =	simm.s32 $0x4E20;
	s17 =	sshrl.u32 s8, $0x3  }
0xd: {  	s24 =	sadd.s32 $0x1B800, s14;
	s25 =	sadd.s32 $0x20800, s14;
	s9 =	sadd.s32 $0x15400, s6  }
0xe: {  	s10 =	sadd.s32 $0x15E00, s6;
	s11 =	sadd.s32 $0x15900, s6;
	s12 =	sadd.s32 $0x16300, s6  }
0xf: {  	s14 =	sadd.s32 $0x16800, s14;
	s18 =	sadd.s32 s5, s26;
	s20 =	smax.u32 s0, $0x1  }
0x10: {  	s0 =	simm.s32 $0x3E8;
	s2 =	sadd.s32 s2, s1;
	[dreg:$0x7] =	wrdreg s24  }
0x11: {  	s1 =	sadd.s32 s17, s1;
	[dreg:$0x8] =	wrdreg s25;
	s17 =	sadd.s32 s5, s17  }
0x12: {  	s25 =	simm.s32 $0x12530;
	s23 =	sadd.s32 $0xB400, s2;
	s2 =	sadd.s32 $0x1600, s2  }
0x13: {  	s19 =	sadd.s32 $0x25800, s1;
	s1 =	simm.s32 $0xA830;
	[dreg:$0x5] =	wrdreg s23  }
0x14: {  	[dreg:$0x6] =	wrdreg s2;
	s2 =	simm.s32 $0x3;
	s23 =	simm.s32 $0xE6B0  }
.LBB2_1:
0x15: {  	s5 =	rddreg [dreg:$0x5]  }
0x16: {  	[tilespmem:s4], [sflag:$0x1] =	stream.linear.gather [hbm4b:s5+s4], $0x2710, $0x38;
	[tilespmem:$0x1CA30] =	vst v63  }
0x17: {  	s6 =	rddreg [dreg:$0x6]  }
0x18: {  	[tilespmem:s21], [sflag:$0x1] =	stream.linear.gather [hbm4b:s6+s4], $0x2710, $0x38;
	[tilespmem:$0x1CA30] =	vst v63  }
0x19: {  	s7 =	rddreg [dreg:$0x7]  }
0x1a: {  	[tilespmem:s22], [sflag:$0x1] =	stream.linear.gather [hbm4b:s7+s4], $0x2800, $0x38;
	[tilespmem:$0x1CA30] =	vst v63  }
0x1b: {  	s8 =	rddreg [dreg:$0x8];
	s6 =	simm.s32 $0x7620  }
0x1c: {  	[tilespmem:s6], [sflag:$0x1] =	stream.linear.gather [hbm4b:s8+s4], $0x2800, $0x38;
	[tilespmem:$0x1CA30] =	vst v63  }
0x1d: {  	s24 =	simm.s32 $0x9E20  }
0x1e: {  	[tilespmem:s24], [sflag:$0x1] =	stream.linear.gather [hbm4b:s9+s4], $0x280, $0x38;
	[tilespmem:$0x1CA30] =	vst v63  }
0x1f: {  	s26 =	simm.s32 $0xA0A0  }
0x20: {  	[tilespmem:s26], [sflag:$0x1] =	stream.linear.gather [hbm4b:s10+s4], $0x280, $0x38;
	[tilespmem:$0x1CA30] =	vst v63  }
0x21: {  	s6 =	simm.s32 $0xA320  }
0x22: {  	[tilespmem:s6], [sflag:$0x1] =	stream.linear.gather [hbm4b:s11+s4], $0x280, $0x38;
	[tilespmem:$0x1CA30] =	vst v63  }
0x23: {  	s7 =	simm.s32 $0xA5A0  }
0x24: {  	[tilespmem:s7], [sflag:$0x1] =	stream.linear.gather [hbm4b:s12+s4], $0x280, $0x38;
	[tilespmem:$0x1CA30] =	vst v63  }
0x25: {  	s8 =	rddreg [dreg:$0x1];
	s24 =	simm.s32 $0xA820  }
0x26: {  	[tilespmem:s24], [sflag:$0x1] =	stream.linear.gather [hbm4b:s8+s4], $0x10, $0x38;
	[tilespmem:$0x1CA30] =	vst v63  }
0x27: {  	s24 =	sshrl.u32 s13, $0x3  }
0x28: {  	[spmem:s24], [sflag:s16] =	dma.local [hbm:s14], $0x500  }
0x29: {  	_ =	swait.ge [sflag:s30], $0x2710  }
0x2a: {  	[sflag:s30] =	ssyncset.done $0x0  }
0x2b: {  	[sflag:s30] =	ssyncadd.s32 $0xFFFFD8F0  }
0x2c: {  	_ =	swait.ge [sflag:s30], $0x2710  }
0x2d: {  	[sflag:s30] =	ssyncset.done $0x0  }
0x2e: {  	[sflag:s30] =	ssyncadd.s32 $0xFFFFD8F0  }
0x2f: {  	_ =	swait.ge [sflag:s30], $0x2800  }
0x30: {  	[sflag:s30] =	ssyncset.done $0x0  }
0x31: {  	[sflag:s30] =	ssyncadd.s32 $0xFFFFD800  }
0x32: {  	_ =	swait.ge [sflag:s30], $0x2800  }
0x33: {  	[sflag:s30] =	ssyncset.done $0x0  }
0x34: {  	[sflag:s30] =	ssyncadd.s32 $0xFFFFD800  }
0x35: {  	_ =	swait.ge [sflag:s30], $0x280  }
0x36: {  	[sflag:s30] =	ssyncset.done $0x0  }
0x37: {  	[sflag:s30] =	ssyncadd.s32 $0xFFFFFD80  }
0x38: {  	_ =	swait.ge [sflag:s30], $0x280  }
0x39: {  	[sflag:s30] =	ssyncset.done $0x0  }
0x3a: {  	[sflag:s30] =	ssyncadd.s32 $0xFFFFFD80  }
0x3b: {  	_ =	swait.ge [sflag:s30], $0x280  }
0x3c: {  	[sflag:s30] =	ssyncset.done $0x0  }
0x3d: {  	[sflag:s30] =	ssyncadd.s32 $0xFFFFFD80  }
0x3e: {  	_ =	swait.ge [sflag:s30], $0x280  }
0x3f: {  	[sflag:s30] =	ssyncset.done $0x0  }
0x40: {  	[sflag:s30] =	ssyncadd.s32 $0xFFFFFD80  }
0x41: {  	_ =	swait.ge [sflag:s30], $0x10  }
0x42: {  	[sflag:s30] =	ssyncset.done $0x0  }
0x43: {  	[sflag:s30] =	ssyncadd.s32 $0xFFFFFFF0  }
0x44: {  	_ =	swait.ge [sflag:s31], $0x500  }
0x45: {  	[sflag:s31] =	ssyncset.done $0x0  }
0x46: {  	s26 =	simm.s32 $0x0;
	[sflag:s31] =	ssyncadd.s32 $0xFFFFFB00  }
0x47: {  	v0 =	vld [tilespmem:s26+$0xA320]  }
0x48: {  	v1 =	vld [tilespmem:s26+$0xA5A0];
	_ =	sdelay $0x3  }
0x49: {  	v2 =	vld [tilespmem:s26+$0xA0A0]  }
0x4a: {  	v3 =	vld [tilespmem:s26+$0x9E20];
	v0 =	vadd.f32 v1, v0;
	_ =	sdelay $0x1  }
0x4b: {  	v0 =	vmax.f32 v0, $1.000000000e+00  }
0x4c: {  	v1 =	vshrl.u32 v0, $0x1;
	v0 =	vmul.f32 $5.000000000e-01, v0  }
0x4d: {  	v1 =	vsub.s32 $0x5F3759DF, v1  }
0x4e: {  	v2 =	vadd.f32 v2, v3;
	v3 =	vmul.f32 v1, v0;
	_ =	sdelay $0x1  }
0x4f: {  	v2 =	vmax.f32 v2, $1.000000000e+00;
	v3 =	vmul.f32 v1, v3  }
0x50: {  	v4 =	vshrl.u32 v2, $0x1;
	v2 =	vmul.f32 $5.000000000e-01, v2  }
0x51: {  	v4 =	vsub.s32 $0x5F3759DF, v4;
	v3 =	vsub.f32 $1.500000000e+00, v3  }
0x52: {  	v5 =	vmul.f32 v4, v2  }
0x53: {  	v1 =	vmul.f32 v1, v3  }
0x54: {  	v3 =	vmul.f32 v4, v5  }
0x55: {  	v13 =	vmul.f32 v1, v0  }
0x56: {  	v3 =	vsub.f32 $1.500000000e+00, v3  }
0x57: {  	v5 =	vmul.f32 v13, v1  }
0x58: {  	v3 =	vmul.f32 v4, v3  }
0x59: {  	v14 =	vsub.f32 $1.500000000e+00, v5  }
0x5a: {  	v15 =	vmul.f32 v3, v2  }
0x5b: {  	v1 =	vmul.f32 v14, v1  }
0x5c: {  	v16 =	vmul.f32 v15, v3  }
0x5d: {  	v0 =	vmul.f32 v1, v0  }
0x5e: {  	s5 =	simm.s32 $0x76A0;
	v4 =	vsub.f32 $1.500000000e+00, v16  }
0x5f: {  	s26 =	simm.s32 $0x4EA0;
	v18 =	vld [tilespmem:s5+$0xFFFFFF80];
	v0 =	vmul.f32 v0, v1  }
0x60: {  	v17 =	vld [tilespmem:s26+$0xFFFFFF80];
	v3 =	vmul.f32 v4, v3  }
0x61: {  	v0 =	vsub.f32 $1.500000000e+00, v0  }
0x62: {  	v2 =	vmul.f32 v3, v2  }
0x63: {  	v1 =	vmul.f32 v0, v1  }
0x64: {  	v0 =	vld [tilespmem:$0xA820];
	v2 =	vmul.f32 v2, v3  }
0x65: {  	v4 =	vadd.f32 v18, v17;
	v19 =	vbroadcast v1, $0x0  }
0x66: {  	v2 =	vsub.f32 $1.500000000e+00, v2  }
0x67: {  	v4 =	vmul.f32 v19, v4  }
0x68: {  	v2 =	vmul.f32 v2, v3  }
0x69: {  	v3 =	vadd.f32 v4, v0  }
0x6a: {  	v20 =	vbroadcast v2, $0x0  }
0x6b: {  	v3 =	vmax.f32 v3, $0.0e+00  }
0x6c: {  	v3 =	vmul.f32 v3, v20;
	_ =	sdelay $0x1  }
0x6d: {  	[tilespmem:s26+$0xFFFFFF80] =	vst v3;
	v3 =	vld [tilespmem:s26+$0xFFFFFF90]  }
0x6e: {  	v21 =	vld [tilespmem:s5+$0xFFFFFF90];
	_ =	sdelay $0x4  }
0x6f: {  	v22 =	vbroadcast v1, $0x1;
	v3 =	vadd.f32 v21, v3;
	_ =	sdelay $0x1  }
0x70: {  	v3 =	vmul.f32 v22, v3;
	_ =	sdelay $0x1  }
0x71: {  	v3 =	vadd.f32 v3, v0  }
0x72: {  	v23 =	vbroadcast v2, $0x1  }
0x73: {  	v3 =	vmax.f32 v3, $0.0e+00  }
0x74: {  	v3 =	vmul.f32 v3, v23;
	_ =	sdelay $0x1  }
0x75: {  	[tilespmem:s26+$0xFFFFFF90] =	vst v3;
	v3 =	vld [tilespmem:s26+$0xFFFFFFA0]  }
0x76: {  	v24 =	vld [tilespmem:s5+$0xFFFFFFA0];
	_ =	sdelay $0x4  }
0x77: {  	v25 =	vbroadcast v1, $0x2;
	v3 =	vadd.f32 v24, v3;
	_ =	sdelay $0x1  }
0x78: {  	v3 =	vmul.f32 v25, v3;
	_ =	sdelay $0x1  }
0x79: {  	v3 =	vadd.f32 v3, v0  }
0x7a: {  	v26 =	vbroadcast v2, $0x2  }
0x7b: {  	v3 =	vmax.f32 v3, $0.0e+00  }
0x7c: {  	v3 =	vmul.f32 v3, v26;
	_ =	sdelay $0x1  }
0x7d: {  	[tilespmem:s26+$0xFFFFFFA0] =	vst v3;
	v3 =	vld [tilespmem:s26+$0xFFFFFFB0]  }
0x7e: {  	v27 =	vld [tilespmem:s5+$0xFFFFFFB0];
	_ =	sdelay $0x4  }
0x7f: {  	v28 =	vbroadcast v1, $0x3;
	v3 =	vadd.f32 v27, v3;
	_ =	sdelay $0x1  }
0x80: {  	v3 =	vmul.f32 v28, v3;
	_ =	sdelay $0x1  }
0x81: {  	v3 =	vadd.f32 v3, v0  }
0x82: {  	v29 =	vbroadcast v2, $0x3  }
0x83: {  	v3 =	vmax.f32 v3, $0.0e+00  }
0x84: {  	v3 =	vmul.f32 v3, v29;
	_ =	sdelay $0x1  }
0x85: {  	[tilespmem:s26+$0xFFFFFFB0] =	vst v3;
	v3 =	vld [tilespmem:s26+$0xFFFFFFC0]  }
0x86: {  	v30 =	vld [tilespmem:s5+$0xFFFFFFC0];
	_ =	sdelay $0x4  }
0x87: {  	v31 =	vbroadcast v1, $0x4;
	v3 =	vadd.f32 v30, v3;
	_ =	sdelay $0x1  }
0x88: {  	v3 =	vmul.f32 v31, v3;
	_ =	sdelay $0x1  }
0x89: {  	v3 =	vadd.f32 v3, v0  }
0x8a: {  	v32 =	vbroadcast v2, $0x4  }
0x8b: {  	v3 =	vmax.f32 v3, $0.0e+00  }
0x8c: {  	v3 =	vmul.f32 v3, v32;
	_ =	sdelay $0x1  }
0x8d: {  	[tilespmem:s26+$0xFFFFFFC0] =	vst v3;
	v3 =	vld [tilespmem:s26+$0xFFFFFFD0]  }
0x8e: {  	v33 =	vld [tilespmem:s5+$0xFFFFFFD0];
	_ =	sdelay $0x4  }
0x8f: {  	v34 =	vbroadcast v1, $0x5;
	v3 =	vadd.f32 v33, v3;
	_ =	sdelay $0x1  }
0x90: {  	v3 =	vmul.f32 v3, v34;
	_ =	sdelay $0x1  }
0x91: {  	v3 =	vadd.f32 v3, v0  }
0x92: {  	v35 =	vbroadcast v2, $0x5  }
0x93: {  	v3 =	vmax.f32 v3, $0.0e+00  }
0x94: {  	v3 =	vmul.f32 v3, v35;
	_ =	sdelay $0x1  }
0x95: {  	[tilespmem:s26+$0xFFFFFFD0] =	vst v3;
	v3 =	vld [tilespmem:s26+$0xFFFFFFE0]  }
0x96: {  	v36 =	vld [tilespmem:s5+$0xFFFFFFE0];
	_ =	sdelay $0x4  }
0x97: {  	v37 =	vbroadcast v1, $0x6;
	v3 =	vadd.f32 v36, v3;
	_ =	sdelay $0x1  }
0x98: {  	v3 =	vmul.f32 v3, v37;
	_ =	sdelay $0x1  }
0x99: {  	v3 =	vadd.f32 v3, v0  }
0x9a: {  	v38 =	vbroadcast v2, $0x6  }
0x9b: {  	v3 =	vmax.f32 v3, $0.0e+00  }
0x9c: {  	v3 =	vmul.f32 v3, v38;
	_ =	sdelay $0x1  }
0x9d: {  	[tilespmem:s26+$0xFFFFFFE0] =	vst v3;
	v3 =	vld [tilespmem:s26+$0xFFFFFFF0]  }
0x9e: {  	v39 =	vld [tilespmem:s5+$0xFFFFFFF0];
	_ =	sdelay $0x4  }
0x9f: {  	v40 =	vbroadcast v1, $0x7;
	v3 =	vadd.f32 v39, v3;
	_ =	sdelay $0x1  }
0xa0: {  	v3 =	vmul.f32 v3, v40;
	_ =	sdelay $0x1  }
0xa1: {  	v3 =	vadd.f32 v3, v0  }
0xa2: {  	v41 =	vbroadcast v2, $0x7  }
0xa3: {  	v3 =	vmax.f32 v3, $0.0e+00  }
0xa4: {  	v3 =	vmul.f32 v3, v41;
	_ =	sdelay $0x1  }
0xa5: {  	[tilespmem:s26+$0xFFFFFFF0] =	vst v3;
	v3 =	vld [tilespmem:s26+$0x0]  }
0xa6: {  	v42 =	vld [tilespmem:s5+$0x0];
	_ =	sdelay $0x4  }
0xa7: {  	v43 =	vbroadcast v1, $0x8;
	v3 =	vadd.f32 v42, v3;
	_ =	sdelay $0x1  }
0xa8: {  	v3 =	vmul.f32 v3, v43;
	_ =	sdelay $0x1  }
0xa9: {  	v3 =	vadd.f32 v3, v0  }
0xaa: {  	v44 =	vbroadcast v2, $0x8  }
0xab: {  	v3 =	vmax.f32 v3, $0.0e+00  }
0xac: {  	v3 =	vmul.f32 v3, v44;
	_ =	sdelay $0x1  }
0xad: {  	[tilespmem:s26+$0x0] =	vst v3;
	v3 =	vld [tilespmem:s26+$0x10]  }
0xae: {  	v45 =	vld [tilespmem:s5+$0x10];
	_ =	sdelay $0x4  }
0xaf: {  	v46 =	vbroadcast v1, $0x9;
	v3 =	vadd.f32 v45, v3;
	_ =	sdelay $0x1  }
0xb0: {  	v3 =	vmul.f32 v3, v46;
	_ =	sdelay $0x1  }
0xb1: {  	v3 =	vadd.f32 v3, v0  }
0xb2: {  	v47 =	vbroadcast v2, $0x9  }
0xb3: {  	v3 =	vmax.f32 v3, $0.0e+00  }
0xb4: {  	v3 =	vmul.f32 v3, v47;
	_ =	sdelay $0x1  }
0xb5: {  	[tilespmem:s26+$0x10] =	vst v3;
	v3 =	vld [tilespmem:s26+$0x20]  }
0xb6: {  	v48 =	vld [tilespmem:s5+$0x20];
	_ =	sdelay $0x4  }
0xb7: {  	v49 =	vbroadcast v1, $0xA;
	v3 =	vadd.f32 v48, v3;
	_ =	sdelay $0x1  }
0xb8: {  	v3 =	vmul.f32 v3, v49;
	_ =	sdelay $0x1  }
0xb9: {  	v3 =	vadd.f32 v3, v0  }
0xba: {  	v50 =	vbroadcast v2, $0xA  }
0xbb: {  	v3 =	vmax.f32 v3, $0.0e+00  }
0xbc: {  	v3 =	vmul.f32 v3, v50;
	_ =	sdelay $0x1  }
0xbd: {  	[tilespmem:s26+$0x20] =	vst v3;
	v3 =	vld [tilespmem:s26+$0x30]  }
0xbe: {  	v51 =	vld [tilespmem:s5+$0x30];
	_ =	sdelay $0x4  }
0xbf: {  	v52 =	vbroadcast v1, $0xB;
	v3 =	vadd.f32 v51, v3;
	_ =	sdelay $0x1  }
0xc0: {  	v3 =	vmul.f32 v3, v52;
	_ =	sdelay $0x1  }
0xc1: {  	v3 =	vadd.f32 v3, v0  }
0xc2: {  	v53 =	vbroadcast v2, $0xB  }
0xc3: {  	v3 =	vmax.f32 v3, $0.0e+00  }
0xc4: {  	v3 =	vmul.f32 v3, v53;
	_ =	sdelay $0x1  }
0xc5: {  	[tilespmem:s26+$0x30] =	vst v3;
	v3 =	vld [tilespmem:s26+$0x40]  }
0xc6: {  	v54 =	vld [tilespmem:s5+$0x40];
	_ =	sdelay $0x4  }
0xc7: {  	v55 =	vbroadcast v1, $0xC;
	v3 =	vadd.f32 v54, v3;
	_ =	sdelay $0x1  }
0xc8: {  	v3 =	vmul.f32 v3, v55;
	_ =	sdelay $0x1  }
0xc9: {  	v3 =	vadd.f32 v3, v0  }
0xca: {  	v56 =	vbroadcast v2, $0xC  }
0xcb: {  	v3 =	vmax.f32 v3, $0.0e+00  }
0xcc: {  	v3 =	vmul.f32 v3, v56;
	_ =	sdelay $0x1  }
0xcd: {  	[tilespmem:s26+$0x40] =	vst v3;
	v3 =	vld [tilespmem:s26+$0x50]  }
0xce: {  	v57 =	vld [tilespmem:s5+$0x50];
	_ =	sdelay $0x4  }
0xcf: {  	v58 =	vbroadcast v1, $0xD;
	v3 =	vadd.f32 v57, v3;
	_ =	sdelay $0x1  }
0xd0: {  	v3 =	vmul.f32 v3, v58;
	_ =	sdelay $0x1  }
0xd1: {  	v3 =	vadd.f32 v3, v0  }
0xd2: {  	v59 =	vbroadcast v2, $0xD  }
0xd3: {  	v3 =	vmax.f32 v3, $0.0e+00  }
0xd4: {  	v3 =	vmul.f32 v3, v59;
	_ =	sdelay $0x1  }
0xd5: {  	[tilespmem:s26+$0x50] =	vst v3;
	v3 =	vld [tilespmem:s26+$0x60]  }
0xd6: {  	v60 =	vld [tilespmem:s5+$0x60];
	_ =	sdelay $0x4  }
0xd7: {  	v61 =	vbroadcast v1, $0xE;
	v3 =	vadd.f32 v60, v3;
	_ =	sdelay $0x1  }
0xd8: {  	v3 =	vmul.f32 v3, v61;
	_ =	sdelay $0x1  }
0xd9: {  	v3 =	vadd.f32 v3, v0  }
0xda: {  	v62 =	vbroadcast v2, $0xE  }
0xdb: {  	v3 =	vmax.f32 v3, $0.0e+00  }
0xdc: {  	v3 =	vmul.f32 v3, v62;
	_ =	sdelay $0x1  }
0xdd: {  	[tilespmem:s26+$0x60] =	vst v3;
	v3 =	vld [tilespmem:s26+$0x70]  }
0xde: {  	v63 =	vld [tilespmem:s5+$0x70];
	_ =	sdelay $0x4  }
0xdf: {  	v1 =	vbroadcast v1, $0xF;
	v3 =	vadd.f32 v63, v3;
	_ =	sdelay $0x1  }
0xe0: {  	v1 =	vmul.f32 v3, v1;
	_ =	sdelay $0x1  }
0xe1: {  	v1 =	vadd.f32 v1, v0  }
0xe2: {  	v2 =	vbroadcast v2, $0xF  }
0xe3: {  	v1 =	vmax.f32 v1, $0.0e+00  }
0xe4: {  	s6 =	simm.s32 $0x40;
	s7 =	simm.s32 $0x4EA0;
	v1 =	vmul.f32 v1, v2  }
.LBB2_2:
0xe5: {  	p0 =	sne.s32 s6, $0x9C0;
	s26 =	sadd.s32 $0x100, s26;
	s5 =	sadd.s32 $0x100, s5  }
0xe6: {  	s8 =	sshra.s32 s6, $0x2;
	s6 =	sadd.s32 $0x40, s6;
	[tilespmem:s7+$0x70] =	vst v1;
	s7 =	smov.u32 s26  }
0xe7: {  	v1 =	vld [tilespmem:s8+$0xA320]  }
0xe8: {  	v2 =	vld [tilespmem:s8+$0xA5A0];
	_ =	sdelay $0x2  }
0xe9: {  	v3 =	vld [tilespmem:s8+$0xA0A0]  }
0xea: {  	v4 =	vld [tilespmem:s8+$0x9E20]  }
0xeb: {  	v1 =	vadd.f32 v2, v1;
	_ =	sdelay $0x1  }
0xec: {  	v1 =	vmax.f32 v1, $1.000000000e+00  }
0xed: {  	v2 =	vshrl.u32 v1, $0x1;
	v1 =	vmul.f32 $5.000000000e-01, v1  }
0xee: {  	v2 =	vsub.s32 $0x5F3759DF, v2;
	v3 =	vadd.f32 v3, v4  }
0xef: {  	v4 =	vmul.f32 v2, v1  }
0xf0: {  	v3 =	vmax.f32 v3, $1.000000000e+00  }
0xf1: {  	v4 =	vmul.f32 v2, v4;
	v5 =	vshrl.u32 v3, $0x1;
	v3 =	vmul.f32 $5.000000000e-01, v3  }
0xf2: {  	v5 =	vsub.s32 $0x5F3759DF, v5  }
0xf3: {  	v4 =	vsub.f32 $1.500000000e+00, v4;
	v6 =	vmul.f32 v5, v3;
	_ =	sdelay $0x1  }
0xf4: {  	v2 =	vmul.f32 v2, v4;
	v4 =	vmul.f32 v5, v6;
	_ =	sdelay $0x1  }
0xf5: {  	v6 =	vmul.f32 v2, v1;
	v4 =	vsub.f32 $1.500000000e+00, v4;
	_ =	sdelay $0x1  }
0xf6: {  	v6 =	vmul.f32 v6, v2;
	v4 =	vmul.f32 v5, v4;
	_ =	sdelay $0x1  }
0xf7: {  	v5 =	vsub.f32 $1.500000000e+00, v6;
	v6 =	vmul.f32 v4, v3;
	_ =	sdelay $0x1  }
0xf8: {  	v2 =	vmul.f32 v5, v2;
	v5 =	vmul.f32 v6, v4;
	_ =	sdelay $0x1  }
0xf9: {  	v1 =	vmul.f32 v2, v1;
	v5 =	vsub.f32 $1.500000000e+00, v5  }
0xfa: {  	v6 =	vld [tilespmem:s26+$0xFFFFFF80]  }
0xfb: {  	v1 =	vmul.f32 v1, v2;
	v4 =	vmul.f32 v5, v4;
	v5 =	vld [tilespmem:s5+$0xFFFFFF80];
	_ =	sdelay $0x1  }
0xfc: {  	v1 =	vsub.f32 $1.500000000e+00, v1;
	v3 =	vmul.f32 v4, v3;
	_ =	sdelay $0x1  }
0xfd: {  	v1 =	vmul.f32 v1, v2;
	v2 =	vmul.f32 v3, v4  }
0xfe: {  	v3 =	vadd.f32 v5, v6  }
0xff: {  	v2 =	vsub.f32 $1.500000000e+00, v2;
	v5 =	vbroadcast v1, $0x0;
	_ =	sdelay $0x1  }
0x100: {  	v2 =	vmul.f32 v2, v4;
	v3 =	vmul.f32 v5, v3;
	_ =	sdelay $0x1  }
0x101: {  	v3 =	vadd.f32 v3, v0;
	v4 =	vbroadcast v2, $0x0;
	_ =	sdelay $0x1  }
0x102: {  	v3 =	vmax.f32 v3, $0.0e+00  }
0x103: {  	v3 =	vmul.f32 v3, v4;
	_ =	sdelay $0x1  }
0x104: {  	[tilespmem:s26+$0xFFFFFF80] =	vst v3;
	v3 =	vld [tilespmem:s26+$0xFFFFFF90]  }
0x105: {  	v4 =	vld [tilespmem:s5+$0xFFFFFF90];
	_ =	sdelay $0x3  }
0x106: {  	v5 =	vbroadcast v1, $0x1  }
0x107: {  	v3 =	vadd.f32 v4, v3;
	_ =	sdelay $0x1  }
0x108: {  	v3 =	vmul.f32 v5, v3;
	_ =	sdelay $0x1  }
0x109: {  	v4 =	vbroadcast v2, $0x1;
	v3 =	vadd.f32 v3, v0;
	_ =	sdelay $0x1  }
0x10a: {  	v3 =	vmax.f32 v3, $0.0e+00  }
0x10b: {  	v3 =	vmul.f32 v3, v4;
	_ =	sdelay $0x1  }
0x10c: {  	[tilespmem:s26+$0xFFFFFF90] =	vst v3;
	v3 =	vld [tilespmem:s26+$0xFFFFFFA0]  }
0x10d: {  	v4 =	vld [tilespmem:s5+$0xFFFFFFA0];
	_ =	sdelay $0x3  }
0x10e: {  	v5 =	vbroadcast v1, $0x2  }
0x10f: {  	v3 =	vadd.f32 v4, v3;
	_ =	sdelay $0x1  }
0x110: {  	v3 =	vmul.f32 v5, v3;
	_ =	sdelay $0x1  }
0x111: {  	v4 =	vbroadcast v2, $0x2;
	v3 =	vadd.f32 v3, v0;
	_ =	sdelay $0x1  }
0x112: {  	v3 =	vmax.f32 v3, $0.0e+00  }
0x113: {  	v3 =	vmul.f32 v3, v4;
	_ =	sdelay $0x1  }
0x114: {  	[tilespmem:s26+$0xFFFFFFA0] =	vst v3;
	v3 =	vld [tilespmem:s26+$0xFFFFFFB0]  }
0x115: {  	v4 =	vld [tilespmem:s5+$0xFFFFFFB0];
	_ =	sdelay $0x3  }
0x116: {  	v5 =	vbroadcast v1, $0x3  }
0x117: {  	v3 =	vadd.f32 v4, v3;
	_ =	sdelay $0x1  }
0x118: {  	v3 =	vmul.f32 v5, v3;
	_ =	sdelay $0x1  }
0x119: {  	v4 =	vbroadcast v2, $0x3;
	v3 =	vadd.f32 v3, v0;
	_ =	sdelay $0x1  }
0x11a: {  	v3 =	vmax.f32 v3, $0.0e+00  }
0x11b: {  	v3 =	vmul.f32 v3, v4;
	_ =	sdelay $0x1  }
0x11c: {  	[tilespmem:s26+$0xFFFFFFB0] =	vst v3;
	v3 =	vld [tilespmem:s26+$0xFFFFFFC0]  }
0x11d: {  	v4 =	vld [tilespmem:s5+$0xFFFFFFC0];
	_ =	sdelay $0x3  }
0x11e: {  	v5 =	vbroadcast v1, $0x4  }
0x11f: {  	v3 =	vadd.f32 v4, v3;
	_ =	sdelay $0x1  }
0x120: {  	v3 =	vmul.f32 v5, v3;
	_ =	sdelay $0x1  }
0x121: {  	v4 =	vbroadcast v2, $0x4;
	v3 =	vadd.f32 v3, v0;
	_ =	sdelay $0x1  }
0x122: {  	v3 =	vmax.f32 v3, $0.0e+00  }
0x123: {  	v3 =	vmul.f32 v3, v4;
	_ =	sdelay $0x1  }
0x124: {  	[tilespmem:s26+$0xFFFFFFC0] =	vst v3;
	v3 =	vld [tilespmem:s26+$0xFFFFFFD0]  }
0x125: {  	v4 =	vld [tilespmem:s5+$0xFFFFFFD0];
	_ =	sdelay $0x3  }
0x126: {  	v5 =	vbroadcast v1, $0x5  }
0x127: {  	v3 =	vadd.f32 v4, v3;
	_ =	sdelay $0x1  }
0x128: {  	v3 =	vmul.f32 v3, v5;
	_ =	sdelay $0x1  }
0x129: {  	v4 =	vbroadcast v2, $0x5;
	v3 =	vadd.f32 v3, v0;
	_ =	sdelay $0x1  }
0x12a: {  	v3 =	vmax.f32 v3, $0.0e+00  }
0x12b: {  	v3 =	vmul.f32 v3, v4;
	_ =	sdelay $0x1  }
0x12c: {  	[tilespmem:s26+$0xFFFFFFD0] =	vst v3;
	v3 =	vld [tilespmem:s26+$0xFFFFFFE0]  }
0x12d: {  	v4 =	vld [tilespmem:s5+$0xFFFFFFE0];
	_ =	sdelay $0x3  }
0x12e: {  	v5 =	vbroadcast v1, $0x6  }
0x12f: {  	v3 =	vadd.f32 v4, v3;
	_ =	sdelay $0x1  }
0x130: {  	v3 =	vmul.f32 v3, v5;
	_ =	sdelay $0x1  }
0x131: {  	v4 =	vbroadcast v2, $0x6;
	v3 =	vadd.f32 v3, v0;
	_ =	sdelay $0x1  }
0x132: {  	v3 =	vmax.f32 v3, $0.0e+00  }
0x133: {  	v3 =	vmul.f32 v3, v4;
	_ =	sdelay $0x1  }
0x134: {  	[tilespmem:s26+$0xFFFFFFE0] =	vst v3;
	v3 =	vld [tilespmem:s26+$0xFFFFFFF0]  }
0x135: {  	v4 =	vld [tilespmem:s5+$0xFFFFFFF0];
	_ =	sdelay $0x3  }
0x136: {  	v5 =	vbroadcast v1, $0x7  }
0x137: {  	v3 =	vadd.f32 v4, v3;
	_ =	sdelay $0x1  }
0x138: {  	v3 =	vmul.f32 v3, v5;
	_ =	sdelay $0x1  }
0x139: {  	v4 =	vbroadcast v2, $0x7;
	v3 =	vadd.f32 v3, v0;
	_ =	sdelay $0x1  }
0x13a: {  	v3 =	vmax.f32 v3, $0.0e+00  }
0x13b: {  	v3 =	vmul.f32 v3, v4;
	_ =	sdelay $0x1  }
0x13c: {  	[tilespmem:s26+$0xFFFFFFF0] =	vst v3;
	v3 =	vld [tilespmem:s26+$0x0]  }
0x13d: {  	v4 =	vld [tilespmem:s5+$0x0];
	_ =	sdelay $0x3  }
0x13e: {  	v5 =	vbroadcast v1, $0x8  }
0x13f: {  	v3 =	vadd.f32 v4, v3;
	_ =	sdelay $0x1  }
0x140: {  	v3 =	vmul.f32 v3, v5;
	_ =	sdelay $0x1  }
0x141: {  	v4 =	vbroadcast v2, $0x8;
	v3 =	vadd.f32 v3, v0;
	_ =	sdelay $0x1  }
0x142: {  	v3 =	vmax.f32 v3, $0.0e+00  }
0x143: {  	v3 =	vmul.f32 v3, v4;
	_ =	sdelay $0x1  }
0x144: {  	[tilespmem:s26+$0x0] =	vst v3;
	v3 =	vld [tilespmem:s26+$0x10]  }
0x145: {  	v4 =	vld [tilespmem:s5+$0x10];
	_ =	sdelay $0x3  }
0x146: {  	v5 =	vbroadcast v1, $0x9  }
0x147: {  	v3 =	vadd.f32 v4, v3;
	_ =	sdelay $0x1  }
0x148: {  	v3 =	vmul.f32 v3, v5;
	_ =	sdelay $0x1  }
0x149: {  	v4 =	vbroadcast v2, $0x9;
	v3 =	vadd.f32 v3, v0;
	_ =	sdelay $0x1  }
0x14a: {  	v3 =	vmax.f32 v3, $0.0e+00  }
0x14b: {  	v3 =	vmul.f32 v3, v4;
	_ =	sdelay $0x1  }
0x14c: {  	[tilespmem:s26+$0x10] =	vst v3;
	v3 =	vld [tilespmem:s26+$0x20]  }
0x14d: {  	v4 =	vld [tilespmem:s5+$0x20];
	_ =	sdelay $0x3  }
0x14e: {  	v5 =	vbroadcast v1, $0xA  }
0x14f: {  	v3 =	vadd.f32 v4, v3;
	_ =	sdelay $0x1  }
0x150: {  	v3 =	vmul.f32 v3, v5;
	_ =	sdelay $0x1  }
0x151: {  	v4 =	vbroadcast v2, $0xA;
	v3 =	vadd.f32 v3, v0;
	_ =	sdelay $0x1  }
0x152: {  	v3 =	vmax.f32 v3, $0.0e+00  }
0x153: {  	v3 =	vmul.f32 v3, v4;
	_ =	sdelay $0x1  }
0x154: {  	[tilespmem:s26+$0x20] =	vst v3;
	v3 =	vld [tilespmem:s26+$0x30]  }
0x155: {  	v4 =	vld [tilespmem:s5+$0x30];
	_ =	sdelay $0x3  }
0x156: {  	v5 =	vbroadcast v1, $0xB  }
0x157: {  	v3 =	vadd.f32 v4, v3;
	_ =	sdelay $0x1  }
0x158: {  	v3 =	vmul.f32 v3, v5;
	_ =	sdelay $0x1  }
0x159: {  	v4 =	vbroadcast v2, $0xB;
	v3 =	vadd.f32 v3, v0;
	_ =	sdelay $0x1  }
0x15a: {  	v3 =	vmax.f32 v3, $0.0e+00  }
0x15b: {  	v3 =	vmul.f32 v3, v4;
	_ =	sdelay $0x1  }
0x15c: {  	[tilespmem:s26+$0x30] =	vst v3;
	v3 =	vld [tilespmem:s26+$0x40]  }
0x15d: {  	v4 =	vld [tilespmem:s5+$0x40];
	_ =	sdelay $0x3  }
0x15e: {  	v5 =	vbroadcast v1, $0xC  }
0x15f: {  	v3 =	vadd.f32 v4, v3;
	_ =	sdelay $0x1  }
0x160: {  	v3 =	vmul.f32 v3, v5;
	_ =	sdelay $0x1  }
0x161: {  	v4 =	vbroadcast v2, $0xC;
	v3 =	vadd.f32 v3, v0;
	_ =	sdelay $0x1  }
0x162: {  	v3 =	vmax.f32 v3, $0.0e+00  }
0x163: {  	v3 =	vmul.f32 v3, v4;
	_ =	sdelay $0x1  }
0x164: {  	[tilespmem:s26+$0x40] =	vst v3;
	v3 =	vld [tilespmem:s26+$0x50]  }
0x165: {  	v4 =	vld [tilespmem:s5+$0x50];
	_ =	sdelay $0x3  }
0x166: {  	v5 =	vbroadcast v1, $0xD  }
0x167: {  	v3 =	vadd.f32 v4, v3;
	_ =	sdelay $0x1  }
0x168: {  	v3 =	vmul.f32 v3, v5;
	_ =	sdelay $0x1  }
0x169: {  	v4 =	vbroadcast v2, $0xD;
	v3 =	vadd.f32 v3, v0;
	_ =	sdelay $0x1  }
0x16a: {  	v3 =	vmax.f32 v3, $0.0e+00  }
0x16b: {  	v3 =	vmul.f32 v3, v4;
	_ =	sdelay $0x1  }
0x16c: {  	[tilespmem:s26+$0x50] =	vst v3;
	v3 =	vld [tilespmem:s26+$0x60]  }
0x16d: {  	v4 =	vld [tilespmem:s5+$0x60];
	_ =	sdelay $0x3  }
0x16e: {  	v5 =	vbroadcast v1, $0xE  }
0x16f: {  	v3 =	vadd.f32 v4, v3;
	_ =	sdelay $0x1  }
0x170: {  	v3 =	vmul.f32 v3, v5;
	_ =	sdelay $0x1  }
0x171: {  	v4 =	vbroadcast v2, $0xE;
	v3 =	vadd.f32 v3, v0;
	_ =	sdelay $0x1  }
0x172: {  	v3 =	vmax.f32 v3, $0.0e+00  }
0x173: {  	v3 =	vmul.f32 v3, v4;
	_ =	sdelay $0x1  }
0x174: {  	[tilespmem:s26+$0x60] =	vst v3;
	v3 =	vld [tilespmem:s26+$0x70]  }
0x175: {  	v4 =	vld [tilespmem:s5+$0x70];
	_ =	sdelay $0x3  }
0x176: {  	v1 =	vbroadcast v1, $0xF  }
0x177: {  	v3 =	vadd.f32 v4, v3;
	_ =	sdelay $0x1  }
0x178: {  	v1 =	vmul.f32 v3, v1  }
.Ltmp0:
0x179: {  	(pc) =	sbr.rel @p0 .LBB2_2-.Ltmp0, $3  }
0x17a: {  	v2 =	vbroadcast v2, $0xF;
	v1 =	vadd.f32 v1, v0;
	_ =	sdelay $0x1  }
0x17b: {  	v1 =	vmax.f32 v1, $0.0e+00  }
0x17c: {  	v1 =	vmul.f32 v1, v2  }
0x17d: {  	_ = 	snop  }
0x17e: {  	[tilespmem:s7+$0x70] =	vst v1  }
0x17f: {  	[hbm4b:s17+s4] =	stream.linear.scatter [tilespmem:s22], [sflag:$0x3], $0x2800, $0x38;
	[tilespmem:$0x1CA30] =	vst v63  }
0x180: {  	_ =	swait.ge [sflag:s2], $0x2800  }
0x181: {  	[sflag:s2] =	ssyncset.done $0x0  }
0x182: {  	[sflag:s2] =	ssyncadd.s32 $0xFFFFD800  }
0x183: {  	[bflag:$0x0] =	sbarrier.arrive $0xFFFF  }
0x184: {  	[tilespmem:s1], [sflag:$0x1] =	stream.indirect.gather [hbm4b:s18+s0], $0x10, s4, s0, $0xb8;
	[tilespmem:$0x1CA30] =	vst v63  }
0x185: {  	_ = 	snop  }
0x186: {  	[tilespmem:s23], [sflag:$0x1] =	stream.indirect.gather [hbm4b:s18+s0], $0x10, s0, s0, $0xb8;
	[tilespmem:$0x1CA30] =	vst v63  }
0x187: {  	s5 =	simm.s32 $0x7D0  }
0x188: {  	[tilespmem:s25], [sflag:$0x1] =	stream.indirect.gather [hbm4b:s18+s0], $0x10, s5, s0, $0xb8;
	[tilespmem:$0x1CA30] =	vst v63  }
0x189: {  	_ =	swait.ge [sflag:s30], $0x3E80  }
0x18a: {  	[sflag:s30] =	ssyncset.done $0x0  }
0x18b: {  	s26 =	simm.s32 $0xBB8;
	[sflag:s30] =	ssyncadd.s32 $0xFFFFC180  }
0x18c: {  	[tilespmem:s28], [sflag:$0x1] =	stream.indirect.gather [hbm4b:s18+s0], $0x10, s26, s0, $0xb8;
	[tilespmem:$0x1CA30] =	vst v63  }
0x18d: {  	_ = 	snop  }
0x18e: {  	[spmem:s3] =	stream.indirect.scatter.add.f32 [tilespmem:s1], [sflag:$0x2], $0x10, s21, s0, $0xb8;
	[tilespmem:$0x1CA30] =	vst v63  }
0x18f: {  	_ =	swait.ge [sflag:s30], $0x3E80  }
0x190: {  	[sflag:s30] =	ssyncset.done $0x0  }
0x191: {  	[sflag:s30] =	ssyncadd.s32 $0xFFFFC180  }
0x192: {  	_ =	swait.ge [sflag:s31], $0x3E80  }
0x193: {  	[sflag:s31] =	ssyncset.done $0x0  }
0x194: {  	s6 =	simm.s32 $0xFA0;
	[sflag:s31] =	ssyncadd.s32 $0xFFFFC180  }
0x195: {  	[tilespmem:s1], [sflag:$0x1] =	stream.indirect.gather [hbm4b:s18+s0], $0x10, s6, s0, $0xb8;
	[tilespmem:$0x1CA30] =	vst v63  }
0x196: {  	s7 =	simm.s32 $0x2AF8  }
0x197: {  	[spmem:s3] =	stream.indirect.scatter.add.f32 [tilespmem:s23], [sflag:$0x2], $0x10, s7, s0, $0xb8;
	[tilespmem:$0x1CA30] =	vst v63  }
0x198: {  	_ =	swait.ge [sflag:s30], $0x3E80  }
0x199: {  	[sflag:s30] =	ssyncset.done $0x0  }
0x19a: {  	[sflag:s30] =	ssyncadd.s32 $0xFFFFC180  }
0x19b: {  	_ =	swait.ge [sflag:s31], $0x3E80  }
0x19c: {  	[sflag:s31] =	ssyncset.done $0x0  }
0x19d: {  	s8 =	simm.s32 $0x1388;
	[sflag:s31] =	ssyncadd.s32 $0xFFFFC180  }
0x19e: {  	[tilespmem:s23], [sflag:$0x1] =	stream.indirect.gather [hbm4b:s18+s0], $0x10, s8, s0, $0xb8;
	[tilespmem:$0x1CA30] =	vst v63  }
0x19f: {  	s26 =	simm.s32 $0x2EE0  }
0x1a0: {  	[spmem:s3] =	stream.indirect.scatter.add.f32 [tilespmem:s25], [sflag:$0x2], $0x10, s26, s0, $0xb8;
	[tilespmem:$0x1CA30] =	vst v63  }
0x1a1: {  	_ =	swait.ge [sflag:s30], $0x3E80  }
0x1a2: {  	[sflag:s30] =	ssyncset.done $0x0  }
0x1a3: {  	[sflag:s30] =	ssyncadd.s32 $0xFFFFC180  }
0x1a4: {  	_ =	swait.ge [sflag:s31], $0x3E80  }
0x1a5: {  	[sflag:s31] =	ssyncset.done $0x0  }
0x1a6: {  	s6 =	simm.s32 $0x1770;
	[sflag:s31] =	ssyncadd.s32 $0xFFFFC180  }
0x1a7: {  	[tilespmem:s25], [sflag:$0x1] =	stream.indirect.gather [hbm4b:s18+s0], $0x10, s6, s0, $0xb8;
	[tilespmem:$0x1CA30] =	vst v63  }
0x1a8: {  	s7 =	simm.s32 $0x32C8  }
0x1a9: {  	[spmem:s3] =	stream.indirect.scatter.add.f32 [tilespmem:s28], [sflag:$0x2], $0x10, s7, s0, $0xb8;
	[tilespmem:$0x1CA30] =	vst v63  }
0x1aa: {  	_ =	swait.ge [sflag:s30], $0x3E80  }
0x1ab: {  	[sflag:s30] =	ssyncset.done $0x0  }
0x1ac: {  	[sflag:s30] =	ssyncadd.s32 $0xFFFFC180  }
0x1ad: {  	_ =	swait.ge [sflag:s31], $0x3E80  }
0x1ae: {  	[sflag:s31] =	ssyncset.done $0x0  }
0x1af: {  	s8 =	simm.s32 $0x1B58;
	[sflag:s31] =	ssyncadd.s32 $0xFFFFC180  }
0x1b0: {  	[tilespmem:s28], [sflag:$0x1] =	stream.indirect.gather [hbm4b:s18+s0], $0x10, s8, s0, $0xb8;
	[tilespmem:$0x1CA30] =	vst v63  }
0x1b1: {  	s26 =	simm.s32 $0x36B0  }
0x1b2: {  	[spmem:s3] =	stream.indirect.scatter.add.f32 [tilespmem:s1], [sflag:$0x2], $0x10, s26, s0, $0xb8;
	[tilespmem:$0x1CA30] =	vst v63  }
0x1b3: {  	_ =	swait.ge [sflag:s30], $0x3E80  }
0x1b4: {  	[sflag:s30] =	ssyncset.done $0x0  }
0x1b5: {  	[sflag:s30] =	ssyncadd.s32 $0xFFFFC180  }
0x1b6: {  	_ =	swait.ge [sflag:s31], $0x3E80  }
0x1b7: {  	[sflag:s31] =	ssyncset.done $0x0  }
0x1b8: {  	s6 =	simm.s32 $0x1F40;
	[sflag:s31] =	ssyncadd.s32 $0xFFFFC180  }
0x1b9: {  	[tilespmem:s1], [sflag:$0x1] =	stream.indirect.gather [hbm4b:s18+s0], $0x10, s6, s0, $0xb8;
	[tilespmem:$0x1CA30] =	vst v63  }
0x1ba: {  	s7 =	simm.s32 $0x3A98  }
0x1bb: {  	[spmem:s3] =	stream.indirect.scatter.add.f32 [tilespmem:s23], [sflag:$0x2], $0x10, s7, s0, $0xb8;
	[tilespmem:$0x1CA30] =	vst v63  }
0x1bc: {  	_ =	swait.ge [sflag:s30], $0x3E80  }
0x1bd: {  	[sflag:s30] =	ssyncset.done $0x0  }
0x1be: {  	[sflag:s30] =	ssyncadd.s32 $0xFFFFC180  }
0x1bf: {  	_ =	swait.ge [sflag:s31], $0x3E80  }
0x1c0: {  	[sflag:s31] =	ssyncset.done $0x0  }
0x1c1: {  	s8 =	simm.s32 $0x2328;
	[sflag:s31] =	ssyncadd.s32 $0xFFFFC180  }
0x1c2: {  	[tilespmem:s23], [sflag:$0x1] =	stream.indirect.gather [hbm4b:s18+s0], $0x10, s8, s0, $0xb8;
	[tilespmem:$0x1CA30] =	vst v63  }
0x1c3: {  	s26 =	simm.s32 $0x3E80  }
0x1c4: {  	[spmem:s3] =	stream.indirect.scatter.add.f32 [tilespmem:s25], [sflag:$0x2], $0x10, s26, s0, $0xb8;
	[tilespmem:$0x1CA30] =	vst v63  }
0x1c5: {  	_ =	swait.ge [sflag:s30], $0x3E80  }
0x1c6: {  	[sflag:s30] =	ssyncset.done $0x0  }
0x1c7: {  	[sflag:s30] =	ssyncadd.s32 $0xFFFFC180  }
0x1c8: {  	_ =	swait.ge [sflag:s31], $0x3E80  }
0x1c9: {  	[sflag:s31] =	ssyncset.done $0x0  }
0x1ca: {  	s6 =	simm.s32 $0x4268;
	[sflag:s31] =	ssyncadd.s32 $0xFFFFC180  }
0x1cb: {  	[spmem:s3] =	stream.indirect.scatter.add.f32 [tilespmem:s28], [sflag:$0x2], $0x10, s6, s0, $0xb8;
	[tilespmem:$0x1CA30] =	vst v63  }
0x1cc: {  	_ =	swait.ge [sflag:s30], $0x3E80  }
0x1cd: {  	[sflag:s30] =	ssyncset.done $0x0  }
0x1ce: {  	[sflag:s30] =	ssyncadd.s32 $0xFFFFC180  }
0x1cf: {  	_ =	swait.ge [sflag:s31], $0x3E80  }
0x1d0: {  	[sflag:s31] =	ssyncset.done $0x0  }
0x1d1: {  	s7 =	simm.s32 $0x4650;
	[sflag:s31] =	ssyncadd.s32 $0xFFFFC180  }
0x1d2: {  	[spmem:s3] =	stream.indirect.scatter.add.f32 [tilespmem:s1], [sflag:$0x2], $0x10, s7, s0, $0xb8;
	[tilespmem:$0x1CA30] =	vst v63  }
0x1d3: {  	_ =	swait.ge [sflag:s30], $0x3E80  }
0x1d4: {  	[sflag:s30] =	ssyncset.done $0x0  }
0x1d5: {  	[sflag:s30] =	ssyncadd.s32 $0xFFFFC180  }
0x1d6: {  	_ =	swait.ge [sflag:s31], $0x3E80  }
0x1d7: {  	[sflag:s31] =	ssyncset.done $0x0  }
0x1d8: {  	s8 =	simm.s32 $0x4A38;
	[sflag:s31] =	ssyncadd.s32 $0xFFFFC180  }
0x1d9: {  	[spmem:s3] =	stream.indirect.scatter.add.f32 [tilespmem:s23], [sflag:$0x2], $0x10, s8, s0, $0xb8;
	[tilespmem:$0x1CA30] =	vst v63  }
0x1da: {  	_ =	swait.ge [sflag:s31], $0x3E80  }
0x1db: {  	s29 =	sadd.s32 $0x1, s29;
	[sflag:s31] =	ssyncset.done $0x0  }
0x1dc: {  	p0 =	sne.s32 s29, s20;
	[sflag:s31] =	ssyncadd.s32 $0xFFFFC180  }
.Ltmp1:
0x1dd: {  	s26 =	sor.u32 $0x1C03, s15;
	[bflag:$0x0] =	sbarrier.arrive $0xFFFF;
	(pc) =	sbr.rel @p0 .LBB2_1-.Ltmp1, $4  }
0x1de: {  	[hbm:s19], [sflag:s26] =	dma.local [spmem:s24], $0x500  }
0x1df: {  	_ =	swait.ge [sflag:s2], $0x500  }
0x1e0: {  	[sflag:s2] =	ssyncset.done $0x0  }
0x1e1: {  	[sflag:s2] =	ssyncadd.s32 $0xFFFFFB00  }
0x1e2: {  	_ =	sfence.sel $0x180000  }
0x1e3: {  	[bflag:$0x0] =	sbarrier.arrive $0xFFFF  }
0x1e4: {  	_ =	strace $0x9000004D  }
0x1e5: {  	s0 =	stileid.u32;
	[bflag:$0x2] =	sbarrier.arrive $0xFFFF  }
0x1e6: {  	p0 =	sne.s32 s0, $0x0;
	s0 =	rddreg [dreg:$0x4]  }
0x1e7: {  	s0 =	sadd.s32 @!p0 $0x100000, s0  }
0x1e8: {  	[sflag:s0] =	ssyncadd.tile.s32 @!p0 $0x1;
	_ =	shalt  }
.Lfunc_end2:
_tile_overlayer_lowered:
.L_overlay_start_2:
0x1e9: {  	(tag) =	ssettag $0x2  }
0x1ea: {  	s0 =	rddreg [dreg:$0x0];
	s2 =	stileid.u32  }
0x1eb: {  	s1 =	rddreg [dreg:$0x1];
	p0 =	sne.s32 s2, $0x0  }
0x1ec: {  	s3 =	rddreg [dreg:$0x2];
	[bflag:$0x3] =	sbarrier.arrive $0xFFFF;
	s2 =	simm.s32 @!p0 $0x1C03  }
0x1ed: {  	[timem:s3], [sflag:s2] =	dma.local @!p0 [hbm:s0], s1  }
0x1ee: {  	s0 =	simm.s32 @!p0 $0x3  }
0x1ef: {  	_ =	swait.ge @!p0 [sflag:s0], s1  }
0x1f0: {  	s1 =	ssub.s32 @!p0 $0x0, s1;
	[sflag:s0] =	ssyncset.done @!p0 $0x0  }
0x1f1: {  	[sflag:s0] =	ssyncadd.s32 @!p0 s1  }
0x1f2: {  	[bflag:$0x3] =	sbarrier.arrive $0xFFFF  }
0x1f3: {  	_ =	shalt  }

// kernel: kernel.7.cloned.1.call-start
scs
__scs_entry_jumppad:
0x0: {  	(pc) =	sbr.rel $0x88, $3  }
0x1: {  	(tag) =	ssettag $0x0;
	lr =	simm.s32 $0x1  }
0x2: {  	[smem:$0x3F9B] =	sst lr;
	_ =	strace $0xD0000000  }
0x3: {  	_ = 	snop  }
0x4: {  	_ = 	snop  }
0x5: {  	_ = 	snop  }
0x6: {  	_ = 	snop  }
0x7: {  	_ = 	snop  }
__scs_overlays_trampoline_lowered:
0x8: {  	[smem:$0x3FAA] =	sst s0  }
0x9: {  	[smem:$0x3FAB] =	sst s1  }
0xa: {  	[smem:$0x3FAC] =	sst s2  }
0xb: {  	[smem:$0x3FAD] =	sst s3  }
0xc: {  	[smem:$0x3FAE] =	sst s4  }
0xd: {  	[smem:$0x3FAF] =	sst s5  }
0xe: {  	[smem:$0x3FB0] =	sst s6  }
0xf: {  	[smem:$0x3FB1] =	sst s7  }
0x10: {  	[smem:$0x3FB2] =	sst s8  }
0x11: {  	[smem:$0x3FB3] =	sst s9;
	s0 =	simm.s32 @!p0 $0x0  }
0x12: {  	s1 =	sld [smem:$0x3F99];
	s0 =	simm.s32 @p0 $0x1  }
0x13: {  	[smem:$0x3FB4] =	sst s0;
	s0 =	simm.s32 @!p1 $0x0  }
0x14: {  	s2 =	sld [smem:$0x3F98];
	s0 =	simm.s32 @p1 $0x1  }
0x15: {  	[smem:$0x3FB5] =	sst s0;
	s0 =	simm.s32 @!p2 $0x0  }
0x16: {  	s3 =	sld [smem:$0x3FDB];
	s0 =	simm.s32 @p2 $0x1  }
0x17: {  	s4 =	simm.s32 $0x1BF5;
	[smem:$0x3FB7] =	sst s0  }
0x18: {  	s0 =	sld [smem:$0x3F9A];
	_ =	swait.ge [sflag:s4], $0x0  }
0x19: {  	s7 =	sld [smem:$0x3F9B]  }
0x1a: {  	s8 =	sadd.s32 $0xFFFFE003, lr  }
0x1b: {  	s9 =	sadd.s32 $0xFFFFFEF7, lr;
	s5 =	simm.s32 $0xFFFFFFFF;
	p2 =	slt.u32 s8, $0xFFFFF086  }
0x1c: {  	p1 =	slt.u32 s9, $0xF7A;
	s5 =	simm.s32 @!p2 $0x0  }
0x1d: {  	s5 =	simm.s32 @p1 $0x1;
	p0 =	seq.s32 s7, s2  }
0x1e: {  	s7 =	smul.u32 @!p0 $0xF7A, s2;
	p2 =	seq.s32 @!p0 s5, $0x0  }
0x1f: {  	s9 =	smul.u32 $0xF7A, s1;
	s8 =	simm.s32 @!p0 $0x1BF5;
	p2 =	por !p2, p0  }
0x20: {  	[sflag:s8] =	ssyncset.s32 @!p0 $0xFFFFF086;
	s6 =	sadd.s32 @!p0 s3, s7;
	s7 =	simm.s32 @!p0 $0x108  }
0x21: {  	s3 =	sadd.s32 s3, s9;
	s6 =	sadd.s32 @!p0 $0x88, s6;
	s7 =	simm.s32 @p2 $0x1082  }
0x22: {  	[simem:s7], [sflag:s8] =	dma.local @!p0 [hbm:s6], $0xF7A  }
0x23: {  	s9 =	sor.u32 $0xD0000000, s2;
	s6 =	simm.s32 $0x108;
	_ =	swait.ge @!p0 [sflag:s8], $0x0  }
0x24: {  	s3 =	sadd.s32 $0x88, s3;
	s6 =	simm.s32 @!p1 $0x1082;
	[sflag:s4] =	ssyncset.s32 $0xFFFFF086  }
0x25: {  	[simem:s6], [sflag:s4] =	dma.local [hbm:s3], $0xF7A  }
0x26: {  	[smem:$0x3F9B] =	sst s1;
	(tag) =	ssettag s2;
	_ =	strace s9  }
0x27: {  	s1 =	sld [smem:$0x3FAB]  }
0x28: {  	s2 =	sld [smem:$0x3FAC]  }
0x29: {  	s4 =	sld [smem:$0x3FAE]  }
0x2a: {  	p0 =	seq.s32 s5, $0x0;
	s5 =	sld [smem:$0x3FAF]  }
0x2b: {  	s6 =	sld [smem:$0x3FB0]  }
0x2c: {  	s7 =	sld [smem:$0x3FB1]  }
0x2d: {  	s3 =	simm.s32 $0x108;
	s8 =	sld [smem:$0x3FB2]  }
0x2e: {  	s3 =	simm.s32 @!p0 $0x1082;
	s9 =	sld [smem:$0x3FB3]  }
0x2f: {  	lr =	sadd.s32 s0, s3;
	s0 =	sld [smem:$0x3FAA]  }
0x30: {  	s3 =	sld [smem:$0x3FAD]  }
0x31: {  	[smem:$0x3FB6] =	sst s10  }
0x32: {  	s10 =	sld [smem:$0x3FB4];
	_ =	sdelay $0x3  }
0x33: {  	p0 =	seq.s32 s10, $0x1;
	s10 =	sld [smem:$0x3FB6];
	_ =	sdelay $0x3  }
0x34: {  	[smem:$0x3FB6] =	sst s10  }
0x35: {  	s10 =	sld [smem:$0x3FB5];
	_ =	sdelay $0x3  }
0x36: {  	p1 =	seq.s32 s10, $0x1;
	s10 =	sld [smem:$0x3FB6];
	_ =	sdelay $0x3  }
0x37: {  	[smem:$0x3FB6] =	sst s10  }
0x38: {  	s10 =	sld [smem:$0x3FB7]  }
0x39: {  	_ = 	snop;
	(pc) =	sbr.ind lr, $3  }
0x3a: {  	_ = 	snop  }
0x3b: {  	_ = 	snop  }
0x3c: {  	p2 =	seq.s32 s10, $0x1;
	s10 =	sld [smem:$0x3FB6]  }
0x3d: {  	_ =	shalt  }
0x3e: {  	_ =	shalt  }
0x3f: {  	_ =	shalt  }
0x40: {  	_ =	shalt  }
0x41: {  	_ =	shalt  }
0x42: {  	_ =	shalt  }
0x43: {  	_ =	shalt  }
0x44: {  	_ =	shalt  }
0x45: {  	_ =	shalt  }
0x46: {  	_ =	shalt  }
0x47: {  	_ =	shalt  }
0x48: {  	_ =	shalt  }
0x49: {  	_ =	shalt  }
0x4a: {  	_ =	shalt  }
0x4b: {  	_ =	shalt  }
0x4c: {  	_ =	shalt  }
0x4d: {  	_ =	shalt  }
0x4e: {  	_ =	shalt  }
0x4f: {  	_ =	shalt  }
0x50: {  	_ =	shalt  }
0x51: {  	_ =	shalt  }
0x52: {  	_ =	shalt  }
0x53: {  	_ =	shalt  }
0x54: {  	_ =	shalt  }
0x55: {  	_ =	shalt  }
0x56: {  	_ =	shalt  }
0x57: {  	_ =	shalt  }
0x58: {  	_ =	shalt  }
0x59: {  	_ =	shalt  }
0x5a: {  	_ =	shalt  }
0x5b: {  	_ =	shalt  }
0x5c: {  	_ =	shalt  }
0x5d: {  	_ =	shalt  }
0x5e: {  	_ =	shalt  }
0x5f: {  	_ =	shalt  }
0x60: {  	_ =	shalt  }
0x61: {  	_ =	shalt  }
0x62: {  	_ =	shalt  }
0x63: {  	_ =	shalt  }
0x64: {  	_ =	shalt  }
0x65: {  	_ =	shalt  }
0x66: {  	_ =	shalt  }
0x67: {  	_ =	shalt  }
0x68: {  	_ =	shalt  }
0x69: {  	_ =	shalt  }
0x6a: {  	_ =	shalt  }
0x6b: {  	_ =	shalt  }
0x6c: {  	_ =	shalt  }
0x6d: {  	_ =	shalt  }
0x6e: {  	_ =	shalt  }
0x6f: {  	_ =	shalt  }
0x70: {  	_ =	shalt  }
0x71: {  	_ =	shalt  }
0x72: {  	_ =	shalt  }
0x73: {  	_ =	shalt  }
0x74: {  	_ =	shalt  }
0x75: {  	_ =	shalt  }
0x76: {  	_ =	shalt  }
0x77: {  	_ =	shalt  }
0x78: {  	_ =	shalt  }
0x79: {  	_ =	shalt  }
0x7a: {  	_ =	shalt  }
0x7b: {  	_ =	shalt  }
0x7c: {  	_ =	shalt  }
0x7d: {  	_ =	shalt  }
0x7e: {  	_ =	shalt  }
0x7f: {  	_ =	shalt  }
0x80: {  	_ =	shalt  }
0x81: {  	_ =	shalt  }
0x82: {  	_ =	shalt  }
0x83: {  	_ =	shalt  }
0x84: {  	_ =	shalt  }
0x85: {  	_ =	shalt  }
0x86: {  	_ =	shalt  }
0x87: {  	_ =	shalt  }
.Lfunc_end0:
.L_simem_size_0:
called_computation_lowered:
.L_overlay_start_0:
0x88: {  	s2 =	sld [smem:$0x3FD9]  }
0x89: {  	s3 =	sld [smem:$0x3FFE];
	_ =	sdelay $0x1  }
0x8a: {  	s1 =	srdreg.scid  }
0x8b: {  	s0 =	sand.u32 $0x1, s1  }
0x8c: {  	s17 =	sshll.u32 s0, $0xA;
	s2 =	sadd.s32 s3, s2  }
0x8d: {  	s2 =	sadd.s32 s2, s17  }
0x8e: {  	[smem:$0x3FC2] =	sst s2  }
0x8f: {  	_ = 	snop  }
0x90: {  	s2 =	sld [smem:$0x3FD0];
	(tm) =	ssettm $0x1  }
0x91: {  	s18 =	sld [smem:$0x3FFB];
	_ =	sdelay $0x3  }
0x92: {  	_ =	strace s18  }
0x93: {  	s3 =	sld [smem:$0x3FFC];
	_ =	sdelay $0x3  }
0x94: {  	_ =	strace s3  }
0x95: {  	s3 =	sld [smem:$0x3FFD];
	_ =	sdelay $0x3  }
0x96: {  	_ =	strace s3  }
0x97: {  	_ =	strace $0x8FFFFFFF  }
0x98: {  	s19 =	sld [smem:$0x3FDB];
	_ =	sdelay $0x1  }
0x99: {  	s4 =	simm.s32 $_scs_section_size  }
0x9a: {  	s5 =	simm.s32 $_size__tile_overlayer_lowered;
	s6 =	simm.s32 $_tile_overlayer_lowered  }
0x9b: {  	s22 =	simm.s32 $0x1BFF;
	s21 =	sshll.u32 s6, $0x1;
	s3 =	sadd.s32 s4, s19  }
0x9c: {  	s7 =	simm.s32 $0x0;
	s20 =	sshll.u32 s5, $0x1;
	s5 =	sadd.s32 s21, s3  }
0x9d: {  	[timem:s7], [sflag:s22] =	dma.local [hbm:s5], s20  }
0x9e: {  	_ =	swait.ge [sflag:s22], s20  }
0x9f: {  	s4 =	ssub.s32 $0x0, s20;
	[sflag:s22] =	ssyncset.done $0x0  }
0xa0: {  	[sflag:s22] =	ssyncadd.s32 s4;
	_ =	sdelay $0x1  }
0xa1: {  	s23 =	simm.s32 $0x1B8B  }
0xa2: {  	_ =	swait.ge [sflag:s23], $0x1  }
0xa3: {  	[sflag:s23] =	ssyncset.done $0x0  }
0xa4: {  	s25 =	simm.s32 $0x1B8E;
	s24 =	sld [smem:$0x3FFE];
	[sflag:s23] =	ssyncadd.s32 $0xFFFFFFFF  }
0xa5: {  	s26 =	simm.s32 $execute0_lowered;
	[smem:$0x3FD2] =	sst s25  }
0xa6: {  	s5 =	sshll.u32 s26, $0x1;
	_ =	strace $0x80000046;
	[dreg:$0x1] =	wrdreg $0xFFFFFFFF  }
0xa7: {  	s28 =	simm.s32 $_size_execute0_lowered;
	s3 =	sadd.s32 s3, s5;
	[dreg:$0x0] =	wrdreg $0x0  }
0xa8: {  	s5 =	sshll.u32 s28, $0x1;
	[dreg:$0x2] =	wrdreg s3  }
0xa9: {  	[dreg:$0x3] =	wrdreg s5  }
0xaa: {  	[dreg:$0x4] =	wrdreg $0xC0  }
0xab: {  	_ =	task [dreg:s7], $0x5FFFF  }
0xac: {  	[dreg:$0x1] =	wrdreg $0xFFFFFFFF  }
0xad: {  	[dreg:$0x0] =	wrdreg $0x60  }
0xae: {  	[dreg:$0x2] =	wrdreg s24  }
0xaf: {  	[dreg:$0x3] =	wrdreg s2  }
0xb0: {  	[dreg:$0x4] =	wrdreg $0x52080  }
0xb1: {  	[dreg:$0x5] =	wrdreg $0x54880  }
0xb2: {  	[dreg:$0x6] =	wrdreg $0x9  }
0xb3: {  	_ =	task.clear_ibuf [dreg:s7], $0x7FFFF;
	_ =	strace $0x90000046  }
0xb4: {  	s29 =	simm.s32 $0x9;
	_ =	strace $0x80000048  }
0xb5: {  	_ =	swait.ge [sflag:s29], $0x1  }
0xb6: {  	[sflag:s29] =	ssyncadd.s32 $0xFFFFFFFF  }
0xb7: {  	_ =	strace $0x90000048  }
0xb8: {  	_ =	sfence  }
0xb9: {  	s30 =	sld [smem:$0x0];
	_ =	sdelay $0x2  }
0xba: {  	s31 =	sshll.u32 s1, $0xD;
	s1 =	sshrl.u32 s1, $0x2  }
0xbb: {  	s3 =	sand.u32 $0x4000, s31;
	s1 =	sadd.s32 s1, s30  }
0xbc: {  	s0 =	sor.u32 s3, s0;
	s1 =	sshll.u32 s1, $0x11  }
0xbd: {  	s0 =	sor.u32 s1, s0  }
0xbe: {  	s0 =	sadd.s32 $0x8F2B, s0  }
0xbf: {  	[sflag:s0] =	ssyncadd.remote.s32 $0x1  }
0xc0: {  	_ =	sfence.sel $0xFFFF  }
0xc1: {  	[dreg:$0x0] =	wrdreg $0xFFFFFFFF;
	(pc) =	sbr.abs _section_cstart, $3  }
0xc2: {  	[dreg:$0x1] =	wrdreg $0xFFFFFFFF  }
0xc3: {  	_ =	task.clear_ibuf [dreg:s7], $0x2FFFF;
	_ =	strace $0x9FFFFFFF  }
0xc4: {  	(tm) =	ssettm $0x7FFFFFFF  }
0xc5: {  	_ =	shalt  }
tec
execute0_lowered:
.L_overlay_start_1:
0x0: {  	(tag) =	ssettag $0x1  }
0x1: {  	s1 =	rddreg [dreg:$0x0]  }
0x2: {  	s2 =	rddreg [dreg:$0x1]  }
0x3: {  	s0 =	srdreg.scid;
	s8 =	rddreg [dreg:$0x2]  }
0x4: {  	s31 =	stileid.u32;
	s9 =	rddreg [dreg:$0x3];
	s10 =	simm.s32 $0x0  }
0x5: {  	s13 =	simm.s32 $0x2710;
	s11 =	simm.s32 $0x4E20;
	s25 =	simm.s32 $0x2AF8  }
0x6: {  	s26 =	simm.s32 $0x7D0;
	s12 =	simm.s32 $0x3E8;
	s14 =	simm.s32 $0x2EE0  }
0x7: {  	s15 =	simm.s32 $0xBB8;
	s16 =	simm.s32 $0x32C8;
	s17 =	simm.s32 $0xFA0  }
0x8: {  	s18 =	simm.s32 $0x36B0;
	s19 =	simm.s32 $0x1388;
	p0 =	por $0x0, $0x0  }
0x9: {  	s28 =	simm.s32 $0x2328;
	s29 =	simm.s32 $0x4A38;
	s0 =	sand.u32 $0x1, s0  }
0xa: {  	s4 =	smul.u32 $0x280, s31;
	[smem:$0x7FF] =	sst s10;
	s6 =	sadd.s32 $0x15200, s1  }
0xb: {  	s3 =	sshll.u32 s0, $0x4;
	_ =	strace $0x80000047;
	[dreg:$0x5] =	wrdreg s6  }
0xc: {  	s5 =	smul.u32 $0x5000, s0;
	s0 =	ssub.s32 $0x2, s0;
	[dreg:$0xa] =	wrdreg s25  }
0xd: {  	[dreg:$0xb] =	wrdreg s26;
	s25 =	simm.s32 $0x1F40;
	s26 =	simm.s32 $0x4650  }
0xe: {  	s3 =	sor.u32 s31, s3;
	s20 =	sshrl.u32 s0, $0x1;
	s22 =	sadd.s32 s4, s8  }
0xf: {  	s23 =	sshrl.u32 s4, $0x3;
	s3 =	smul.u32 $0x4E2, s3;
	s5 =	sadd.s32 s4, s5  }
0x10: {  	s0 =	ssub.s32 s0, s20;
	s30 =	sadd.s32 s2, s23;
	s4 =	sadd.s32 s4, s9  }
0x11: {  	s7 =	sshrl.u32 s22, $0x3;
	s20 =	simm.s32 $0x3A98;
	s22 =	simm.s32 $0x3E80  }
0x12: {  	s23 =	simm.s32 $0x1B58;
	s5 =	sshrl.u32 s5, $0x3;
	s0 =	smax.u32 s0, $0x1  }
0x13: {  	s6 =	sshrl.u32 s4, $0x3;
	s4 =	simm.s32 $0x2;
	s3 =	sadd.s32 s3, s1  }
0x14: {  	s1 =	sadd.s32 s5, s1;
	p1 =	sne.s32 s0, $0x1;
	s21 =	sadd.s32 $0xB400, s3  }
.Ltmp0:
0x15: {  	s3 =	sadd.s32 $0x1600, s3;
	[dreg:$0x6] =	wrdreg s21;
	(pc) =	sbr.rel @!p1 .LBB2_5-.Ltmp0, $4  }
0x16: {  	s5 =	simm.s32 $0x1;
	s24 =	sadd.s32 $0x15400, s1;
	[dreg:$0x7] =	wrdreg s3  }
0x17: {  	s1 =	sadd.s32 $0x15900, s1;
	s3 =	sshll.u32 s31, $0x6;
	[dreg:$0x8] =	wrdreg s24  }
0x18: {  	[dreg:$0x9] =	wrdreg s1;
	s21 =	simm.s32 $0x1770;
	s1 =	sadd.s32 $0xFFFFFFFF, s0  }
0x19: {  	s24 =	simm.s32 $0x4268;
	s2 =	sor.u32 $0x1C02, s3;
	s0 =	rddreg [dreg:$0x6]  }
0x1a: {  	[tilespmem:s10], [sflag:$0x1] =	stream.linear.gather [hbm4b:s0+s10], $0x2710, $0x38;
	[tilespmem:$0x5708] =	vst v63  }
0x1b: {  	s31 =	rddreg [dreg:$0x7]  }
0x1c: {  	[tilespmem:s13], [sflag:$0x1] =	stream.linear.gather [hbm4b:s31+s10], $0x2710, $0x38;
	[tilespmem:$0x5708] =	vst v63  }
0x1d: {  	s0 =	rddreg [dreg:$0x5]  }
0x1e: {  	[tilespmem:s11], [sflag:$0x1] =	stream.linear.gather [hbm4b:s0+s10], $0x3E8, $0x38;
	[tilespmem:$0x5708] =	vst v63  }
0x1f: {  	[spmem:s7], [sflag:s2] =	dma.local [hbm:s30], $0x50  }
0x20: {  	[spmem:s6], [sflag:s2] =	dma.local [hbm:s30], $0x50  }
0x21: {  	_ =	swait.ge [sflag:s5], $0x2710  }
0x22: {  	[sflag:s5] =	ssyncset.done $0x0  }
0x23: {  	[sflag:s5] =	ssyncadd.s32 $0xFFFFD8F0  }
0x24: {  	_ =	swait.ge [sflag:s5], $0x2710  }
0x25: {  	[sflag:s5] =	ssyncset.done $0x0  }
0x26: {  	[sflag:s5] =	ssyncadd.s32 $0xFFFFD8F0  }
0x27: {  	_ =	swait.ge [sflag:s5], $0x3E8  }
0x28: {  	[sflag:s5] =	ssyncset.done $0x0  }
0x29: {  	[sflag:s5] =	ssyncadd.s32 $0xFFFFFC18  }
0x2a: {  	_ =	swait.ge [sflag:s4], $0x50  }
0x2b: {  	[sflag:s4] =	ssyncset.done $0x0  }
0x2c: {  	[sflag:s4] =	ssyncadd.s32 $0xFFFFFFB0  }
0x2d: {  	_ =	swait.ge [sflag:s4], $0x50  }
0x2e: {  	[sflag:s4] =	ssyncset.done $0x0  }
0x2f: {  	[sflag:s4] =	ssyncadd.s32 $0xFFFFFFB0  }
0x30: {  	[bflag:$0x0] =	sbarrier.arrive $0xFFFF  }
0x31: {  	[spmem:s8] =	stream.indirect.scatter.add.f32 [tilespmem:s11], [sflag:$0x1], $0x1, s10, s12, $0xb8;
	[tilespmem:$0x5708] =	vst v63  }
0x32: {  	_ = 	snop  }
0x33: {  	[spmem:s9] =	stream.indirect.scatter.add.f32 [tilespmem:s11], [sflag:$0x2], $0x1, s13, s12, $0xb8;
	[tilespmem:$0x5708] =	vst v63  }
0x34: {  	_ = 	snop  }
0x35: {  	[spmem:s8] =	stream.indirect.scatter.add.f32 [tilespmem:s11], [sflag:$0x1], $0x1, s12, s12, $0xb8;
	[tilespmem:$0x5708] =	vst v63  }
0x36: {  	s0 =	rddreg [dreg:$0xa]  }
0x37: {  	[spmem:s9] =	stream.indirect.scatter.add.f32 [tilespmem:s11], [sflag:$0x2], $0x1, s0, s12, $0xb8;
	[tilespmem:$0x5708] =	vst v63  }
0x38: {  	s31 =	rddreg [dreg:$0xb]  }
0x39: {  	[spmem:s8] =	stream.indirect.scatter.add.f32 [tilespmem:s11], [sflag:$0x1], $0x1, s31, s12, $0xb8;
	[tilespmem:$0x5708] =	vst v63  }
0x3a: {  	_ = 	snop  }
0x3b: {  	[spmem:s9] =	stream.indirect.scatter.add.f32 [tilespmem:s11], [sflag:$0x2], $0x1, s14, s12, $0xb8;
	[tilespmem:$0x5708] =	vst v63  }
0x3c: {  	_ = 	snop  }
0x3d: {  	[spmem:s8] =	stream.indirect.scatter.add.f32 [tilespmem:s11], [sflag:$0x1], $0x1, s15, s12, $0xb8;
	[tilespmem:$0x5708] =	vst v63  }
0x3e: {  	_ = 	snop  }
0x3f: {  	[spmem:s9] =	stream.indirect.scatter.add.f32 [tilespmem:s11], [sflag:$0x2], $0x1, s16, s12, $0xb8;
	[tilespmem:$0x5708] =	vst v63  }
0x40: {  	_ = 	snop  }
0x41: {  	[spmem:s8] =	stream.indirect.scatter.add.f32 [tilespmem:s11], [sflag:$0x1], $0x1, s17, s12, $0xb8;
	[tilespmem:$0x5708] =	vst v63  }
0x42: {  	_ = 	snop  }
0x43: {  	[spmem:s9] =	stream.indirect.scatter.add.f32 [tilespmem:s11], [sflag:$0x2], $0x1, s18, s12, $0xb8;
	[tilespmem:$0x5708] =	vst v63  }
0x44: {  	_ = 	snop  }
0x45: {  	[spmem:s8] =	stream.indirect.scatter.add.f32 [tilespmem:s11], [sflag:$0x1], $0x1, s19, s12, $0xb8;
	[tilespmem:$0x5708] =	vst v63  }
0x46: {  	_ = 	snop  }
0x47: {  	[spmem:s9] =	stream.indirect.scatter.add.f32 [tilespmem:s11], [sflag:$0x2], $0x1, s20, s12, $0xb8;
	[tilespmem:$0x5708] =	vst v63  }
0x48: {  	_ = 	snop  }
0x49: {  	[spmem:s8] =	stream.indirect.scatter.add.f32 [tilespmem:s11], [sflag:$0x1], $0x1, s21, s12, $0xb8;
	[tilespmem:$0x5708] =	vst v63  }
0x4a: {  	_ = 	snop  }
0x4b: {  	[spmem:s9] =	stream.indirect.scatter.add.f32 [tilespmem:s11], [sflag:$0x2], $0x1, s22, s12, $0xb8;
	[tilespmem:$0x5708] =	vst v63  }
0x4c: {  	_ = 	snop  }
0x4d: {  	[spmem:s8] =	stream.indirect.scatter.add.f32 [tilespmem:s11], [sflag:$0x1], $0x1, s23, s12, $0xb8;
	[tilespmem:$0x5708] =	vst v63  }
0x4e: {  	_ = 	snop  }
0x4f: {  	[spmem:s9] =	stream.indirect.scatter.add.f32 [tilespmem:s11], [sflag:$0x2], $0x1, s24, s12, $0xb8;
	[tilespmem:$0x5708] =	vst v63  }
0x50: {  	_ = 	snop  }
0x51: {  	[spmem:s8] =	stream.indirect.scatter.add.f32 [tilespmem:s11], [sflag:$0x1], $0x1, s25, s12, $0xb8;
	[tilespmem:$0x5708] =	vst v63  }
0x52: {  	_ = 	snop  }
0x53: {  	[spmem:s9] =	stream.indirect.scatter.add.f32 [tilespmem:s11], [sflag:$0x2], $0x1, s26, s12, $0xb8;
	[tilespmem:$0x5708] =	vst v63  }
0x54: {  	_ = 	snop  }
0x55: {  	[spmem:s8] =	stream.indirect.scatter.add.f32 [tilespmem:s11], [sflag:$0x1], $0x1, s28, s12, $0xb8;
	[tilespmem:$0x5708] =	vst v63  }
0x56: {  	_ = 	snop  }
0x57: {  	[spmem:s9] =	stream.indirect.scatter.add.f32 [tilespmem:s11], [sflag:$0x2], $0x1, s29, s12, $0xb8;
	[tilespmem:$0x5708] =	vst v63  }
0x58: {  	_ =	swait.ge [sflag:s5], $0x3E8  }
0x59: {  	[sflag:s5] =	ssyncset.done $0x0  }
0x5a: {  	[sflag:s5] =	ssyncadd.s32 $0xFFFFFC18  }
0x5b: {  	_ =	swait.ge [sflag:s4], $0x3E8  }
0x5c: {  	[sflag:s4] =	ssyncset.done $0x0  }
0x5d: {  	[sflag:s4] =	ssyncadd.s32 $0xFFFFFC18  }
0x5e: {  	_ =	swait.ge [sflag:s5], $0x3E8  }
0x5f: {  	[sflag:s5] =	ssyncset.done $0x0  }
0x60: {  	[sflag:s5] =	ssyncadd.s32 $0xFFFFFC18  }
0x61: {  	_ =	swait.ge [sflag:s4], $0x3E8  }
0x62: {  	[sflag:s4] =	ssyncset.done $0x0  }
0x63: {  	[sflag:s4] =	ssyncadd.s32 $0xFFFFFC18  }
0x64: {  	_ =	swait.ge [sflag:s5], $0x3E8  }
0x65: {  	[sflag:s5] =	ssyncset.done $0x0  }
0x66: {  	[sflag:s5] =	ssyncadd.s32 $0xFFFFFC18  }
0x67: {  	_ =	swait.ge [sflag:s4], $0x3E8  }
0x68: {  	[sflag:s4] =	ssyncset.done $0x0  }
0x69: {  	[sflag:s4] =	ssyncadd.s32 $0xFFFFFC18  }
0x6a: {  	_ =	swait.ge [sflag:s5], $0x3E8  }
0x6b: {  	[sflag:s5] =	ssyncset.done $0x0  }
0x6c: {  	[sflag:s5] =	ssyncadd.s32 $0xFFFFFC18  }
0x6d: {  	_ =	swait.ge [sflag:s4], $0x3E8  }
0x6e: {  	[sflag:s4] =	ssyncset.done $0x0  }
0x6f: {  	[sflag:s4] =	ssyncadd.s32 $0xFFFFFC18  }
0x70: {  	_ =	swait.ge [sflag:s5], $0x3E8  }
0x71: {  	[sflag:s5] =	ssyncset.done $0x0  }
0x72: {  	[sflag:s5] =	ssyncadd.s32 $0xFFFFFC18  }
0x73: {  	_ =	swait.ge [sflag:s4], $0x3E8  }
0x74: {  	[sflag:s4] =	ssyncset.done $0x0  }
0x75: {  	[sflag:s4] =	ssyncadd.s32 $0xFFFFFC18  }
0x76: {  	_ =	swait.ge [sflag:s5], $0x3E8  }
0x77: {  	[sflag:s5] =	ssyncset.done $0x0  }
0x78: {  	[sflag:s5] =	ssyncadd.s32 $0xFFFFFC18  }
0x79: {  	_ =	swait.ge [sflag:s4], $0x3E8  }
0x7a: {  	[sflag:s4] =	ssyncset.done $0x0  }
0x7b: {  	[sflag:s4] =	ssyncadd.s32 $0xFFFFFC18  }
0x7c: {  	_ =	swait.ge [sflag:s5], $0x3E8  }
0x7d: {  	[sflag:s5] =	ssyncset.done $0x0  }
0x7e: {  	[sflag:s5] =	ssyncadd.s32 $0xFFFFFC18  }
0x7f: {  	_ =	swait.ge [sflag:s4], $0x3E8  }
0x80: {  	[sflag:s4] =	ssyncset.done $0x0  }
0x81: {  	[sflag:s4] =	ssyncadd.s32 $0xFFFFFC18  }
0x82: {  	_ =	swait.ge [sflag:s5], $0x3E8  }
0x83: {  	[sflag:s5] =	ssyncset.done $0x0  }
0x84: {  	[sflag:s5] =	ssyncadd.s32 $0xFFFFFC18  }
0x85: {  	_ =	swait.ge [sflag:s4], $0x3E8  }
0x86: {  	[sflag:s4] =	ssyncset.done $0x0  }
0x87: {  	[sflag:s4] =	ssyncadd.s32 $0xFFFFFC18  }
0x88: {  	_ =	swait.ge [sflag:s5], $0x3E8  }
0x89: {  	[sflag:s5] =	ssyncset.done $0x0  }
0x8a: {  	[sflag:s5] =	ssyncadd.s32 $0xFFFFFC18  }
0x8b: {  	_ =	swait.ge [sflag:s4], $0x3E8  }
0x8c: {  	[sflag:s4] =	ssyncset.done $0x0  }
0x8d: {  	[sflag:s4] =	ssyncadd.s32 $0xFFFFFC18  }
0x8e: {  	_ =	swait.ge [sflag:s5], $0x3E8  }
0x8f: {  	[sflag:s5] =	ssyncset.done $0x0  }
0x90: {  	[sflag:s5] =	ssyncadd.s32 $0xFFFFFC18  }
0x91: {  	_ =	swait.ge [sflag:s4], $0x3E8  }
0x92: {  	[sflag:s4] =	ssyncset.done $0x0  }
0x93: {  	[sflag:s4] =	ssyncadd.s32 $0xFFFFFC18  }
0x94: {  	[bflag:$0x0] =	sbarrier.arrive $0xFFFF  }
0x95: {  	s0 =	rddreg [dreg:$0x8]  }
0x96: {  	s31 =	sor.u32 $0x1C01, s3;
	[dreg:$0xc] =	wrdreg s3  }
0x97: {  	[hbm:s0], [sflag:s31] =	dma.local [spmem:s7], $0x50  }
0x98: {  	p1 =	sne.s32 s1, $0x1;
	s0 =	rddreg [dreg:$0x9]  }
0x99: {  	[hbm:s0], [sflag:s2] =	dma.local [spmem:s6], $0x50  }
.Ltmp1:
0x9a: {  	_ =	swait.ge [sflag:s5], $0x50;
	(pc) =	sbr.rel @!p1 .LBB2_2-.Ltmp1, $4  }
0x9b: {  	[sflag:s5] =	ssyncset.done $0x0  }
0x9c: {  	[sflag:s5] =	ssyncadd.s32 $0xFFFFFFB0  }
0x9d: {  	s1 =	sadd.s32 $0xFFFFFFFF, s1;
	_ =	swait.ge [sflag:s4], $0x50  }
0x9e: {  	p0 =	por $0x1, $0x1;
	s0 =	rddreg [dreg:$0x6];
	[sflag:s4] =	ssyncset.done $0x0  }
.LBB2_3:
0x9f: {  	[sflag:s4] =	ssyncadd.s32 $0xFFFFFFB0  }
0xa0: {  	[tilespmem:s10], [sflag:$0x1] =	stream.linear.gather [hbm4b:s0+s10], $0x2710, $0x38;
	[tilespmem:$0x5708] =	vst v63  }
0xa1: {  	s3 =	rddreg [dreg:$0x7]  }
0xa2: {  	[tilespmem:s13], [sflag:$0x1] =	stream.linear.gather [hbm4b:s3+s10], $0x2710, $0x38;
	[tilespmem:$0x5708] =	vst v63  }
0xa3: {  	s0 =	rddreg [dreg:$0x5]  }
0xa4: {  	[tilespmem:s11], [sflag:$0x1] =	stream.linear.gather [hbm4b:s0+s10], $0x3E8, $0x38;
	[tilespmem:$0x5708] =	vst v63  }
0xa5: {  	[spmem:s7], [sflag:s2] =	dma.local [hbm:s30], $0x50  }
0xa6: {  	[spmem:s6], [sflag:s2] =	dma.local [hbm:s30], $0x50  }
0xa7: {  	_ =	swait.ge [sflag:s5], $0x2710  }
0xa8: {  	[sflag:s5] =	ssyncset.done $0x0  }
0xa9: {  	[sflag:s5] =	ssyncadd.s32 $0xFFFFD8F0  }
0xaa: {  	_ =	swait.ge [sflag:s5], $0x2710  }
0xab: {  	[sflag:s5] =	ssyncset.done $0x0  }
0xac: {  	[sflag:s5] =	ssyncadd.s32 $0xFFFFD8F0  }
0xad: {  	_ =	swait.ge [sflag:s5], $0x3E8  }
0xae: {  	[sflag:s5] =	ssyncset.done $0x0  }
0xaf: {  	[sflag:s5] =	ssyncadd.s32 $0xFFFFFC18  }
0xb0: {  	_ =	swait.ge [sflag:s4], $0x50  }
0xb1: {  	[sflag:s4] =	ssyncset.done $0x0  }
0xb2: {  	[sflag:s4] =	ssyncadd.s32 $0xFFFFFFB0  }
0xb3: {  	_ =	swait.ge [sflag:s4], $0x50  }
0xb4: {  	[sflag:s4] =	ssyncset.done $0x0  }
0xb5: {  	[sflag:s4] =	ssyncadd.s32 $0xFFFFFFB0  }
0xb6: {  	[bflag:$0x0] =	sbarrier.arrive $0xFFFF  }
0xb7: {  	[spmem:s8] =	stream.indirect.scatter.add.f32 [tilespmem:s11], [sflag:$0x1], $0x1, s10, s12, $0xb8;
	[tilespmem:$0x5708] =	vst v63  }
0xb8: {  	_ = 	snop  }
0xb9: {  	[spmem:s9] =	stream.indirect.scatter.add.f32 [tilespmem:s11], [sflag:$0x2], $0x1, s13, s12, $0xb8;
	[tilespmem:$0x5708] =	vst v63  }
0xba: {  	_ = 	snop  }
0xbb: {  	[spmem:s8] =	stream.indirect.scatter.add.f32 [tilespmem:s11], [sflag:$0x1], $0x1, s12, s12, $0xb8;
	[tilespmem:$0x5708] =	vst v63  }
0xbc: {  	s0 =	rddreg [dreg:$0xa]  }
0xbd: {  	[spmem:s9] =	stream.indirect.scatter.add.f32 [tilespmem:s11], [sflag:$0x2], $0x1, s0, s12, $0xb8;
	[tilespmem:$0x5708] =	vst v63  }
0xbe: {  	s3 =	rddreg [dreg:$0xb]  }
0xbf: {  	[spmem:s8] =	stream.indirect.scatter.add.f32 [tilespmem:s11], [sflag:$0x1], $0x1, s3, s12, $0xb8;
	[tilespmem:$0x5708] =	vst v63  }
0xc0: {  	_ = 	snop  }
0xc1: {  	[spmem:s9] =	stream.indirect.scatter.add.f32 [tilespmem:s11], [sflag:$0x2], $0x1, s14, s12, $0xb8;
	[tilespmem:$0x5708] =	vst v63  }
0xc2: {  	_ = 	snop  }
0xc3: {  	[spmem:s8] =	stream.indirect.scatter.add.f32 [tilespmem:s11], [sflag:$0x1], $0x1, s15, s12, $0xb8;
	[tilespmem:$0x5708] =	vst v63  }
0xc4: {  	_ = 	snop  }
0xc5: {  	[spmem:s9] =	stream.indirect.scatter.add.f32 [tilespmem:s11], [sflag:$0x2], $0x1, s16, s12, $0xb8;
	[tilespmem:$0x5708] =	vst v63  }
0xc6: {  	_ = 	snop  }
0xc7: {  	[spmem:s8] =	stream.indirect.scatter.add.f32 [tilespmem:s11], [sflag:$0x1], $0x1, s17, s12, $0xb8;
	[tilespmem:$0x5708] =	vst v63  }
0xc8: {  	_ = 	snop  }
0xc9: {  	[spmem:s9] =	stream.indirect.scatter.add.f32 [tilespmem:s11], [sflag:$0x2], $0x1, s18, s12, $0xb8;
	[tilespmem:$0x5708] =	vst v63  }
0xca: {  	_ = 	snop  }
0xcb: {  	[spmem:s8] =	stream.indirect.scatter.add.f32 [tilespmem:s11], [sflag:$0x1], $0x1, s19, s12, $0xb8;
	[tilespmem:$0x5708] =	vst v63  }
0xcc: {  	_ = 	snop  }
0xcd: {  	[spmem:s9] =	stream.indirect.scatter.add.f32 [tilespmem:s11], [sflag:$0x2], $0x1, s20, s12, $0xb8;
	[tilespmem:$0x5708] =	vst v63  }
0xce: {  	_ = 	snop  }
0xcf: {  	[spmem:s8] =	stream.indirect.scatter.add.f32 [tilespmem:s11], [sflag:$0x1], $0x1, s21, s12, $0xb8;
	[tilespmem:$0x5708] =	vst v63  }
0xd0: {  	_ = 	snop  }
0xd1: {  	[spmem:s9] =	stream.indirect.scatter.add.f32 [tilespmem:s11], [sflag:$0x2], $0x1, s22, s12, $0xb8;
	[tilespmem:$0x5708] =	vst v63  }
0xd2: {  	_ = 	snop  }
0xd3: {  	[spmem:s8] =	stream.indirect.scatter.add.f32 [tilespmem:s11], [sflag:$0x1], $0x1, s23, s12, $0xb8;
	[tilespmem:$0x5708] =	vst v63  }
0xd4: {  	_ = 	snop  }
0xd5: {  	[spmem:s9] =	stream.indirect.scatter.add.f32 [tilespmem:s11], [sflag:$0x2], $0x1, s24, s12, $0xb8;
	[tilespmem:$0x5708] =	vst v63  }
0xd6: {  	_ = 	snop  }
0xd7: {  	[spmem:s8] =	stream.indirect.scatter.add.f32 [tilespmem:s11], [sflag:$0x1], $0x1, s25, s12, $0xb8;
	[tilespmem:$0x5708] =	vst v63  }
0xd8: {  	_ = 	snop  }
0xd9: {  	[spmem:s9] =	stream.indirect.scatter.add.f32 [tilespmem:s11], [sflag:$0x2], $0x1, s26, s12, $0xb8;
	[tilespmem:$0x5708] =	vst v63  }
0xda: {  	_ = 	snop  }
0xdb: {  	[spmem:s8] =	stream.indirect.scatter.add.f32 [tilespmem:s11], [sflag:$0x1], $0x1, s28, s12, $0xb8;
	[tilespmem:$0x5708] =	vst v63  }
0xdc: {  	_ = 	snop  }
0xdd: {  	[spmem:s9] =	stream.indirect.scatter.add.f32 [tilespmem:s11], [sflag:$0x2], $0x1, s29, s12, $0xb8;
	[tilespmem:$0x5708] =	vst v63  }
0xde: {  	_ =	swait.ge [sflag:s5], $0x3E8  }
0xdf: {  	[sflag:s5] =	ssyncset.done $0x0  }
0xe0: {  	[sflag:s5] =	ssyncadd.s32 $0xFFFFFC18  }
0xe1: {  	_ =	swait.ge [sflag:s4], $0x3E8  }
0xe2: {  	[sflag:s4] =	ssyncset.done $0x0  }
0xe3: {  	[sflag:s4] =	ssyncadd.s32 $0xFFFFFC18  }
0xe4: {  	_ =	swait.ge [sflag:s5], $0x3E8  }
0xe5: {  	[sflag:s5] =	ssyncset.done $0x0  }
0xe6: {  	[sflag:s5] =	ssyncadd.s32 $0xFFFFFC18  }
0xe7: {  	_ =	swait.ge [sflag:s4], $0x3E8  }
0xe8: {  	[sflag:s4] =	ssyncset.done $0x0  }
0xe9: {  	[sflag:s4] =	ssyncadd.s32 $0xFFFFFC18  }
0xea: {  	_ =	swait.ge [sflag:s5], $0x3E8  }
0xeb: {  	[sflag:s5] =	ssyncset.done $0x0  }
0xec: {  	[sflag:s5] =	ssyncadd.s32 $0xFFFFFC18  }
0xed: {  	_ =	swait.ge [sflag:s4], $0x3E8  }
0xee: {  	[sflag:s4] =	ssyncset.done $0x0  }
0xef: {  	[sflag:s4] =	ssyncadd.s32 $0xFFFFFC18  }
0xf0: {  	_ =	swait.ge [sflag:s5], $0x3E8  }
0xf1: {  	[sflag:s5] =	ssyncset.done $0x0  }
0xf2: {  	[sflag:s5] =	ssyncadd.s32 $0xFFFFFC18  }
0xf3: {  	_ =	swait.ge [sflag:s4], $0x3E8  }
0xf4: {  	[sflag:s4] =	ssyncset.done $0x0  }
0xf5: {  	[sflag:s4] =	ssyncadd.s32 $0xFFFFFC18  }
0xf6: {  	_ =	swait.ge [sflag:s5], $0x3E8  }
0xf7: {  	[sflag:s5] =	ssyncset.done $0x0  }
0xf8: {  	[sflag:s5] =	ssyncadd.s32 $0xFFFFFC18  }
0xf9: {  	_ =	swait.ge [sflag:s4], $0x3E8  }
0xfa: {  	[sflag:s4] =	ssyncset.done $0x0  }
0xfb: {  	[sflag:s4] =	ssyncadd.s32 $0xFFFFFC18  }
0xfc: {  	_ =	swait.ge [sflag:s5], $0x3E8  }
0xfd: {  	[sflag:s5] =	ssyncset.done $0x0  }
0xfe: {  	[sflag:s5] =	ssyncadd.s32 $0xFFFFFC18  }
0xff: {  	_ =	swait.ge [sflag:s4], $0x3E8  }
0x100: {  	[sflag:s4] =	ssyncset.done $0x0  }
0x101: {  	[sflag:s4] =	ssyncadd.s32 $0xFFFFFC18  }
0x102: {  	_ =	swait.ge [sflag:s5], $0x3E8  }
0x103: {  	[sflag:s5] =	ssyncset.done $0x0  }
0x104: {  	[sflag:s5] =	ssyncadd.s32 $0xFFFFFC18  }
0x105: {  	_ =	swait.ge [sflag:s4], $0x3E8  }
0x106: {  	[sflag:s4] =	ssyncset.done $0x0  }
0x107: {  	[sflag:s4] =	ssyncadd.s32 $0xFFFFFC18  }
0x108: {  	_ =	swait.ge [sflag:s5], $0x3E8  }
0x109: {  	[sflag:s5] =	ssyncset.done $0x0  }
0x10a: {  	[sflag:s5] =	ssyncadd.s32 $0xFFFFFC18  }
0x10b: {  	_ =	swait.ge [sflag:s4], $0x3E8  }
0x10c: {  	[sflag:s4] =	ssyncset.done $0x0  }
0x10d: {  	[sflag:s4] =	ssyncadd.s32 $0xFFFFFC18  }
0x10e: {  	_ =	swait.ge [sflag:s5], $0x3E8  }
0x10f: {  	[sflag:s5] =	ssyncset.done $0x0  }
0x110: {  	[sflag:s5] =	ssyncadd.s32 $0xFFFFFC18  }
0x111: {  	_ =	swait.ge [sflag:s4], $0x3E8  }
0x112: {  	[sflag:s4] =	ssyncset.done $0x0  }
0x113: {  	[sflag:s4] =	ssyncadd.s32 $0xFFFFFC18  }
0x114: {  	_ =	swait.ge [sflag:s5], $0x3E8  }
0x115: {  	[sflag:s5] =	ssyncset.done $0x0  }
0x116: {  	[sflag:s5] =	ssyncadd.s32 $0xFFFFFC18  }
0x117: {  	_ =	swait.ge [sflag:s4], $0x3E8  }
0x118: {  	[sflag:s4] =	ssyncset.done $0x0  }
0x119: {  	[sflag:s4] =	ssyncadd.s32 $0xFFFFFC18  }
0x11a: {  	[bflag:$0x0] =	sbarrier.arrive $0xFFFF  }
0x11b: {  	s3 =	rddreg [dreg:$0x8]  }
0x11c: {  	[hbm:s3], [sflag:s31] =	dma.local [spmem:s7], $0x50  }
0x11d: {  	p1 =	sne.s32 s1, $0x1;
	s0 =	rddreg [dreg:$0x9]  }
0x11e: {  	[hbm:s0], [sflag:s2] =	dma.local [spmem:s6], $0x50  }
.Ltmp2:
0x11f: {  	_ =	swait.ge [sflag:s5], $0x50;
	(pc) =	sbr.rel @p1 .LBB2_3-.Ltmp2, $4  }
0x120: {  	[sflag:s5] =	ssyncset.done $0x0  }
0x121: {  	[sflag:s5] =	ssyncadd.s32 $0xFFFFFFB0  }
0x122: {  	_ =	swait.ge [sflag:s4], $0x50  }
0x123: {  	s1 =	sadd.s32 $0xFFFFFFFF, s1;
	s0 =	rddreg [dreg:$0x6];
	[sflag:s4] =	ssyncset.done $0x0  }
0x124: {  	s31 =	stileid.u32;
	s3 =	rddreg [dreg:$0xc]  }
.LBB2_5:
0x125: {  	[sflag:s4] =	ssyncadd.s32 @p0 $0xFFFFFFB0  }
0x126: {  	[tilespmem:s10], [sflag:$0x1] =	stream.linear.gather [hbm4b:s0+s10], $0x2710, $0x38;
	[tilespmem:$0x5708] =	vst v63  }
0x127: {  	s1 =	rddreg [dreg:$0x7]  }
0x128: {  	[tilespmem:s13], [sflag:$0x1] =	stream.linear.gather [hbm4b:s1+s10], $0x2710, $0x38;
	[tilespmem:$0x5708] =	vst v63  }
0x129: {  	s0 =	rddreg [dreg:$0x5]  }
0x12a: {  	[tilespmem:s11], [sflag:$0x1] =	stream.linear.gather [hbm4b:s0+s10], $0x3E8, $0x38;
	[tilespmem:$0x5708] =	vst v63  }
0x12b: {  	[spmem:s7], [sflag:s2] =	dma.local [hbm:s30], $0x50  }
0x12c: {  	[spmem:s6], [sflag:s2] =	dma.local [hbm:s30], $0x50  }
0x12d: {  	_ =	swait.ge [sflag:s5], $0x2710  }
0x12e: {  	[sflag:s5] =	ssyncset.done $0x0  }
0x12f: {  	[sflag:s5] =	ssyncadd.s32 $0xFFFFD8F0  }
0x130: {  	_ =	swait.ge [sflag:s5], $0x2710  }
0x131: {  	[sflag:s5] =	ssyncset.done $0x0  }
0x132: {  	[sflag:s5] =	ssyncadd.s32 $0xFFFFD8F0  }
0x133: {  	_ =	swait.ge [sflag:s5], $0x3E8  }
0x134: {  	[sflag:s5] =	ssyncset.done $0x0  }
0x135: {  	[sflag:s5] =	ssyncadd.s32 $0xFFFFFC18  }
0x136: {  	_ =	swait.ge [sflag:s4], $0x50  }
0x137: {  	[sflag:s4] =	ssyncset.done $0x0  }
0x138: {  	[sflag:s4] =	ssyncadd.s32 $0xFFFFFFB0  }
0x139: {  	_ =	swait.ge [sflag:s4], $0x50  }
0x13a: {  	[sflag:s4] =	ssyncset.done $0x0  }
0x13b: {  	[sflag:s4] =	ssyncadd.s32 $0xFFFFFFB0  }
0x13c: {  	[bflag:$0x0] =	sbarrier.arrive $0xFFFF  }
0x13d: {  	[spmem:s8] =	stream.indirect.scatter.add.f32 [tilespmem:s11], [sflag:$0x1], $0x1, s10, s12, $0xb8;
	[tilespmem:$0x5708] =	vst v63  }
0x13e: {  	_ = 	snop  }
0x13f: {  	[spmem:s9] =	stream.indirect.scatter.add.f32 [tilespmem:s11], [sflag:$0x2], $0x1, s13, s12, $0xb8;
	[tilespmem:$0x5708] =	vst v63  }
0x140: {  	_ = 	snop  }
0x141: {  	[spmem:s8] =	stream.indirect.scatter.add.f32 [tilespmem:s11], [sflag:$0x1], $0x1, s12, s12, $0xb8;
	[tilespmem:$0x5708] =	vst v63  }
0x142: {  	s10 =	rddreg [dreg:$0xa]  }
0x143: {  	[spmem:s9] =	stream.indirect.scatter.add.f32 [tilespmem:s11], [sflag:$0x2], $0x1, s10, s12, $0xb8;
	[tilespmem:$0x5708] =	vst v63  }
0x144: {  	s13 =	rddreg [dreg:$0xb]  }
0x145: {  	[spmem:s8] =	stream.indirect.scatter.add.f32 [tilespmem:s11], [sflag:$0x1], $0x1, s13, s12, $0xb8;
	[tilespmem:$0x5708] =	vst v63  }
0x146: {  	_ = 	snop  }
0x147: {  	[spmem:s9] =	stream.indirect.scatter.add.f32 [tilespmem:s11], [sflag:$0x2], $0x1, s14, s12, $0xb8;
	[tilespmem:$0x5708] =	vst v63  }
0x148: {  	_ = 	snop  }
0x149: {  	[spmem:s8] =	stream.indirect.scatter.add.f32 [tilespmem:s11], [sflag:$0x1], $0x1, s15, s12, $0xb8;
	[tilespmem:$0x5708] =	vst v63  }
0x14a: {  	_ = 	snop  }
0x14b: {  	[spmem:s9] =	stream.indirect.scatter.add.f32 [tilespmem:s11], [sflag:$0x2], $0x1, s16, s12, $0xb8;
	[tilespmem:$0x5708] =	vst v63  }
0x14c: {  	_ = 	snop  }
0x14d: {  	[spmem:s8] =	stream.indirect.scatter.add.f32 [tilespmem:s11], [sflag:$0x1], $0x1, s17, s12, $0xb8;
	[tilespmem:$0x5708] =	vst v63  }
0x14e: {  	_ = 	snop  }
0x14f: {  	[spmem:s9] =	stream.indirect.scatter.add.f32 [tilespmem:s11], [sflag:$0x2], $0x1, s18, s12, $0xb8;
	[tilespmem:$0x5708] =	vst v63  }
0x150: {  	_ = 	snop  }
0x151: {  	[spmem:s8] =	stream.indirect.scatter.add.f32 [tilespmem:s11], [sflag:$0x1], $0x1, s19, s12, $0xb8;
	[tilespmem:$0x5708] =	vst v63  }
0x152: {  	_ = 	snop  }
0x153: {  	[spmem:s9] =	stream.indirect.scatter.add.f32 [tilespmem:s11], [sflag:$0x2], $0x1, s20, s12, $0xb8;
	[tilespmem:$0x5708] =	vst v63  }
0x154: {  	_ = 	snop  }
0x155: {  	[spmem:s8] =	stream.indirect.scatter.add.f32 [tilespmem:s11], [sflag:$0x1], $0x1, s21, s12, $0xb8;
	[tilespmem:$0x5708] =	vst v63  }
0x156: {  	_ = 	snop  }
0x157: {  	[spmem:s9] =	stream.indirect.scatter.add.f32 [tilespmem:s11], [sflag:$0x2], $0x1, s22, s12, $0xb8;
	[tilespmem:$0x5708] =	vst v63  }
0x158: {  	_ = 	snop  }
0x159: {  	[spmem:s8] =	stream.indirect.scatter.add.f32 [tilespmem:s11], [sflag:$0x1], $0x1, s23, s12, $0xb8;
	[tilespmem:$0x5708] =	vst v63  }
0x15a: {  	_ = 	snop  }
0x15b: {  	[spmem:s9] =	stream.indirect.scatter.add.f32 [tilespmem:s11], [sflag:$0x2], $0x1, s24, s12, $0xb8;
	[tilespmem:$0x5708] =	vst v63  }
0x15c: {  	_ = 	snop  }
0x15d: {  	[spmem:s8] =	stream.indirect.scatter.add.f32 [tilespmem:s11], [sflag:$0x1], $0x1, s25, s12, $0xb8;
	[tilespmem:$0x5708] =	vst v63  }
0x15e: {  	_ = 	snop  }
0x15f: {  	[spmem:s9] =	stream.indirect.scatter.add.f32 [tilespmem:s11], [sflag:$0x2], $0x1, s26, s12, $0xb8;
	[tilespmem:$0x5708] =	vst v63  }
0x160: {  	_ = 	snop  }
0x161: {  	[spmem:s8] =	stream.indirect.scatter.add.f32 [tilespmem:s11], [sflag:$0x1], $0x1, s28, s12, $0xb8;
	[tilespmem:$0x5708] =	vst v63  }
0x162: {  	_ = 	snop  }
0x163: {  	[spmem:s9] =	stream.indirect.scatter.add.f32 [tilespmem:s11], [sflag:$0x2], $0x1, s29, s12, $0xb8;
	[tilespmem:$0x5708] =	vst v63  }
0x164: {  	_ =	swait.ge [sflag:s5], $0x3E8  }
0x165: {  	[sflag:s5] =	ssyncset.done $0x0  }
0x166: {  	[sflag:s5] =	ssyncadd.s32 $0xFFFFFC18  }
0x167: {  	_ =	swait.ge [sflag:s4], $0x3E8  }
0x168: {  	[sflag:s4] =	ssyncset.done $0x0  }
0x169: {  	[sflag:s4] =	ssyncadd.s32 $0xFFFFFC18  }
0x16a: {  	_ =	swait.ge [sflag:s5], $0x3E8  }
0x16b: {  	[sflag:s5] =	ssyncset.done $0x0  }
0x16c: {  	[sflag:s5] =	ssyncadd.s32 $0xFFFFFC18  }
0x16d: {  	_ =	swait.ge [sflag:s4], $0x3E8  }
0x16e: {  	[sflag:s4] =	ssyncset.done $0x0  }
0x16f: {  	[sflag:s4] =	ssyncadd.s32 $0xFFFFFC18  }
0x170: {  	_ =	swait.ge [sflag:s5], $0x3E8  }
0x171: {  	[sflag:s5] =	ssyncset.done $0x0  }
0x172: {  	[sflag:s5] =	ssyncadd.s32 $0xFFFFFC18  }
0x173: {  	_ =	swait.ge [sflag:s4], $0x3E8  }
0x174: {  	[sflag:s4] =	ssyncset.done $0x0  }
0x175: {  	[sflag:s4] =	ssyncadd.s32 $0xFFFFFC18  }
0x176: {  	_ =	swait.ge [sflag:s5], $0x3E8  }
0x177: {  	[sflag:s5] =	ssyncset.done $0x0  }
0x178: {  	[sflag:s5] =	ssyncadd.s32 $0xFFFFFC18  }
0x179: {  	_ =	swait.ge [sflag:s4], $0x3E8  }
0x17a: {  	[sflag:s4] =	ssyncset.done $0x0  }
0x17b: {  	[sflag:s4] =	ssyncadd.s32 $0xFFFFFC18  }
0x17c: {  	_ =	swait.ge [sflag:s5], $0x3E8  }
0x17d: {  	[sflag:s5] =	ssyncset.done $0x0  }
0x17e: {  	[sflag:s5] =	ssyncadd.s32 $0xFFFFFC18  }
0x17f: {  	_ =	swait.ge [sflag:s4], $0x3E8  }
0x180: {  	[sflag:s4] =	ssyncset.done $0x0  }
0x181: {  	[sflag:s4] =	ssyncadd.s32 $0xFFFFFC18  }
0x182: {  	_ =	swait.ge [sflag:s5], $0x3E8  }
0x183: {  	[sflag:s5] =	ssyncset.done $0x0  }
0x184: {  	[sflag:s5] =	ssyncadd.s32 $0xFFFFFC18  }
0x185: {  	_ =	swait.ge [sflag:s4], $0x3E8  }
0x186: {  	[sflag:s4] =	ssyncset.done $0x0  }
0x187: {  	[sflag:s4] =	ssyncadd.s32 $0xFFFFFC18  }
0x188: {  	_ =	swait.ge [sflag:s5], $0x3E8  }
0x189: {  	[sflag:s5] =	ssyncset.done $0x0  }
0x18a: {  	[sflag:s5] =	ssyncadd.s32 $0xFFFFFC18  }
0x18b: {  	_ =	swait.ge [sflag:s4], $0x3E8  }
0x18c: {  	[sflag:s4] =	ssyncset.done $0x0  }
0x18d: {  	[sflag:s4] =	ssyncadd.s32 $0xFFFFFC18  }
0x18e: {  	_ =	swait.ge [sflag:s5], $0x3E8  }
0x18f: {  	[sflag:s5] =	ssyncset.done $0x0  }
0x190: {  	[sflag:s5] =	ssyncadd.s32 $0xFFFFFC18  }
0x191: {  	_ =	swait.ge [sflag:s4], $0x3E8  }
0x192: {  	[sflag:s4] =	ssyncset.done $0x0  }
0x193: {  	[sflag:s4] =	ssyncadd.s32 $0xFFFFFC18  }
0x194: {  	_ =	swait.ge [sflag:s5], $0x3E8  }
0x195: {  	[sflag:s5] =	ssyncset.done $0x0  }
0x196: {  	[sflag:s5] =	ssyncadd.s32 $0xFFFFFC18  }
0x197: {  	_ =	swait.ge [sflag:s4], $0x3E8  }
0x198: {  	[sflag:s4] =	ssyncset.done $0x0  }
0x199: {  	[sflag:s4] =	ssyncadd.s32 $0xFFFFFC18  }
0x19a: {  	_ =	swait.ge [sflag:s5], $0x3E8  }
0x19b: {  	[sflag:s5] =	ssyncset.done $0x0  }
0x19c: {  	[sflag:s5] =	ssyncadd.s32 $0xFFFFFC18  }
0x19d: {  	_ =	swait.ge [sflag:s4], $0x3E8  }
0x19e: {  	[sflag:s4] =	ssyncset.done $0x0  }
0x19f: {  	[sflag:s4] =	ssyncadd.s32 $0xFFFFFC18  }
0x1a0: {  	[bflag:$0x0] =	sbarrier.arrive $0xFFFF  }
0x1a1: {  	s30 =	sor.u32 $0x1C01, s3;
	s29 =	rddreg [dreg:$0x8]  }
0x1a2: {  	[hbm:s29], [sflag:s30] =	dma.local [spmem:s7], $0x50  }
0x1a3: {  	s0 =	rddreg [dreg:$0x9]  }
0x1a4: {  	[hbm:s0], [sflag:s2] =	dma.local [spmem:s6], $0x50  }
0x1a5: {  	_ =	swait.ge [sflag:s5], $0x50  }
0x1a6: {  	[sflag:s5] =	ssyncset.done $0x0  }
0x1a7: {  	[sflag:s5] =	ssyncadd.s32 $0xFFFFFFB0  }
0x1a8: {  	_ =	swait.ge [sflag:s4], $0x50  }
0x1a9: {  	[sflag:s4] =	ssyncset.done $0x0  }
0x1aa: {  	[sflag:s4] =	ssyncadd.s32 $0xFFFFFFB0  }
0x1ab: {  	_ =	sfence.sel $0x180000  }
0x1ac: {  	[bflag:$0x0] =	sbarrier.arrive $0xFFFF  }
0x1ad: {  	_ =	strace $0x90000047  }
0x1ae: {  	[bflag:$0x2] =	sbarrier.arrive $0xFFFF  }
0x1af: {  	p0 =	sne.s32 s31, $0x0;
	s0 =	rddreg [dreg:$0x4]  }
0x1b0: {  	s0 =	sadd.s32 @!p0 $0x100000, s0  }
0x1b1: {  	[sflag:s0] =	ssyncadd.tile.s32 @!p0 $0x1;
	_ =	shalt  }
.LBB2_2:
.Ltmp3:
0x1b2: {  	(pc) =	sbr.rel .LBB2_5-.Ltmp3, $2  }
0x1b3: {  	_ =	sdelay $0x2  }
0x1b4: {  	s31 =	stileid.u32;
	s3 =	rddreg [dreg:$0xc]  }
.Lfunc_end2:
_tile_overlayer_lowered:
.L_overlay_start_2:
0x1b5: {  	(tag) =	ssettag $0x2  }
0x1b6: {  	s0 =	rddreg [dreg:$0x0];
	s2 =	stileid.u32  }
0x1b7: {  	s1 =	rddreg [dreg:$0x1];
	p0 =	sne.s32 s2, $0x0  }
0x1b8: {  	s3 =	rddreg [dreg:$0x2];
	[bflag:$0x3] =	sbarrier.arrive $0xFFFF;
	s2 =	simm.s32 @!p0 $0x1C03  }
0x1b9: {  	[timem:s3], [sflag:s2] =	dma.local @!p0 [hbm:s0], s1  }
0x1ba: {  	s0 =	simm.s32 @!p0 $0x3  }
0x1bb: {  	_ =	swait.ge @!p0 [sflag:s0], s1  }
0x1bc: {  	s1 =	ssub.s32 @!p0 $0x0, s1;
	[sflag:s0] =	ssyncset.done @!p0 $0x0  }
0x1bd: {  	[sflag:s0] =	ssyncadd.s32 @!p0 s1  }
0x1be: {  	[bflag:$0x3] =	sbarrier.arrive $0xFFFF  }
0x1bf: {  	_ =	shalt  }

</sc_bundles>
